<compile_context>
chip_gen: v7x
topology: tpu7x:2x2x1
jax: 0.10.2.dev20260603
libtpu: 0.0.44.dev20260713+nightly
codegen_flags: <defaults>
</compile_context>

<pallas_src>
import functools

import jax
import jax.numpy as jnp
from jax import lax
from jax.experimental import pallas as pl
from jax.experimental.pallas import tpu as pltpu
from jax.experimental.pallas import tpu_sc as plsc

F32 = jnp.float32
I32 = jnp.int32
HI = lax.Precision.HIGHEST
EPS = 1e-5


def _fps_body(x48_ref, o3_ref, oT_ref, *, npoint, nbatch):
    X = x48_ref[...]
    Bv = nbatch
    Nv = X.shape[1]
    lane = lax.broadcasted_iota(I32, (Bv, Nv), 1)
    lane48 = lax.broadcasted_iota(I32, (3 * Bv, Nv), 1)
    rec_lane = lax.broadcasted_iota(I32, (3 * Bv, npoint), 1)

    def body(i, c):
        dist, far, crec = c
        far48 = jnp.concatenate([far, far, far], 0)
        cents = jnp.sum(jnp.where(lane48 == far48, X, 0.0), 1, keepdims=True)
        crec = jnp.where(rec_lane == i, cents, crec)
        sq = (X - cents) ** 2
        d = (sq[0:Bv, :] + sq[Bv:2 * Bv, :]) + sq[2 * Bv:3 * Bv, :]
        dist = jnp.minimum(dist, d)
        mx = jnp.max(dist, 1, keepdims=True)
        far = jnp.min(jnp.where(dist == mx, lane, Nv), 1, keepdims=True)
        return dist, far, crec

    init = (
        jnp.full((Bv, Nv), 1e10, F32),
        jnp.zeros((Bv, 1), I32),
        jnp.zeros((3 * Bv, npoint), F32),
    )
    _, _, crec = lax.fori_loop(0, npoint, body, init)
    for c in range(3):
        o3_ref[:, c, :] = crec[c * Bv:(c + 1) * Bv, :]
        oT_ref[:, :, c] = crec[c * Bv:(c + 1) * Bv, :]


def _fps(xyz3n, npoint):
    B, _, N = xyz3n.shape
    x48 = jnp.transpose(xyz3n, (1, 0, 2)).reshape(3 * B, N)
    return pl.pallas_call(
        functools.partial(_fps_body, npoint=npoint, nbatch=B),
        out_shape=(
            jax.ShapeDtypeStruct((B, 3, npoint), F32),
            jax.ShapeDtypeStruct((B, npoint, 3), F32),
        ),
    )(x48)


def _sc_gather(table, idx, chunk=2048):
    info = plsc.get_sparse_core_info()
    NW = info.num_cores * info.num_subcores
    R = idx.shape[0]
    D = table.shape[1]
    b_per_w = R // NW
    nch = b_per_w // chunk
    mesh = plsc.VectorSubcoreMesh(core_axis_name="c", subcore_axis_name="s")

    @functools.partial(
        pl.kernel,
        mesh=mesh,
        compiler_params=pltpu.CompilerParams(use_tc_tiling_on_sc=False),
        out_type=jax.ShapeDtypeStruct((R, D), jnp.float32),
        scratch_types=[
            pltpu.VMEM((chunk,), jnp.int32),
            pltpu.VMEM((chunk, D), jnp.float32),
            pltpu.SemaphoreType.DMA,
        ],
    )
    def k(table_hbm, idx_hbm, out_hbm, idx_v, rows_v, sem):
        wid = lax.axis_index("s") * info.num_cores + lax.axis_index("c")
        base = wid * b_per_w
        for j in range(nch):
            off = base + j * chunk
            pltpu.sync_copy(idx_hbm.at[pl.ds(off, chunk)], idx_v)
            pltpu.async_copy(table_hbm.at[idx_v], rows_v, sem).wait()
            pltpu.sync_copy(rows_v, out_hbm.at[pl.ds(off, chunk)])

    return k(table, idx)


def _knn_body(p_ref, q_ref, idx_ref, *, k, offset):
    p = p_ref[0]
    q = q_ref[0]
    NP = q.shape[0]
    N = p.shape[1]
    px = p[0:1, :]
    py = p[1:2, :]
    pz = p[2:3, :]
    qx = q[:, 0:1]
    qy = q[:, 1:2]
    qz = q[:, 2:3]
    sqq = (qx * qx + qy * qy) + qz * qz
    sqp = (px * px + py * py) + pz * pz
    P = jnp.dot(q, p, preferred_element_type=F32,
                precision=lax.Precision.DEFAULT)
    D = (sqq + sqp) - 2.0 * P
    lane = lax.broadcasted_iota(I32, (NP, N), 1)
    kl = lax.broadcasted_iota(I32, (NP, k), 1)

    def body(j, c):
        D, acc = c
        m = jnp.min(D, 1, keepdims=True)
        sel = jnp.min(jnp.where(D == m, lane, N), 1, keepdims=True)
        acc = jnp.where(kl == j, sel, acc)
        D = jnp.where(lane == sel, jnp.inf, D)
        return D, acc

    _, acc = lax.fori_loop(0, k, body, (D, jnp.zeros((NP, k), I32)))
    if offset:
        acc = acc + pl.program_id(0) * N
    idx_ref[0] = acc


def _knn_all_body(p_ref, q_ref, idx_ref, *, k, nbatch):
    NP = q_ref.shape[1]
    N = p_ref.shape[2]
    rows = nbatch * NP
    Ps, sqqs, sqps = [], [], []
    for b in range(nbatch):
        qb = q_ref[b]
        pb = p_ref[b]
        Ps.append(jnp.dot(qb, pb, preferred_element_type=F32,
                          precision=lax.Precision.DEFAULT))
        qx, qy, qz = qb[:, 0:1], qb[:, 1:2], qb[:, 2:3]
        px, py, pz = pb[0:1, :], pb[1:2, :], pb[2:3, :]
        sqqs.append((qx * qx + qy * qy) + qz * qz)
        sqps.append(jnp.broadcast_to((px * px + py * py) + pz * pz, (NP, N)))
    P = jnp.concatenate(Ps, 0)
    sqq = jnp.concatenate(sqqs, 0)
    sqp = jnp.concatenate(sqps, 0)
    D = (sqq + sqp) - 2.0 * P
    lane = lax.broadcasted_iota(I32, (rows, N), 1)
    kl = lax.broadcasted_iota(I32, (rows, k), 1)

    def body(j, c):
        D, acc = c
        m = jnp.min(D, 1, keepdims=True)
        sel = jnp.min(jnp.where(D == m, lane, N), 1, keepdims=True)
        acc = jnp.where(kl == j, sel, acc)
        D = jnp.where(lane == sel, jnp.inf, D)
        return D, acc

    _, acc = lax.fori_loop(0, k, body, (D, jnp.zeros((rows, k), I32)))
    idx_ref[...] = acc.reshape(nbatch, NP, k)


def _knn_all(p3n, qT, k):
    B, _, N = p3n.shape
    NP = qT.shape[1]
    return pl.pallas_call(
        functools.partial(_knn_all_body, k=k, nbatch=B),
        out_shape=jax.ShapeDtypeStruct((B, NP, k), I32),
    )(p3n, qT)


def _knn(p3n, qT, k, offset=False):
    B, _, N = p3n.shape
    NP = qT.shape[1]
    return pl.pallas_call(
        functools.partial(_knn_body, k=k, offset=offset),
        grid=(B,),
        in_specs=[
            pl.BlockSpec((1, 3, N), lambda i: (i, 0, 0)),
            pl.BlockSpec((1, NP, 3), lambda i: (i, 0, 0)),
        ],
        out_specs=pl.BlockSpec((1, NP, k), lambda i: (i, 0, 0)),
        out_shape=jax.ShapeDtypeStruct((B, NP, k), I32),
    )(p3n, qT)


def _g1post_body(g_ref, q_ref, w_ref, b_ref, y_ref, s_ref, ss_ref, *, ksamp):
    g = g_ref[0]
    R, Dp = g.shape
    q = q_ref[0]
    nq = q.shape[0]
    qb = jnp.broadcast_to(q[:, None, :], (nq, ksamp, 3)).reshape(R, 3)
    x0 = g - jnp.concatenate([qb, jnp.zeros((R, Dp - 3), F32)], axis=1)
    y = jnp.dot(x0, w_ref[...], preferred_element_type=F32,
                precision=lax.Precision.DEFAULT) + b_ref[...]
    y_ref[0] = y

    @pl.when((pl.program_id(0) == 0) & (pl.program_id(1) == 0))
    def _():
        s_ref[...] = jnp.zeros_like(s_ref)
        ss_ref[...] = jnp.zeros_like(ss_ref)

    s_ref[...] += jnp.sum(y, 0, keepdims=True)
    ss_ref[...] += jnp.sum(y * y, 0, keepdims=True)


def _g1post(g, qT, Wp, b, ksamp, rows_per_chunk):
    B, RT, Dp = g.shape
    C = Wp.shape[1]
    nch = RT // rows_per_chunk
    qch = rows_per_chunk // ksamp
    return pl.pallas_call(
        functools.partial(_g1post_body, ksamp=ksamp),
        grid=(B, nch),
        in_specs=[
            pl.BlockSpec((1, rows_per_chunk, Dp), lambda i, j: (i, j, 0)),
            pl.BlockSpec((1, qch, 3), lambda i, j: (i, j, 0)),
            pl.BlockSpec((Dp, C), lambda i, j: (0, 0)),
            pl.BlockSpec((1, C), lambda i, j: (0, 0)),
        ],
        out_specs=(
            pl.BlockSpec((1, rows_per_chunk, C), lambda i, j: (i, j, 0)),
            pl.BlockSpec((1, C), lambda i, j: (0, 0)),
            pl.BlockSpec((1, C), lambda i, j: (0, 0)),
        ),
        out_shape=(
            jax.ShapeDtypeStruct((B, RT, C), F32),
            jax.ShapeDtypeStruct((1, C), F32),
            jax.ShapeDtypeStruct((1, C), F32),
        ),
    )(g, qT, Wp, b)


def _g2_body(idx_ref, tab_ref, q_ref, w_ref, b_ref, y_ref, s_ref, ss_ref, *, ksamp):
    idxc = idx_ref[0]
    R = idxc.shape[0]
    N = tab_ref.shape[1]
    S = (idxc == lax.broadcasted_iota(I32, (R, N), 1)).astype(F32)
    g = jnp.dot(S, tab_ref[0], preferred_element_type=F32, precision=HI)
    Cin = g.shape[1]
    q = q_ref[0]
    nq = q.shape[0]
    qb = jnp.broadcast_to(q[:, None, :], (nq, ksamp, 3)).reshape(R, 3)
    x = g - jnp.concatenate([qb, jnp.zeros((R, Cin - 3), F32)], axis=1)
    y = jnp.dot(x, w_ref[...], preferred_element_type=F32,
                precision=lax.Precision.DEFAULT) + b_ref[...]
    y_ref[0] = y

    @pl.when((pl.program_id(0) == 0) & (pl.program_id(1) == 0))
    def _():
        s_ref[...] = jnp.zeros_like(s_ref)
        ss_ref[...] = jnp.zeros_like(ss_ref)

    s_ref[...] += jnp.sum(y, 0, keepdims=True)
    ss_ref[...] += jnp.sum(y * y, 0, keepdims=True)


def _gather2_mlp(idxf, tab, qT, W, b, ksamp, rows_per_chunk):
    B, RT, _ = idxf.shape
    N, Cin = tab.shape[1], tab.shape[2]
    C = W.shape[1]
    nch = RT // rows_per_chunk
    qch = rows_per_chunk // ksamp
    return pl.pallas_call(
        functools.partial(_g2_body, ksamp=ksamp),
        grid=(B, nch),
        in_specs=[
            pl.BlockSpec((1, rows_per_chunk, 1), lambda i, j: (i, j, 0)),
            pl.BlockSpec((1, N, Cin), lambda i, j: (i, 0, 0)),
            pl.BlockSpec((1, qch, 3), lambda i, j: (i, j, 0)),
            pl.BlockSpec((Cin, C), lambda i, j: (0, 0)),
            pl.BlockSpec((1, C), lambda i, j: (0, 0)),
        ],
        out_specs=(
            pl.BlockSpec((1, rows_per_chunk, C), lambda i, j: (i, j, 0)),
            pl.BlockSpec((1, C), lambda i, j: (0, 0)),
            pl.BlockSpec((1, C), lambda i, j: (0, 0)),
        ),
        out_shape=(
            jax.ShapeDtypeStruct((B, RT, C), F32),
            jax.ShapeDtypeStruct((1, C), F32),
            jax.ShapeDtypeStruct((1, C), F32),
        ),
    )(idxf, tab, qT, W, b)


def _bnmm_body(y_ref, sc_ref, sh_ref, w_ref, b_ref, z_ref, s_ref, ss_ref):
    h = jnp.maximum(y_ref[0] * sc_ref[...] + sh_ref[...], 0.0)
    z = jnp.dot(h, w_ref[...], preferred_element_type=F32,
                precision=lax.Precision.DEFAULT) + b_ref[...]
    z_ref[0] = z

    @pl.when((pl.program_id(0) == 0) & (pl.program_id(1) == 0))
    def _():
        s_ref[...] = jnp.zeros_like(s_ref)
        ss_ref[...] = jnp.zeros_like(ss_ref)

    s_ref[...] += jnp.sum(z, 0, keepdims=True)
    ss_ref[...] += jnp.sum(z * z, 0, keepdims=True)


def _bn_mlp(y, scale, shift, W, b, rows_per_chunk):
    B, RT, Cin = y.shape
    C = W.shape[1]
    nch = RT // rows_per_chunk
    return pl.pallas_call(
        _bnmm_body,
        grid=(B, nch),
        in_specs=[
            pl.BlockSpec((1, rows_per_chunk, Cin), lambda i, j: (i, j, 0)),
            pl.BlockSpec((1, Cin), lambda i, j: (0, 0)),
            pl.BlockSpec((1, Cin), lambda i, j: (0, 0)),
            pl.BlockSpec((Cin, C), lambda i, j: (0, 0)),
            pl.BlockSpec((1, C), lambda i, j: (0, 0)),
        ],
        out_specs=(
            pl.BlockSpec((1, rows_per_chunk, C), lambda i, j: (i, j, 0)),
            pl.BlockSpec((1, C), lambda i, j: (0, 0)),
            pl.BlockSpec((1, C), lambda i, j: (0, 0)),
        ),
        out_shape=(
            jax.ShapeDtypeStruct((B, RT, C), F32),
            jax.ShapeDtypeStruct((1, C), F32),
            jax.ShapeDtypeStruct((1, C), F32),
        ),
    )(y, scale, shift, W, b)


def _mm_body(x_ref, w_ref, b_ref, z_ref, s_ref, ss_ref):
    z = jnp.dot(x_ref[0], w_ref[...], preferred_element_type=F32,
                precision=lax.Precision.DEFAULT) + b_ref[...]
    z_ref[0] = z

    @pl.when(pl.program_id(0) == 0)
    def _():
        s_ref[...] = jnp.zeros_like(s_ref)
        ss_ref[...] = jnp.zeros_like(ss_ref)

    s_ref[...] += jnp.sum(z, 0, keepdims=True)
    ss_ref[...] += jnp.sum(z * z, 0, keepdims=True)


def _mm_stats(x, W, b):
    B, RT, Cin = x.shape
    C = W.shape[1]
    return pl.pallas_call(
        _mm_body,
        grid=(B,),
        in_specs=[
            pl.BlockSpec((1, RT, Cin), lambda i: (i, 0, 0)),
            pl.BlockSpec((Cin, C), lambda i: (0, 0)),
            pl.BlockSpec((1, C), lambda i: (0, 0)),
        ],
        out_specs=(
            pl.BlockSpec((1, RT, C), lambda i: (i, 0, 0)),
            pl.BlockSpec((1, C), lambda i: (0, 0)),
            pl.BlockSpec((1, C), lambda i: (0, 0)),
        ),
        out_shape=(
            jax.ShapeDtypeStruct((B, RT, C), F32),
            jax.ShapeDtypeStruct((1, C), F32),
            jax.ShapeDtypeStruct((1, C), F32),
        ),
    )(x, W, b)


def _maxcat_body(y_ref, sc_ref, sh_ref, q_ref, o_ref, *, ksamp, center):
    h = jnp.maximum(y_ref[0] * sc_ref[...] + sh_ref[...], 0.0)
    R, C = h.shape
    nq = R // ksamp
    p = jnp.max(h.reshape(nq, ksamp, C), axis=1)
    q = q_ref[0]
    if center:
        q = q - jnp.mean(q, axis=0, keepdims=True)
    o_ref[0] = jnp.concatenate([q, p], axis=1)


def _max_cat(y, scale, shift, qT, ksamp, q_chunk, center=False):
    B, RT, C = y.shape
    nq_total = RT // ksamp
    nch = nq_total // q_chunk
    rows = q_chunk * ksamp
    return pl.pallas_call(
        functools.partial(_maxcat_body, ksamp=ksamp, center=center),
        grid=(B, nch),
        in_specs=[
            pl.BlockSpec((1, rows, C), lambda i, j: (i, j, 0)),
            pl.BlockSpec((1, C), lambda i, j: (0, 0)),
            pl.BlockSpec((1, C), lambda i, j: (0, 0)),
            pl.BlockSpec((1, q_chunk, 3), lambda i, j: (i, j, 0)),
        ],
        out_specs=pl.BlockSpec((1, q_chunk, C + 3), lambda i, j: (i, j, 0)),
        out_shape=jax.ShapeDtypeStruct((B, nq_total, C + 3), F32),
    )(y, scale, shift, qT)


def _head_body(y_ref, sc_ref, sh_ref,
               w1_ref, b1_ref, g1_ref, be1_ref,
               w2_ref, b2_ref, g2_ref, be2_ref,
               w3_ref, b3_ref, o_ref):
    h = jnp.maximum(y_ref[...] * sc_ref[...] + sh_ref[...], 0.0)
    x = jnp.max(h, axis=1)

    def fc_bn(x, w, b, g, be):
        a = jnp.dot(x, w[...], preferred_element_type=F32,
                    precision=lax.Precision.DEFAULT) + b[...]
        m = jnp.mean(a, axis=0, keepdims=True)
        v = jnp.mean((a - m) ** 2, axis=0, keepdims=True)
        return jnp.maximum(g[...] * (a - m) / jnp.sqrt(v + EPS) + be[...], 0.0)

    x = fc_bn(x, w1_ref, b1_ref, g1_ref, be1_ref)
    x = fc_bn(x, w2_ref, b2_ref, g2_ref, be2_ref)
    o = jnp.dot(x, w3_ref[...], preferred_element_type=F32,
                precision=lax.Precision.DEFAULT) + b3_ref[...]
    o = o - jnp.max(o, axis=1, keepdims=True)
    o_ref[...] = o - jnp.log(jnp.sum(jnp.exp(o), axis=1, keepdims=True))


def _head(y9, scale, shift, fc1, fc2, fc3):
    B = y9.shape[0]
    nc = fc3['W'].shape[1]
    return pl.pallas_call(
        _head_body,
        out_shape=jax.ShapeDtypeStruct((B, nc), F32),
    )(y9, scale, shift,
      fc1['W'], fc1['b'][None, :], fc1['g'][None, :], fc1['be'][None, :],
      fc2['W'], fc2['b'][None, :], fc2['g'][None, :], fc2['be'][None, :],
      fc3['W'], fc3['b'][None, :])


def _finalize(s, ss, n, g, be):
    mean = s / n
    var = ss / n - mean * mean
    scale = g[None, :] / jnp.sqrt(var + EPS)
    shift = be[None, :] - mean * scale
    return scale, shift


def kernel(xyz, params):
    B, _, N = xyz.shape
    xyzT = jnp.transpose(xyz, (0, 2, 1))

    sa1 = params['sa1']
    q1_3, q1_T = _fps(xyz, 512)
    idx1 = _knn(xyz, q1_T, 32, offset=True)
    n1 = B * 512 * 32
    xyzP = jnp.concatenate([xyzT, jnp.zeros((B, N, 13), F32)], -1).reshape(B * N, 16)
    g1 = _sc_gather(xyzP, idx1.reshape(n1)).reshape(B, 512 * 32, 16)
    L = sa1[0]
    W1p = jnp.concatenate([L['W'], jnp.zeros((13, L['W'].shape[1]), F32)], 0)
    y1, s, ss = _g1post(g1, q1_T, W1p, L['b'][None, :], 32, 4096)
    sc, sh = _finalize(s, ss, n1, sa1[0]['g'], sa1[0]['be'])
    L = sa1[1]
    y2, s, ss = _bn_mlp(y1, sc, sh, L['W'], L['b'][None, :], 8192)
    sc, sh = _finalize(s, ss, n1, L['g'], L['be'])
    L = sa1[2]
    y3, s, ss = _bn_mlp(y2, sc, sh, L['W'], L['b'][None, :], 8192)
    sc, sh = _finalize(s, ss, n1, L['g'], L['be'])
    cat1 = _max_cat(y3, sc, sh, q1_T, 32, 256)

    sa2 = params['sa2']
    q2_3, q2_T = _fps(q1_3, 128)
    idx2 = _knn_all(q1_3, q2_T, 64)
    idx2f = idx2.reshape(B, 128 * 64, 1)
    n2 = B * 128 * 64
    L = sa2[0]
    y4, s, ss = _gather2_mlp(idx2f, cat1, q2_T, L['W'], L['b'][None, :], 64, 2048)
    sc, sh = _finalize(s, ss, n2, L['g'], L['be'])
    L = sa2[1]
    y5, s, ss = _bn_mlp(y4, sc, sh, L['W'], L['b'][None, :], 8192)
    sc, sh = _finalize(s, ss, n2, L['g'], L['be'])
    L = sa2[2]
    y6, s, ss = _bn_mlp(y5, sc, sh, L['W'], L['b'][None, :], 8192)
    sc, sh = _finalize(s, ss, n2, L['g'], L['be'])
    cat2 = _max_cat(y6, sc, sh, q2_T, 64, 128, center=True)

    sa3 = params['sa3']
    n3 = B * 128
    L = sa3[0]
    y7, s, ss = _mm_stats(cat2, L['W'], L['b'][None, :])
    sc, sh = _finalize(s, ss, n3, L['g'], L['be'])
    L = sa3[1]
    y8, s, ss = _bn_mlp(y7, sc, sh, L['W'], L['b'][None, :], 128)
    sc, sh = _finalize(s, ss, n3, L['g'], L['be'])
    L = sa3[2]
    y9, s, ss = _bn_mlp(y8, sc, sh, L['W'], L['b'][None, :], 128)
    sc, sh = _finalize(s, ss, n3, L['g'], L['be'])

    return _head(y9, sc, sh, params['fc1'], params['fc2'], params['fc3'])

# --- scband reference (transcript-rebuilt; emitter-appended) ---
"""Pipeline reference for scband-point-net2-7593502179647 (READ-ONLY COPY).

The authoritative reference and input builder live on the scoring server;
editing this copy changes nothing except your own understanding.
"""

import jax, jax.numpy as jnp
from jax import lax
import numpy as np

B = 16
N = 4096
NUM_CLASSES = 40

def square_distance(src, dst):
    return jnp.sum(src ** 2, -1)[:, :, None] + jnp.sum(dst ** 2, -1)[:, None, :] - 2.0 * jnp.einsum('bnc,bmc->bnm', src, dst)

def index_points(points, idx):
    return jax.vmap(lambda p, i: p[i])(points, idx)

def farthest_point_sample(xyz, npoint):
    Bx, Nx, _ = xyz.shape
    distance = jnp.full((Bx, Nx), 1e10, jnp.float32)
    farthest = jnp.zeros((Bx,), jnp.int32)
    def step(carry, _):
        dist_c, far_c = carry
        centroid = jnp.take_along_axis(xyz, far_c[:, None, None], axis=1)
        d = jnp.sum((xyz - centroid) ** 2, -1)
        dist_n = jnp.minimum(dist_c, d)
        far_n = jnp.argmax(dist_n, -1).astype(jnp.int32)
        return (dist_n, far_n), far_c
    _, cents = lax.scan(step, (distance, farthest), None, length=npoint)
    return jnp.transpose(cents)

def knn_point(nsample, xyz, new_xyz):
    d = square_distance(new_xyz, xyz)
    _, idx = lax.top_k(-d, nsample)
    return idx

def _bn(x, g, be, axes):
    m = jnp.mean(x, axis=axes, keepdims=True)
    v = jnp.var(x, axis=axes, keepdims=True)
    return g * (x - m) / jnp.sqrt(v + 1e-5) + be

def _sa(xyz, points, npoint, nsample, layers, group_all):
    if group_all:
        new_xyz = jnp.mean(xyz, axis=1, keepdims=True)
        grouped = xyz[:, None, :, :] - new_xyz[:, :, None, :]
        if points is not None:
            new_points = jnp.concatenate([grouped, points[:, None, :, :]], -1)
        else:
            new_points = grouped
    else:
        fps_idx = farthest_point_sample(xyz, npoint)
        new_xyz = index_points(xyz, fps_idx)
        idx = knn_point(nsample, xyz, new_xyz)
        grouped_xyz = index_points(xyz, idx)
        gxn = grouped_xyz - new_xyz[:, :, None, :]
        if points is not None:
            gp = index_points(points, idx)
            new_points = jnp.concatenate([gxn, gp], -1)
        else:
            new_points = gxn
    x = new_points
    for L in layers:
        x = x @ L['W'] + L['b']
        x = jax.nn.relu(_bn(x, L['g'], L['be'], (0, 1, 2)))
    return new_xyz, jnp.max(x, axis=2)

def _forward(xyz, params):
    l0_xyz = jnp.transpose(xyz, (0, 2, 1))
    l1_xyz, l1_p = _sa(l0_xyz, None, 512, 32, params['sa1'], False)
    l2_xyz, l2_p = _sa(l1_xyz, l1_p, 128, 64, params['sa2'], False)
    l3_xyz, l3_p = _sa(l2_xyz, l2_p, None, None, params['sa3'], True)
    x = l3_p.reshape((l3_p.shape[0], 1024))
    for name in ('fc1', 'fc2'):
        p = params[name]
        x = jax.nn.relu(_bn(x @ p['W'] + p['b'], p['g'], p['be'], (0,)))
    p = params['fc3']
    x = x @ p['W'] + p['b']
    return jax.nn.log_softmax(x, axis=-1)

def _mk_mlp(keys, chans):
    layers = []
    for i in range(len(chans) - 1):
        cin, cout = chans[i], chans[i + 1]
        W = jax.random.normal(keys[i], (cin, cout), jnp.float32) * (1.0 / np.sqrt(cin))
        layers.append({'W': W, 'b': jnp.zeros((cout,), jnp.float32), 'g': jnp.ones((cout,), jnp.float32), 'be': jnp.zeros((cout,), jnp.float32)})
    return layers

def setup_inputs(seed: int = 0):
    key = jax.random.key(seed)
    ks = jax.random.split(key, 16)
    xyz = jax.random.normal(ks[0], (B, 3, N), jnp.float32)
    params = {
        'sa1': _mk_mlp(ks[1:4], [3, 64, 64, 128]),
        'sa2': _mk_mlp(ks[4:7], [131, 128, 128, 256]),
        'sa3': _mk_mlp(ks[7:10], [259, 256, 512, 1024]),
        'fc1': {'W': jax.random.normal(ks[10], (1024, 512), jnp.float32) * (1.0 / np.sqrt(1024.0)), 'b': jnp.zeros((512,), jnp.float32), 'g': jnp.ones((512,), jnp.float32), 'be': jnp.zeros((512,), jnp.float32)},
        'fc2': {'W': jax.random.normal(ks[11], (512, 256), jnp.float32) * (1.0 / np.sqrt(512.0)), 'b': jnp.zeros((256,), jnp.float32), 'g': jnp.ones((256,), jnp.float32), 'be': jnp.zeros((256,), jnp.float32)},
        'fc3': {'W': jax.random.normal(ks[12], (256, NUM_CLASSES), jnp.float32) * (1.0 / np.sqrt(256.0)), 'b': jnp.zeros((NUM_CLASSES,), jnp.float32)},
    }
    return {'xyz': xyz, 'params': params}

def reference(xyz, params):
    return _forward(xyz, params)

if __name__ == "__main__":
    import jax
    _d = setup_inputs()
    print(jax.jit(kernel)(*tuple(_d.values())))

</pallas_src>

<mosaic_0001>
#map = affine_map<(d0, d1) -> (0, 0)>
#map1 = affine_map<(d0, d1) -> (0)>
module attributes {stable_mosaic.version = 14 : i64} {
  func.func @k(%arg0: i32, %arg1: i32, %arg2: memref<65536x16xf32, #tpu.memory_space<hbm>>, %arg3: memref<262144xi32, #tpu.memory_space<hbm>>, %arg4: memref<262144x16xf32, #tpu.memory_space<hbm>>, %arg5: memref<2048xi32, #tpu.memory_space<vmem>>, %arg6: memref<2048x16xf32, #tpu.memory_space<vmem>>, %arg7: memref<!tpu.dma_semaphore, #tpu.memory_space<semaphore_mem>>) attributes {dimension_semantics = [#tpu.dimension_semantics<core_parallel>, #tpu.dimension_semantics<subcore_parallel>], iteration_bounds = array<i64: 2, 16>, scalar_prefetch = 0 : i64, scratch_operands = 3 : i64, tpu.core_type = #tpu.core_type<sc_vector_subcore>, window_params = [{transform_indices = #map}, {transform_indices = #map1}, {transform_indices = #map}]} {
    %mul3A = arith.constant 2 : i32
    %mul3A_0 = arith.muli %arg1, %mul3A : i32
    %add3A = arith.addi %mul3A_0, %arg0 : i32
    %mul3A_1 = arith.constant 8192 : i32
    %mul3A_2 = arith.muli %add3A, %mul3A_1 : i32
    %add3A_3 = arith.constant 0 : i32
    %add3A_4 = arith.addi %mul3A_2, %add3A_3 : i32
    "tpu.region"() ({
      %run_scoped3A = tpu.sem_alloc : memref<!tpu.dma_semaphore, #tpu.memory_space<semaphore_mem>>
      %dma_start3A_33 = tpu.memref_slice %arg3[%add3A_4] : memref<262144xi32, #tpu.memory_space<hbm>> -> memref<2048xi32, #tpu.memory_space<hbm>>
      %dma_start3A_34 = tpu.memref_slice %arg3[%add3A_4] : memref<262144xi32, #tpu.memory_space<hbm>> -> memref<2048xi32, #tpu.memory_space<hbm>>
      tpu.enqueue_dma source(%dma_start3A_34 : memref<2048xi32, #tpu.memory_space<hbm>>) target(%arg5 : memref<2048xi32, #tpu.memory_space<vmem>>) target_semaphore(%run_scoped3A : memref<!tpu.dma_semaphore, #tpu.memory_space<semaphore_mem>>)
      %dma_wait3A_35 = tpu.memref_slice %arg3[%add3A_4] : memref<262144xi32, #tpu.memory_space<hbm>> -> memref<2048xi32, #tpu.memory_space<hbm>>
      %dma_wait3A_36 = tpu.memref_slice %arg3[%add3A_4] : memref<262144xi32, #tpu.memory_space<hbm>> -> memref<2048xi32, #tpu.memory_space<hbm>>
      tpu.wait_dma2 semaphore(%run_scoped3A : memref<!tpu.dma_semaphore, #tpu.memory_space<semaphore_mem>>) src(%dma_wait3A_36 : memref<2048xi32, #tpu.memory_space<hbm>>) dst(%arg5 : memref<2048xi32, #tpu.memory_space<vmem>>)
      tpu.yield
    }) : () -> ()
    %dma_start3A = arith.constant 0 : i32
    %dma_start3A_5 = arith.constant 0 : i32
    %dma_start3A_6 = tpu.memref_slice %arg2[%dma_start3A, %dma_start3A_5] : memref<65536x16xf32, #tpu.memory_space<hbm>> -> memref<65536x16xf32, #tpu.memory_space<hbm>>
    tpu.enqueue_indirect_dma source(%dma_start3A_6 : memref<65536x16xf32, #tpu.memory_space<hbm>>) target(%arg6 : memref<2048x16xf32, #tpu.memory_space<vmem>>) offsets(%arg5 : memref<2048xi32, #tpu.memory_space<vmem>>) semaphore(%arg7 : memref<!tpu.dma_semaphore, #tpu.memory_space<semaphore_mem>>)
    %dma_wait3A = arith.constant 0 : i32
    %dma_wait3A_7 = arith.constant 0 : i32
    %dma_wait3A_8 = tpu.memref_slice %arg2[%dma_wait3A, %dma_wait3A_7] : memref<65536x16xf32, #tpu.memory_space<hbm>> -> memref<65536x16xf32, #tpu.memory_space<hbm>>
    tpu.wait_indirect_dma semaphore(%arg7 : memref<!tpu.dma_semaphore, #tpu.memory_space<semaphore_mem>>) src(%dma_wait3A_8 : memref<65536x16xf32, #tpu.memory_space<hbm>>) dst(%arg6 : memref<2048x16xf32, #tpu.memory_space<vmem>>)
    "tpu.region"() ({
      %run_scoped3A = tpu.sem_alloc : memref<!tpu.dma_semaphore, #tpu.memory_space<semaphore_mem>>
      %dma_start3A_33 = arith.constant 0 : i32
      %dma_start3A_34 = tpu.memref_slice %arg4[%add3A_4, %dma_start3A_33] : memref<262144x16xf32, #tpu.memory_space<hbm>> -> memref<2048x16xf32, #tpu.memory_space<hbm>>
      %dma_start3A_35 = arith.constant 0 : i32
      %dma_start3A_36 = tpu.memref_slice %arg4[%add3A_4, %dma_start3A_35] : memref<262144x16xf32, #tpu.memory_space<hbm>> -> memref<2048x16xf32, #tpu.memory_space<hbm>>
      tpu.enqueue_dma source(%arg6 : memref<2048x16xf32, #tpu.memory_space<vmem>>) target(%dma_start3A_36 : memref<2048x16xf32, #tpu.memory_space<hbm>>) target_semaphore(%run_scoped3A : memref<!tpu.dma_semaphore, #tpu.memory_space<semaphore_mem>>)
      %dma_wait3A_37 = arith.constant 0 : i32
      %dma_wait3A_38 = tpu.memref_slice %arg4[%add3A_4, %dma_wait3A_37] : memref<262144x16xf32, #tpu.memory_space<hbm>> -> memref<2048x16xf32, #tpu.memory_space<hbm>>
      %dma_wait3A_39 = arith.constant 0 : i32
      %dma_wait3A_40 = tpu.memref_slice %arg4[%add3A_4, %dma_wait3A_39] : memref<262144x16xf32, #tpu.memory_space<hbm>> -> memref<2048x16xf32, #tpu.memory_space<hbm>>
      tpu.wait_dma2 semaphore(%run_scoped3A : memref<!tpu.dma_semaphore, #tpu.memory_space<semaphore_mem>>) src(%arg6 : memref<2048x16xf32, #tpu.memory_space<vmem>>) dst(%dma_wait3A_40 : memref<2048x16xf32, #tpu.memory_space<hbm>>)
      tpu.yield
    }) : () -> ()
    %add3A_9 = arith.constant 2048 : i32
    %add3A_10 = arith.addi %mul3A_2, %add3A_9 : i32
    "tpu.region"() ({
      %run_scoped3A = tpu.sem_alloc : memref<!tpu.dma_semaphore, #tpu.memory_space<semaphore_mem>>
      %dma_start3A_33 = tpu.memref_slice %arg3[%add3A_10] : memref<262144xi32, #tpu.memory_space<hbm>> -> memref<2048xi32, #tpu.memory_space<hbm>>
      %dma_start3A_34 = tpu.memref_slice %arg3[%add3A_10] : memref<262144xi32, #tpu.memory_space<hbm>> -> memref<2048xi32, #tpu.memory_space<hbm>>
      tpu.enqueue_dma source(%dma_start3A_34 : memref<2048xi32, #tpu.memory_space<hbm>>) target(%arg5 : memref<2048xi32, #tpu.memory_space<vmem>>) target_semaphore(%run_scoped3A : memref<!tpu.dma_semaphore, #tpu.memory_space<semaphore_mem>>)
      %dma_wait3A_35 = tpu.memref_slice %arg3[%add3A_10] : memref<262144xi32, #tpu.memory_space<hbm>> -> memref<2048xi32, #tpu.memory_space<hbm>>
      %dma_wait3A_36 = tpu.memref_slice %arg3[%add3A_10] : memref<262144xi32, #tpu.memory_space<hbm>> -> memref<2048xi32, #tpu.memory_space<hbm>>
      tpu.wait_dma2 semaphore(%run_scoped3A : memref<!tpu.dma_semaphore, #tpu.memory_space<semaphore_mem>>) src(%dma_wait3A_36 : memref<2048xi32, #tpu.memory_space<hbm>>) dst(%arg5 : memref<2048xi32, #tpu.memory_space<vmem>>)
      tpu.yield
    }) : () -> ()
    %dma_start3A_11 = arith.constant 0 : i32
    %dma_start3A_12 = arith.constant 0 : i32
    %dma_start3A_13 = tpu.memref_slice %arg2[%dma_start3A_11, %dma_start3A_12] : memref<65536x16xf32, #tpu.memory_space<hbm>> -> memref<65536x16xf32, #tpu.memory_space<hbm>>
    tpu.enqueue_indirect_dma source(%dma_start3A_13 : memref<65536x16xf32, #tpu.memory_space<hbm>>) target(%arg6 : memref<2048x16xf32, #tpu.memory_space<vmem>>) offsets(%arg5 : memref<2048xi32, #tpu.memory_space<vmem>>) semaphore(%arg7 : memref<!tpu.dma_semaphore, #tpu.memory_space<semaphore_mem>>)
    %dma_wait3A_14 = arith.constant 0 : i32
    %dma_wait3A_15 = arith.constant 0 : i32
    %dma_wait3A_16 = tpu.memref_slice %arg2[%dma_wait3A_14, %dma_wait3A_15] : memref<65536x16xf32, #tpu.memory_space<hbm>> -> memref<65536x16xf32, #tpu.memory_space<hbm>>
    tpu.wait_indirect_dma semaphore(%arg7 : memref<!tpu.dma_semaphore, #tpu.memory_space<semaphore_mem>>) src(%dma_wait3A_16 : memref<65536x16xf32, #tpu.memory_space<hbm>>) dst(%arg6 : memref<2048x16xf32, #tpu.memory_space<vmem>>)
    "tpu.region"() ({
      %run_scoped3A = tpu.sem_alloc : memref<!tpu.dma_semaphore, #tpu.memory_space<semaphore_mem>>
      %dma_start3A_33 = arith.constant 0 : i32
      %dma_start3A_34 = tpu.memref_slice %arg4[%add3A_10, %dma_start3A_33] : memref<262144x16xf32, #tpu.memory_space<hbm>> -> memref<2048x16xf32, #tpu.memory_space<hbm>>
      %dma_start3A_35 = arith.constant 0 : i32
      %dma_start3A_36 = tpu.memref_slice %arg4[%add3A_10, %dma_start3A_35] : memref<262144x16xf32, #tpu.memory_space<hbm>> -> memref<2048x16xf32, #tpu.memory_space<hbm>>
      tpu.enqueue_dma source(%arg6 : memref<2048x16xf32, #tpu.memory_space<vmem>>) target(%dma_start3A_36 : memref<2048x16xf32, #tpu.memory_space<hbm>>) target_semaphore(%run_scoped3A : memref<!tpu.dma_semaphore, #tpu.memory_space<semaphore_mem>>)
      %dma_wait3A_37 = arith.constant 0 : i32
      %dma_wait3A_38 = tpu.memref_slice %arg4[%add3A_10, %dma_wait3A_37] : memref<262144x16xf32, #tpu.memory_space<hbm>> -> memref<2048x16xf32, #tpu.memory_space<hbm>>
      %dma_wait3A_39 = arith.constant 0 : i32
      %dma_wait3A_40 = tpu.memref_slice %arg4[%add3A_10, %dma_wait3A_39] : memref<262144x16xf32, #tpu.memory_space<hbm>> -> memref<2048x16xf32, #tpu.memory_space<hbm>>
      tpu.wait_dma2 semaphore(%run_scoped3A : memref<!tpu.dma_semaphore, #tpu.memory_space<semaphore_mem>>) src(%arg6 : memref<2048x16xf32, #tpu.memory_space<vmem>>) dst(%dma_wait3A_40 : memref<2048x16xf32, #tpu.memory_space<hbm>>)
      tpu.yield
    }) : () -> ()
    %add3A_17 = arith.constant 4096 : i32
    %add3A_18 = arith.addi %mul3A_2, %add3A_17 : i32
    "tpu.region"() ({
      %run_scoped3A = tpu.sem_alloc : memref<!tpu.dma_semaphore, #tpu.memory_space<semaphore_mem>>
      %dma_start3A_33 = tpu.memref_slice %arg3[%add3A_18] : memref<262144xi32, #tpu.memory_space<hbm>> -> memref<2048xi32, #tpu.memory_space<hbm>>
      %dma_start3A_34 = tpu.memref_slice %arg3[%add3A_18] : memref<262144xi32, #tpu.memory_space<hbm>> -> memref<2048xi32, #tpu.memory_space<hbm>>
      tpu.enqueue_dma source(%dma_start3A_34 : memref<2048xi32, #tpu.memory_space<hbm>>) target(%arg5 : memref<2048xi32, #tpu.memory_space<vmem>>) target_semaphore(%run_scoped3A : memref<!tpu.dma_semaphore, #tpu.memory_space<semaphore_mem>>)
      %dma_wait3A_35 = tpu.memref_slice %arg3[%add3A_18] : memref<262144xi32, #tpu.memory_space<hbm>> -> memref<2048xi32, #tpu.memory_space<hbm>>
      %dma_wait3A_36 = tpu.memref_slice %arg3[%add3A_18] : memref<262144xi32, #tpu.memory_space<hbm>> -> memref<2048xi32, #tpu.memory_space<hbm>>
      tpu.wait_dma2 semaphore(%run_scoped3A : memref<!tpu.dma_semaphore, #tpu.memory_space<semaphore_mem>>) src(%dma_wait3A_36 : memref<2048xi32, #tpu.memory_space<hbm>>) dst(%arg5 : memref<2048xi32, #tpu.memory_space<vmem>>)
      tpu.yield
    }) : () -> ()
    %dma_start3A_19 = arith.constant 0 : i32
    %dma_start3A_20 = arith.constant 0 : i32
    %dma_start3A_21 = tpu.memref_slice %arg2[%dma_start3A_19, %dma_start3A_20] : memref<65536x16xf32, #tpu.memory_space<hbm>> -> memref<65536x16xf32, #tpu.memory_space<hbm>>
    tpu.enqueue_indirect_dma source(%dma_start3A_21 : memref<65536x16xf32, #tpu.memory_space<hbm>>) target(%arg6 : memref<2048x16xf32, #tpu.memory_space<vmem>>) offsets(%arg5 : memref<2048xi32, #tpu.memory_space<vmem>>) semaphore(%arg7 : memref<!tpu.dma_semaphore, #tpu.memory_space<semaphore_mem>>)
    %dma_wait3A_22 = arith.constant 0 : i32
    %dma_wait3A_23 = arith.constant 0 : i32
    %dma_wait3A_24 = tpu.memref_slice %arg2[%dma_wait3A_22, %dma_wait3A_23] : memref<65536x16xf32, #tpu.memory_space<hbm>> -> memref<65536x16xf32, #tpu.memory_space<hbm>>
    tpu.wait_indirect_dma semaphore(%arg7 : memref<!tpu.dma_semaphore, #tpu.memory_space<semaphore_mem>>) src(%dma_wait3A_24 : memref<65536x16xf32, #tpu.memory_space<hbm>>) dst(%arg6 : memref<2048x16xf32, #tpu.memory_space<vmem>>)
    "tpu.region"() ({
      %run_scoped3A = tpu.sem_alloc : memref<!tpu.dma_semaphore, #tpu.memory_space<semaphore_mem>>
      %dma_start3A_33 = arith.constant 0 : i32
      %dma_start3A_34 = tpu.memref_slice %arg4[%add3A_18, %dma_start3A_33] : memref<262144x16xf32, #tpu.memory_space<hbm>> -> memref<2048x16xf32, #tpu.memory_space<hbm>>
      %dma_start3A_35 = arith.constant 0 : i32
      %dma_start3A_36 = tpu.memref_slice %arg4[%add3A_18, %dma_start3A_35] : memref<262144x16xf32, #tpu.memory_space<hbm>> -> memref<2048x16xf32, #tpu.memory_space<hbm>>
      tpu.enqueue_dma source(%arg6 : memref<2048x16xf32, #tpu.memory_space<vmem>>) target(%dma_start3A_36 : memref<2048x16xf32, #tpu.memory_space<hbm>>) target_semaphore(%run_scoped3A : memref<!tpu.dma_semaphore, #tpu.memory_space<semaphore_mem>>)
      %dma_wait3A_37 = arith.constant 0 : i32
      %dma_wait3A_38 = tpu.memref_slice %arg4[%add3A_18, %dma_wait3A_37] : memref<262144x16xf32, #tpu.memory_space<hbm>> -> memref<2048x16xf32, #tpu.memory_space<hbm>>
      %dma_wait3A_39 = arith.constant 0 : i32
      %dma_wait3A_40 = tpu.memref_slice %arg4[%add3A_18, %dma_wait3A_39] : memref<262144x16xf32, #tpu.memory_space<hbm>> -> memref<2048x16xf32, #tpu.memory_space<hbm>>
      tpu.wait_dma2 semaphore(%run_scoped3A : memref<!tpu.dma_semaphore, #tpu.memory_space<semaphore_mem>>) src(%arg6 : memref<2048x16xf32, #tpu.memory_space<vmem>>) dst(%dma_wait3A_40 : memref<2048x16xf32, #tpu.memory_space<hbm>>)
      tpu.yield
    }) : () -> ()
    %add3A_25 = arith.constant 6144 : i32
    %add3A_26 = arith.addi %mul3A_2, %add3A_25 : i32
    "tpu.region"() ({
      %run_scoped3A = tpu.sem_alloc : memref<!tpu.dma_semaphore, #tpu.memory_space<semaphore_mem>>
      %dma_start3A_33 = tpu.memref_slice %arg3[%add3A_26] : memref<262144xi32, #tpu.memory_space<hbm>> -> memref<2048xi32, #tpu.memory_space<hbm>>
      %dma_start3A_34 = tpu.memref_slice %arg3[%add3A_26] : memref<262144xi32, #tpu.memory_space<hbm>> -> memref<2048xi32, #tpu.memory_space<hbm>>
      tpu.enqueue_dma source(%dma_start3A_34 : memref<2048xi32, #tpu.memory_space<hbm>>) target(%arg5 : memref<2048xi32, #tpu.memory_space<vmem>>) target_semaphore(%run_scoped3A : memref<!tpu.dma_semaphore, #tpu.memory_space<semaphore_mem>>)
      %dma_wait3A_35 = tpu.memref_slice %arg3[%add3A_26] : memref<262144xi32, #tpu.memory_space<hbm>> -> memref<2048xi32, #tpu.memory_space<hbm>>
      %dma_wait3A_36 = tpu.memref_slice %arg3[%add3A_26] : memref<262144xi32, #tpu.memory_space<hbm>> -> memref<2048xi32, #tpu.memory_space<hbm>>
      tpu.wait_dma2 semaphore(%run_scoped3A : memref<!tpu.dma_semaphore, #tpu.memory_space<semaphore_mem>>) src(%dma_wait3A_36 : memref<2048xi32, #tpu.memory_space<hbm>>) dst(%arg5 : memref<2048xi32, #tpu.memory_space<vmem>>)
      tpu.yield
    }) : () -> ()
    %dma_start3A_27 = arith.constant 0 : i32
    %dma_start3A_28 = arith.constant 0 : i32
    %dma_start3A_29 = tpu.memref_slice %arg2[%dma_start3A_27, %dma_start3A_28] : memref<65536x16xf32, #tpu.memory_space<hbm>> -> memref<65536x16xf32, #tpu.memory_space<hbm>>
    tpu.enqueue_indirect_dma source(%dma_start3A_29 : memref<65536x16xf32, #tpu.memory_space<hbm>>) target(%arg6 : memref<2048x16xf32, #tpu.memory_space<vmem>>) offsets(%arg5 : memref<2048xi32, #tpu.memory_space<vmem>>) semaphore(%arg7 : memref<!tpu.dma_semaphore, #tpu.memory_space<semaphore_mem>>)
    %dma_wait3A_30 = arith.constant 0 : i32
    %dma_wait3A_31 = arith.constant 0 : i32
    %dma_wait3A_32 = tpu.memref_slice %arg2[%dma_wait3A_30, %dma_wait3A_31] : memref<65536x16xf32, #tpu.memory_space<hbm>> -> memref<65536x16xf32, #tpu.memory_space<hbm>>
    tpu.wait_indirect_dma semaphore(%arg7 : memref<!tpu.dma_semaphore, #tpu.memory_space<semaphore_mem>>) src(%dma_wait3A_32 : memref<65536x16xf32, #tpu.memory_space<hbm>>) dst(%arg6 : memref<2048x16xf32, #tpu.memory_space<vmem>>)
    "tpu.region"() ({
      %run_scoped3A = tpu.sem_alloc : memref<!tpu.dma_semaphore, #tpu.memory_space<semaphore_mem>>
      %dma_start3A_33 = arith.constant 0 : i32
      %dma_start3A_34 = tpu.memref_slice %arg4[%add3A_26, %dma_start3A_33] : memref<262144x16xf32, #tpu.memory_space<hbm>> -> memref<2048x16xf32, #tpu.memory_space<hbm>>
      %dma_start3A_35 = arith.constant 0 : i32
      %dma_start3A_36 = tpu.memref_slice %arg4[%add3A_26, %dma_start3A_35] : memref<262144x16xf32, #tpu.memory_space<hbm>> -> memref<2048x16xf32, #tpu.memory_space<hbm>>
      tpu.enqueue_dma source(%arg6 : memref<2048x16xf32, #tpu.memory_space<vmem>>) target(%dma_start3A_36 : memref<2048x16xf32, #tpu.memory_space<hbm>>) target_semaphore(%run_scoped3A : memref<!tpu.dma_semaphore, #tpu.memory_space<semaphore_mem>>)
      %dma_wait3A_37 = arith.constant 0 : i32
      %dma_wait3A_38 = tpu.memref_slice %arg4[%add3A_26, %dma_wait3A_37] : memref<262144x16xf32, #tpu.memory_space<hbm>> -> memref<2048x16xf32, #tpu.memory_space<hbm>>
      %dma_wait3A_39 = arith.constant 0 : i32
      %dma_wait3A_40 = tpu.memref_slice %arg4[%add3A_26, %dma_wait3A_39] : memref<262144x16xf32, #tpu.memory_space<hbm>> -> memref<2048x16xf32, #tpu.memory_space<hbm>>
      tpu.wait_dma2 semaphore(%run_scoped3A : memref<!tpu.dma_semaphore, #tpu.memory_space<semaphore_mem>>) src(%arg6 : memref<2048x16xf32, #tpu.memory_space<vmem>>) dst(%dma_wait3A_40 : memref<2048x16xf32, #tpu.memory_space<hbm>>)
      tpu.yield
    }) : () -> ()
    return
  }
}

module attributes {stable_mosaic.version = 14 : i64} {
  func.func @_knn_body(%arg0: i32, %arg1: memref<1x3x4096xf32, #tpu.memory_space<vmem>>, %arg2: memref<1x512x3xf32, #tpu.memory_space<vmem>>, %arg3: memref<1x512x32xi32, #tpu.memory_space<vmem>>) attributes {dimension_semantics = [#tpu.dimension_semantics<arbitrary>], iteration_bounds = array<i64: 16>, scalar_prefetch = 0 : i64, scratch_operands = 0 : i64, tpu.core_type = #tpu.core_type<tc>, window_params = [{transform_indices = @transform_0, window_bounds = array<i64: 1, 3, 4096>}, {transform_indices = @transform_1, window_bounds = array<i64: 1, 512, 3>}, {transform_indices = @transform_2, window_bounds = array<i64: 1, 512, 32>}]} {
    %get3A = arith.constant 0 : index
    %get3A_0 = arith.constant 0 : index
    %get3A_1 = arith.constant 0 : index
    %get3A_2 = vector.load %arg1[%get3A, %get3A_0, %get3A_1] : memref<1x3x4096xf32, #tpu.memory_space<vmem>>, vector<1x3x4096xf32>
    %get3A_3 = vector.shape_cast %get3A_2 : vector<1x3x4096xf32> to vector<3x4096xf32>
    %get3A_4 = arith.constant 0 : index
    %get3A_5 = arith.constant 0 : index
    %get3A_6 = arith.constant 0 : index
    %get3A_7 = vector.load %arg2[%get3A_4, %get3A_5, %get3A_6] : memref<1x512x3xf32, #tpu.memory_space<vmem>>, vector<1x512x3xf32>
    %get3A_8 = vector.shape_cast %get3A_7 : vector<1x512x3xf32> to vector<512x3xf32>
    %slice3A = vector.extract_strided_slice %get3A_3 {offsets = [0, 0], sizes = [1, 4096], strides = [1, 1]} : vector<3x4096xf32> to vector<1x4096xf32>
    %slice3A_9 = vector.extract_strided_slice %get3A_3 {offsets = [1, 0], sizes = [1, 4096], strides = [1, 1]} : vector<3x4096xf32> to vector<1x4096xf32>
    %slice3A_10 = vector.extract_strided_slice %get3A_3 {offsets = [2, 0], sizes = [1, 4096], strides = [1, 1]} : vector<3x4096xf32> to vector<1x4096xf32>
    %slice3A_11 = vector.extract_strided_slice %get3A_8 {offsets = [0, 0], sizes = [512, 1], strides = [1, 1]} : vector<512x3xf32> to vector<512x1xf32>
    %slice3A_12 = vector.extract_strided_slice %get3A_8 {offsets = [0, 1], sizes = [512, 1], strides = [1, 1]} : vector<512x3xf32> to vector<512x1xf32>
    %slice3A_13 = vector.extract_strided_slice %get3A_8 {offsets = [0, 2], sizes = [512, 1], strides = [1, 1]} : vector<512x3xf32> to vector<512x1xf32>
    %mul3A = arith.mulf %slice3A_11, %slice3A_11 : vector<512x1xf32>
    %mul3A_14 = arith.mulf %slice3A_12, %slice3A_12 : vector<512x1xf32>
    %add3A = arith.addf %mul3A, %mul3A_14 : vector<512x1xf32>
    %mul3A_15 = arith.mulf %slice3A_13, %slice3A_13 : vector<512x1xf32>
    %add3A_16 = arith.addf %add3A, %mul3A_15 : vector<512x1xf32>
    %mul3A_17 = arith.mulf %slice3A, %slice3A : vector<1x4096xf32>
    %mul3A_18 = arith.mulf %slice3A_9, %slice3A_9 : vector<1x4096xf32>
    %add3A_19 = arith.addf %mul3A_17, %mul3A_18 : vector<1x4096xf32>
    %mul3A_20 = arith.mulf %slice3A_10, %slice3A_10 : vector<1x4096xf32>
    %add3A_21 = arith.addf %add3A_19, %mul3A_20 : vector<1x4096xf32>
    %dot_general3A = arith.constant dense<0.000000e+00> : vector<512x4096xf32>
    %dot_general3A_22 = tpu.matmul %get3A_8, %get3A_3, %dot_general3A {dimension_numbers = #tpu.dot_dimension_numbers<[1], [0], [0], [1], [0, 0, 1, 1], [], []>, transpose_lhs_hint = false} : vector<512x3xf32>, vector<3x4096xf32>, vector<512x4096xf32> -> vector<512x4096xf32>
    %add3A_23 = vector.broadcast %add3A_16 : vector<512x1xf32> to vector<512x4096xf32>
    %add3A_24 = vector.broadcast %add3A_21 : vector<1x4096xf32> to vector<512x4096xf32>
    %add3A_25 = arith.addf %add3A_23, %add3A_24 : vector<512x4096xf32>
    %mul3A_26 = arith.constant 2.000000e+00 : f32
    %mul3A_27 = vector.broadcast %mul3A_26 : f32 to vector<512x4096xf32>
    %mul3A_28 = arith.mulf %mul3A_27, %dot_general3A_22 : vector<512x4096xf32>
    %sub3A = arith.subf %add3A_25, %mul3A_28 : vector<512x4096xf32>
    %iota3A = tpu.iota {dimensions = array<i32: 1>} : vector<512x4096xi32>
    %iota3A_29 = tpu.iota {dimensions = array<i32: 1>} : vector<512x32xi32>
    %broadcast_in_dim3A = arith.constant 0 : i32
    %broadcast_in_dim3A_30 = vector.broadcast %broadcast_in_dim3A : i32 to vector<512x32xi32>
    %scan3A = arith.constant 0 : i32
    %scan3A_31 = arith.constant 32 : i32
    %scan3A_32 = arith.addi %scan3A, %scan3A_31 : i32
    %scan3A_33 = arith.constant 1 : i32
    %scan3A_34:2 = scf.for %scan3A_45 = %scan3A to %scan3A_32 step %scan3A_33 iter_args(%scan3A_46 = %sub3A, %scan3A_47 = %broadcast_in_dim3A_30) -> (vector<512x4096xf32>, vector<512x32xi32>)  : i32 {
      %reduce_min3A = arith.constant dense<0x7F800000> : vector<512xf32>
      %reduce_min3A_48 = vector.multi_reduction <minimumf>, %scan3A_46, %reduce_min3A [1] : vector<512x4096xf32> to vector<512xf32>
      %broadcast_in_dim3A_49 = vector.shape_cast %reduce_min3A_48 : vector<512xf32> to vector<512x1xf32>
      %eq3A = vector.broadcast %broadcast_in_dim3A_49 : vector<512x1xf32> to vector<512x4096xf32>
      %eq3A_50 = arith.cmpf oeq, %scan3A_46, %eq3A : vector<512x4096xf32>
      %jit3A = arith.constant 4096 : i32
      %broadcast_in_dim3A_51 = vector.broadcast %jit3A : i32 to vector<512x4096xi32>
      %select_n3A = arith.select %eq3A_50, %iota3A, %broadcast_in_dim3A_51 : vector<512x4096xi1>, vector<512x4096xi32>
      %reduce_min3A_52 = arith.constant dense<2147483647> : vector<512xi32>
      %reduce_min3A_53 = vector.multi_reduction <minsi>, %select_n3A, %reduce_min3A_52 [1] : vector<512x4096xi32> to vector<512xi32>
      %broadcast_in_dim3A_54 = vector.shape_cast %reduce_min3A_53 : vector<512xi32> to vector<512x1xi32>
      %eq3A_55 = vector.broadcast %scan3A_45 : i32 to vector<512x32xi32>
      %eq3A_56 = arith.cmpi eq, %iota3A_29, %eq3A_55 : vector<512x32xi32>
      %broadcast_in_dim3A_57 = vector.shape_cast %broadcast_in_dim3A_54 : vector<512x1xi32> to vector<512x1xi32>
      %broadcast_in_dim3A_58 = vector.broadcast %broadcast_in_dim3A_57 : vector<512x1xi32> to vector<512x32xi32>
      %select_n3A_59 = arith.select %eq3A_56, %broadcast_in_dim3A_58, %scan3A_47 : vector<512x32xi1>, vector<512x32xi32>
      %eq3A_60 = vector.broadcast %broadcast_in_dim3A_54 : vector<512x1xi32> to vector<512x4096xi32>
      %eq3A_61 = arith.cmpi eq, %iota3A, %eq3A_60 : vector<512x4096xi32>
      %jit3A_62 = arith.constant 0x7F800000 : f32
      %broadcast_in_dim3A_63 = vector.broadcast %jit3A_62 : f32 to vector<512x4096xf32>
      %select_n3A_64 = arith.select %eq3A_61, %broadcast_in_dim3A_63, %scan3A_46 : vector<512x4096xi1>, vector<512x4096xf32>
      scf.yield %select_n3A_64, %select_n3A_59 : vector<512x4096xf32>, vector<512x32xi32>
    }
    %scan3A_35 = arith.constant 32 : i32
    %mul3A_36 = arith.constant 4096 : i32
    %mul3A_37 = arith.muli %arg0, %mul3A_36 : i32
    %add3A_38 = vector.broadcast %mul3A_37 : i32 to vector<512x32xi32>
    %add3A_39 = arith.addi %scan3A_34#1, %add3A_38 : vector<512x32xi32>
    %swap3A = arith.constant 0 : index
    %swap3A_40 = arith.constant 0 : index
    %swap3A_41 = arith.constant 0 : index
    %swap3A_42 = vector.load %arg3[%swap3A, %swap3A_40, %swap3A_41] : memref<1x512x32xi32, #tpu.memory_space<vmem>>, vector<1x512x32xi32>
    %swap3A_43 = vector.shape_cast %swap3A_42 : vector<1x512x32xi32> to vector<512x32xi32>
    %swap3A_44 = vector.shape_cast %add3A_39 : vector<512x32xi32> to vector<1x512x32xi32>
    tpu.vector_store %arg3[%swap3A, %swap3A_40, %swap3A_41], %swap3A_44 {strides = array<i32>} : memref<1x512x32xi32, #tpu.memory_space<vmem>>, vector<1x512x32xi32>,
    return
  }
  func.func @transform_0(%arg0: i32) -> (i32, i32, i32) {
    %c0_i32 = arith.constant 0 : i32
    %c0_i32_0 = arith.constant 0 : i32
    %c0_i32_1 = arith.constant 0 : i32
    return %arg0, %c0_i32, %c0_i32_0 : i32, i32, i32
  }
  func.func @transform_1(%arg0: i32) -> (i32, i32, i32) {
    %c0_i32 = arith.constant 0 : i32
    %c0_i32_0 = arith.constant 0 : i32
    %c0_i32_1 = arith.constant 0 : i32
    return %arg0, %c0_i32, %c0_i32_0 : i32, i32, i32
  }
  func.func @transform_2(%arg0: i32) -> (i32, i32, i32) {
    %c0_i32 = arith.constant 0 : i32
    %c0_i32_0 = arith.constant 0 : i32
    %c0_i32_1 = arith.constant 0 : i32
    return %arg0, %c0_i32, %c0_i32_0 : i32, i32, i32
  }
}

module attributes {stable_mosaic.version = 14 : i64} {
  func.func @_fps_body(%arg0: memref<48x4096xf32, #tpu.memory_space<vmem>>, %arg1: memref<16x3x512xf32, #tpu.memory_space<vmem>>, %arg2: memref<16x512x3xf32, #tpu.memory_space<vmem>>) attributes {dimension_semantics = [], scalar_prefetch = 0 : i64, scratch_operands = 0 : i64, tpu.core_type = #tpu.core_type<tc>} {
    %get3A = arith.constant 0 : index
    %get3A_0 = arith.constant 0 : index
    %get3A_1 = vector.load %arg0[%get3A, %get3A_0] : memref<48x4096xf32, #tpu.memory_space<vmem>>, vector<48x4096xf32>
    %iota3A = tpu.iota {dimensions = array<i32: 1>} : vector<16x4096xi32>
    %iota3A_2 = tpu.iota {dimensions = array<i32: 1>} : vector<48x4096xi32>
    %iota3A_3 = tpu.iota {dimensions = array<i32: 1>} : vector<48x512xi32>
    %broadcast_in_dim3A = arith.constant 1.000000e+10 : f32
    %broadcast_in_dim3A_4 = vector.broadcast %broadcast_in_dim3A : f32 to vector<16x4096xf32>
    %broadcast_in_dim3A_5 = arith.constant 0 : i32
    %broadcast_in_dim3A_6 = vector.broadcast %broadcast_in_dim3A_5 : i32 to vector<16x1xi32>
    %broadcast_in_dim3A_7 = arith.constant 0.000000e+00 : f32
    %broadcast_in_dim3A_8 = vector.broadcast %broadcast_in_dim3A_7 : f32 to vector<48x512xf32>
    %scan3A = arith.constant 0 : i32
    %scan3A_9 = arith.constant 512 : i32
    %scan3A_10 = arith.addi %scan3A, %scan3A_9 : i32
    %scan3A_11 = arith.constant 1 : i32
    %scan3A_12:3 = scf.for %scan3A_54 = %scan3A to %scan3A_10 step %scan3A_11 iter_args(%scan3A_55 = %broadcast_in_dim3A_4, %scan3A_56 = %broadcast_in_dim3A_6, %scan3A_57 = %broadcast_in_dim3A_8) -> (vector<16x4096xf32>, vector<16x1xi32>, vector<48x512xf32>)  : i32 {
      %concatenate3A = tpu.concatenate %scan3A_56, %scan3A_56, %scan3A_56 in 0 : vector<16x1xi32>, vector<16x1xi32>, vector<16x1xi32> -> vector<48x1xi32>
      %eq3A = vector.broadcast %concatenate3A : vector<48x1xi32> to vector<48x4096xi32>
      %eq3A_58 = arith.cmpi eq, %iota3A_2, %eq3A : vector<48x4096xi32>
      %jit3A = arith.constant 0.000000e+00 : f32
      %broadcast_in_dim3A_59 = vector.broadcast %jit3A : f32 to vector<48x4096xf32>
      %select_n3A = arith.select %eq3A_58, %get3A_1, %broadcast_in_dim3A_59 : vector<48x4096xi1>, vector<48x4096xf32>
      %reduce_sum3A = arith.constant dense<0.000000e+00> : vector<48xf32>
      %reduce_sum3A_60 = vector.multi_reduction <add>, %select_n3A, %reduce_sum3A [1] : vector<48x4096xf32> to vector<48xf32>
      %broadcast_in_dim3A_61 = vector.shape_cast %reduce_sum3A_60 : vector<48xf32> to vector<48x1xf32>
      %eq3A_62 = vector.broadcast %scan3A_54 : i32 to vector<48x512xi32>
      %eq3A_63 = arith.cmpi eq, %iota3A_3, %eq3A_62 : vector<48x512xi32>
      %broadcast_in_dim3A_64 = vector.shape_cast %broadcast_in_dim3A_61 : vector<48x1xf32> to vector<48x1xf32>
      %broadcast_in_dim3A_65 = vector.broadcast %broadcast_in_dim3A_64 : vector<48x1xf32> to vector<48x512xf32>
      %select_n3A_66 = arith.select %eq3A_63, %broadcast_in_dim3A_65, %scan3A_57 : vector<48x512xi1>, vector<48x512xf32>
      %sub3A = vector.broadcast %broadcast_in_dim3A_61 : vector<48x1xf32> to vector<48x4096xf32>
      %sub3A_67 = arith.subf %get3A_1, %sub3A : vector<48x4096xf32>
      %integer_pow3A = arith.mulf %sub3A_67, %sub3A_67 : vector<48x4096xf32>
      %slice3A_68 = vector.extract_strided_slice %integer_pow3A {offsets = [0, 0], sizes = [16, 4096], strides = [1, 1]} : vector<48x4096xf32> to vector<16x4096xf32>
      %slice3A_69 = vector.extract_strided_slice %integer_pow3A {offsets = [16, 0], sizes = [16, 4096], strides = [1, 1]} : vector<48x4096xf32> to vector<16x4096xf32>
      %add3A = arith.addf %slice3A_68, %slice3A_69 : vector<16x4096xf32>
      %slice3A_70 = vector.extract_strided_slice %integer_pow3A {offsets = [32, 0], sizes = [16, 4096], strides = [1, 1]} : vector<48x4096xf32> to vector<16x4096xf32>
      %add3A_71 = arith.addf %add3A, %slice3A_70 : vector<16x4096xf32>
      %min3A = arith.minimumf %scan3A_55, %add3A_71 : vector<16x4096xf32>
      %reduce_max3A = arith.constant dense<0xFF800000> : vector<16xf32>
      %reduce_max3A_72 = vector.multi_reduction <maximumf>, %min3A, %reduce_max3A [1] : vector<16x4096xf32> to vector<16xf32>
      %broadcast_in_dim3A_73 = vector.shape_cast %reduce_max3A_72 : vector<16xf32> to vector<16x1xf32>
      %eq3A_74 = vector.broadcast %broadcast_in_dim3A_73 : vector<16x1xf32> to vector<16x4096xf32>
      %eq3A_75 = arith.cmpf oeq, %min3A, %eq3A_74 : vector<16x4096xf32>
      %jit3A_76 = arith.constant 4096 : i32
      %broadcast_in_dim3A_77 = vector.broadcast %jit3A_76 : i32 to vector<16x4096xi32>
      %select_n3A_78 = arith.select %eq3A_75, %iota3A, %broadcast_in_dim3A_77 : vector<16x4096xi1>, vector<16x4096xi32>
      %reduce_min3A = arith.constant dense<2147483647> : vector<16xi32>
      %reduce_min3A_79 = vector.multi_reduction <minsi>, %select_n3A_78, %reduce_min3A [1] : vector<16x4096xi32> to vector<16xi32>
      %broadcast_in_dim3A_80 = vector.shape_cast %reduce_min3A_79 : vector<16xi32> to vector<16x1xi32>
      scf.yield %min3A, %broadcast_in_dim3A_80, %select_n3A_66 : vector<16x4096xf32>, vector<16x1xi32>, vector<48x512xf32>
    }
    %scan3A_13 = arith.constant 512 : i32
    %slice3A = vector.extract_strided_slice %scan3A_12#2 {offsets = [0, 0], sizes = [16, 512], strides = [1, 1]} : vector<48x512xf32> to vector<16x512xf32>
    %swap3A = arith.constant 0 : index
    %swap3A_14 = arith.constant 0 : index
    %swap3A_15 = arith.constant 0 : index
    %swap3A_16 = vector.load %arg1[%swap3A, %swap3A_14, %swap3A_15] : memref<16x3x512xf32, #tpu.memory_space<vmem>>, vector<16x1x512xf32>
    %swap3A_17 = vector.shape_cast %swap3A_16 : vector<16x1x512xf32> to vector<16x512xf32>
    %swap3A_18 = vector.shape_cast %slice3A : vector<16x512xf32> to vector<16x1x512xf32>
    tpu.vector_store %arg1[%swap3A, %swap3A_14, %swap3A_15], %swap3A_18 {strides = array<i32>} : memref<16x3x512xf32, #tpu.memory_space<vmem>>, vector<16x1x512xf32>,
    %slice3A_19 = vector.extract_strided_slice %scan3A_12#2 {offsets = [0, 0], sizes = [16, 512], strides = [1, 1]} : vector<48x512xf32> to vector<16x512xf32>
    %swap3A_20 = arith.constant 0 : index
    %swap3A_21 = arith.constant 0 : index
    %swap3A_22 = arith.constant 0 : index
    %swap3A_23 = vector.load %arg2[%swap3A_20, %swap3A_21, %swap3A_22] : memref<16x512x3xf32, #tpu.memory_space<vmem>>, vector<16x512x1xf32>
    %swap3A_24 = vector.shape_cast %swap3A_23 : vector<16x512x1xf32> to vector<16x512xf32>
    %swap3A_25 = vector.shape_cast %slice3A_19 : vector<16x512xf32> to vector<16x512x1xf32>
    tpu.vector_store %arg2[%swap3A_20, %swap3A_21, %swap3A_22], %swap3A_25 {strides = array<i32>} : memref<16x512x3xf32, #tpu.memory_space<vmem>>, vector<16x512x1xf32>,
    %slice3A_26 = vector.extract_strided_slice %scan3A_12#2 {offsets = [16, 0], sizes = [16, 512], strides = [1, 1]} : vector<48x512xf32> to vector<16x512xf32>
    %swap3A_27 = arith.constant 0 : index
    %swap3A_28 = arith.constant 1 : index
    %swap3A_29 = arith.constant 0 : index
    %swap3A_30 = vector.load %arg1[%swap3A_27, %swap3A_28, %swap3A_29] : memref<16x3x512xf32, #tpu.memory_space<vmem>>, vector<16x1x512xf32>
    %swap3A_31 = vector.shape_cast %swap3A_30 : vector<16x1x512xf32> to vector<16x512xf32>
    %swap3A_32 = vector.shape_cast %slice3A_26 : vector<16x512xf32> to vector<16x1x512xf32>
    tpu.vector_store %arg1[%swap3A_27, %swap3A_28, %swap3A_29], %swap3A_32 {strides = array<i32>} : memref<16x3x512xf32, #tpu.memory_space<vmem>>, vector<16x1x512xf32>,
    %slice3A_33 = vector.extract_strided_slice %scan3A_12#2 {offsets = [16, 0], sizes = [16, 512], strides = [1, 1]} : vector<48x512xf32> to vector<16x512xf32>
    %swap3A_34 = arith.constant 0 : index
    %swap3A_35 = arith.constant 0 : index
    %swap3A_36 = arith.constant 1 : index
    %swap3A_37 = vector.load %arg2[%swap3A_34, %swap3A_35, %swap3A_36] : memref<16x512x3xf32, #tpu.memory_space<vmem>>, vector<16x512x1xf32>
    %swap3A_38 = vector.shape_cast %swap3A_37 : vector<16x512x1xf32> to vector<16x512xf32>
    %swap3A_39 = vector.shape_cast %slice3A_33 : vector<16x512xf32> to vector<16x512x1xf32>
    tpu.vector_store %arg2[%swap3A_34, %swap3A_35, %swap3A_36], %swap3A_39 {strides = array<i32>} : memref<16x512x3xf32, #tpu.memory_space<vmem>>, vector<16x512x1xf32>,
    %slice3A_40 = vector.extract_strided_slice %scan3A_12#2 {offsets = [32, 0], sizes = [16, 512], strides = [1, 1]} : vector<48x512xf32> to vector<16x512xf32>
    %swap3A_41 = arith.constant 0 : index
    %swap3A_42 = arith.constant 2 : index
    %swap3A_43 = arith.constant 0 : index
    %swap3A_44 = vector.load %arg1[%swap3A_41, %swap3A_42, %swap3A_43] : memref<16x3x512xf32, #tpu.memory_space<vmem>>, vector<16x1x512xf32>
    %swap3A_45 = vector.shape_cast %swap3A_44 : vector<16x1x512xf32> to vector<16x512xf32>
    %swap3A_46 = vector.shape_cast %slice3A_40 : vector<16x512xf32> to vector<16x1x512xf32>
    tpu.vector_store %arg1[%swap3A_41, %swap3A_42, %swap3A_43], %swap3A_46 {strides = array<i32>} : memref<16x3x512xf32, #tpu.memory_space<vmem>>, vector<16x1x512xf32>,
    %slice3A_47 = vector.extract_strided_slice %scan3A_12#2 {offsets = [32, 0], sizes = [16, 512], strides = [1, 1]} : vector<48x512xf32> to vector<16x512xf32>
    %swap3A_48 = arith.constant 0 : index
    %swap3A_49 = arith.constant 0 : index
    %swap3A_50 = arith.constant 2 : index
    %swap3A_51 = vector.load %arg2[%swap3A_48, %swap3A_49, %swap3A_50] : memref<16x512x3xf32, #tpu.memory_space<vmem>>, vector<16x512x1xf32>
    %swap3A_52 = vector.shape_cast %swap3A_51 : vector<16x512x1xf32> to vector<16x512xf32>
    %swap3A_53 = vector.shape_cast %slice3A_47 : vector<16x512xf32> to vector<16x512x1xf32>
    tpu.vector_store %arg2[%swap3A_48, %swap3A_49, %swap3A_50], %swap3A_53 {strides = array<i32>} : memref<16x512x3xf32, #tpu.memory_space<vmem>>, vector<16x512x1xf32>,
    return
  }
}

module attributes {stable_mosaic.version = 14 : i64} {
  func.func @_fps_body(%arg0: memref<48x512xf32, #tpu.memory_space<vmem>>, %arg1: memref<16x3x128xf32, #tpu.memory_space<vmem>>, %arg2: memref<16x128x3xf32, #tpu.memory_space<vmem>>) attributes {dimension_semantics = [], scalar_prefetch = 0 : i64, scratch_operands = 0 : i64, tpu.core_type = #tpu.core_type<tc>} {
    %get3A = arith.constant 0 : index
    %get3A_0 = arith.constant 0 : index
    %get3A_1 = vector.load %arg0[%get3A, %get3A_0] : memref<48x512xf32, #tpu.memory_space<vmem>>, vector<48x512xf32>
    %iota3A = tpu.iota {dimensions = array<i32: 1>} : vector<16x512xi32>
    %iota3A_2 = tpu.iota {dimensions = array<i32: 1>} : vector<48x512xi32>
    %iota3A_3 = tpu.iota {dimensions = array<i32: 1>} : vector<48x128xi32>
    %broadcast_in_dim3A = arith.constant 1.000000e+10 : f32
    %broadcast_in_dim3A_4 = vector.broadcast %broadcast_in_dim3A : f32 to vector<16x512xf32>
    %broadcast_in_dim3A_5 = arith.constant 0 : i32
    %broadcast_in_dim3A_6 = vector.broadcast %broadcast_in_dim3A_5 : i32 to vector<16x1xi32>
    %broadcast_in_dim3A_7 = arith.constant 0.000000e+00 : f32
    %broadcast_in_dim3A_8 = vector.broadcast %broadcast_in_dim3A_7 : f32 to vector<48x128xf32>
    %scan3A = arith.constant 0 : i32
    %scan3A_9 = arith.constant 128 : i32
    %scan3A_10 = arith.addi %scan3A, %scan3A_9 : i32
    %scan3A_11 = arith.constant 1 : i32
    %scan3A_12:3 = scf.for %scan3A_54 = %scan3A to %scan3A_10 step %scan3A_11 iter_args(%scan3A_55 = %broadcast_in_dim3A_4, %scan3A_56 = %broadcast_in_dim3A_6, %scan3A_57 = %broadcast_in_dim3A_8) -> (vector<16x512xf32>, vector<16x1xi32>, vector<48x128xf32>)  : i32 {
      %concatenate3A = tpu.concatenate %scan3A_56, %scan3A_56, %scan3A_56 in 0 : vector<16x1xi32>, vector<16x1xi32>, vector<16x1xi32> -> vector<48x1xi32>
      %eq3A = vector.broadcast %concatenate3A : vector<48x1xi32> to vector<48x512xi32>
      %eq3A_58 = arith.cmpi eq, %iota3A_2, %eq3A : vector<48x512xi32>
      %jit3A = arith.constant 0.000000e+00 : f32
      %broadcast_in_dim3A_59 = vector.broadcast %jit3A : f32 to vector<48x512xf32>
      %select_n3A = arith.select %eq3A_58, %get3A_1, %broadcast_in_dim3A_59 : vector<48x512xi1>, vector<48x512xf32>
      %reduce_sum3A = arith.constant dense<0.000000e+00> : vector<48xf32>
      %reduce_sum3A_60 = vector.multi_reduction <add>, %select_n3A, %reduce_sum3A [1] : vector<48x512xf32> to vector<48xf32>
      %broadcast_in_dim3A_61 = vector.shape_cast %reduce_sum3A_60 : vector<48xf32> to vector<48x1xf32>
      %eq3A_62 = vector.broadcast %scan3A_54 : i32 to vector<48x128xi32>
      %eq3A_63 = arith.cmpi eq, %iota3A_3, %eq3A_62 : vector<48x128xi32>
      %broadcast_in_dim3A_64 = vector.shape_cast %broadcast_in_dim3A_61 : vector<48x1xf32> to vector<48x1xf32>
      %broadcast_in_dim3A_65 = vector.broadcast %broadcast_in_dim3A_64 : vector<48x1xf32> to vector<48x128xf32>
      %select_n3A_66 = arith.select %eq3A_63, %broadcast_in_dim3A_65, %scan3A_57 : vector<48x128xi1>, vector<48x128xf32>
      %sub3A = vector.broadcast %broadcast_in_dim3A_61 : vector<48x1xf32> to vector<48x512xf32>
      %sub3A_67 = arith.subf %get3A_1, %sub3A : vector<48x512xf32>
      %integer_pow3A = arith.mulf %sub3A_67, %sub3A_67 : vector<48x512xf32>
      %slice3A_68 = vector.extract_strided_slice %integer_pow3A {offsets = [0, 0], sizes = [16, 512], strides = [1, 1]} : vector<48x512xf32> to vector<16x512xf32>
      %slice3A_69 = vector.extract_strided_slice %integer_pow3A {offsets = [16, 0], sizes = [16, 512], strides = [1, 1]} : vector<48x512xf32> to vector<16x512xf32>
      %add3A = arith.addf %slice3A_68, %slice3A_69 : vector<16x512xf32>
      %slice3A_70 = vector.extract_strided_slice %integer_pow3A {offsets = [32, 0], sizes = [16, 512], strides = [1, 1]} : vector<48x512xf32> to vector<16x512xf32>
      %add3A_71 = arith.addf %add3A, %slice3A_70 : vector<16x512xf32>
      %min3A = arith.minimumf %scan3A_55, %add3A_71 : vector<16x512xf32>
      %reduce_max3A = arith.constant dense<0xFF800000> : vector<16xf32>
      %reduce_max3A_72 = vector.multi_reduction <maximumf>, %min3A, %reduce_max3A [1] : vector<16x512xf32> to vector<16xf32>
      %broadcast_in_dim3A_73 = vector.shape_cast %reduce_max3A_72 : vector<16xf32> to vector<16x1xf32>
      %eq3A_74 = vector.broadcast %broadcast_in_dim3A_73 : vector<16x1xf32> to vector<16x512xf32>
      %eq3A_75 = arith.cmpf oeq, %min3A, %eq3A_74 : vector<16x512xf32>
      %jit3A_76 = arith.constant 512 : i32
      %broadcast_in_dim3A_77 = vector.broadcast %jit3A_76 : i32 to vector<16x512xi32>
      %select_n3A_78 = arith.select %eq3A_75, %iota3A, %broadcast_in_dim3A_77 : vector<16x512xi1>, vector<16x512xi32>
      %reduce_min3A = arith.constant dense<2147483647> : vector<16xi32>
      %reduce_min3A_79 = vector.multi_reduction <minsi>, %select_n3A_78, %reduce_min3A [1] : vector<16x512xi32> to vector<16xi32>
      %broadcast_in_dim3A_80 = vector.shape_cast %reduce_min3A_79 : vector<16xi32> to vector<16x1xi32>
      scf.yield %min3A, %broadcast_in_dim3A_80, %select_n3A_66 : vector<16x512xf32>, vector<16x1xi32>, vector<48x128xf32>
    }
    %scan3A_13 = arith.constant 128 : i32
    %slice3A = vector.extract_strided_slice %scan3A_12#2 {offsets = [0, 0], sizes = [16, 128], strides = [1, 1]} : vector<48x128xf32> to vector<16x128xf32>
    %swap3A = arith.constant 0 : index
    %swap3A_14 = arith.constant 0 : index
    %swap3A_15 = arith.constant 0 : index
    %swap3A_16 = vector.load %arg1[%swap3A, %swap3A_14, %swap3A_15] : memref<16x3x128xf32, #tpu.memory_space<vmem>>, vector<16x1x128xf32>
    %swap3A_17 = vector.shape_cast %swap3A_16 : vector<16x1x128xf32> to vector<16x128xf32>
    %swap3A_18 = vector.shape_cast %slice3A : vector<16x128xf32> to vector<16x1x128xf32>
    tpu.vector_store %arg1[%swap3A, %swap3A_14, %swap3A_15], %swap3A_18 {strides = array<i32>} : memref<16x3x128xf32, #tpu.memory_space<vmem>>, vector<16x1x128xf32>,
    %slice3A_19 = vector.extract_strided_slice %scan3A_12#2 {offsets = [0, 0], sizes = [16, 128], strides = [1, 1]} : vector<48x128xf32> to vector<16x128xf32>
    %swap3A_20 = arith.constant 0 : index
    %swap3A_21 = arith.constant 0 : index
    %swap3A_22 = arith.constant 0 : index
    %swap3A_23 = vector.load %arg2[%swap3A_20, %swap3A_21, %swap3A_22] : memref<16x128x3xf32, #tpu.memory_space<vmem>>, vector<16x128x1xf32>
    %swap3A_24 = vector.shape_cast %swap3A_23 : vector<16x128x1xf32> to vector<16x128xf32>
    %swap3A_25 = vector.shape_cast %slice3A_19 : vector<16x128xf32> to vector<16x128x1xf32>
    tpu.vector_store %arg2[%swap3A_20, %swap3A_21, %swap3A_22], %swap3A_25 {strides = array<i32>} : memref<16x128x3xf32, #tpu.memory_space<vmem>>, vector<16x128x1xf32>,
    %slice3A_26 = vector.extract_strided_slice %scan3A_12#2 {offsets = [16, 0], sizes = [16, 128], strides = [1, 1]} : vector<48x128xf32> to vector<16x128xf32>
    %swap3A_27 = arith.constant 0 : index
    %swap3A_28 = arith.constant 1 : index
    %swap3A_29 = arith.constant 0 : index
    %swap3A_30 = vector.load %arg1[%swap3A_27, %swap3A_28, %swap3A_29] : memref<16x3x128xf32, #tpu.memory_space<vmem>>, vector<16x1x128xf32>
    %swap3A_31 = vector.shape_cast %swap3A_30 : vector<16x1x128xf32> to vector<16x128xf32>
    %swap3A_32 = vector.shape_cast %slice3A_26 : vector<16x128xf32> to vector<16x1x128xf32>
    tpu.vector_store %arg1[%swap3A_27, %swap3A_28, %swap3A_29], %swap3A_32 {strides = array<i32>} : memref<16x3x128xf32, #tpu.memory_space<vmem>>, vector<16x1x128xf32>,
    %slice3A_33 = vector.extract_strided_slice %scan3A_12#2 {offsets = [16, 0], sizes = [16, 128], strides = [1, 1]} : vector<48x128xf32> to vector<16x128xf32>
    %swap3A_34 = arith.constant 0 : index
    %swap3A_35 = arith.constant 0 : index
    %swap3A_36 = arith.constant 1 : index
    %swap3A_37 = vector.load %arg2[%swap3A_34, %swap3A_35, %swap3A_36] : memref<16x128x3xf32, #tpu.memory_space<vmem>>, vector<16x128x1xf32>
    %swap3A_38 = vector.shape_cast %swap3A_37 : vector<16x128x1xf32> to vector<16x128xf32>
    %swap3A_39 = vector.shape_cast %slice3A_33 : vector<16x128xf32> to vector<16x128x1xf32>
    tpu.vector_store %arg2[%swap3A_34, %swap3A_35, %swap3A_36], %swap3A_39 {strides = array<i32>} : memref<16x128x3xf32, #tpu.memory_space<vmem>>, vector<16x128x1xf32>,
    %slice3A_40 = vector.extract_strided_slice %scan3A_12#2 {offsets = [32, 0], sizes = [16, 128], strides = [1, 1]} : vector<48x128xf32> to vector<16x128xf32>
    %swap3A_41 = arith.constant 0 : index
    %swap3A_42 = arith.constant 2 : index
    %swap3A_43 = arith.constant 0 : index
    %swap3A_44 = vector.load %arg1[%swap3A_41, %swap3A_42, %swap3A_43] : memref<16x3x128xf32, #tpu.memory_space<vmem>>, vector<16x1x128xf32>
    %swap3A_45 = vector.shape_cast %swap3A_44 : vector<16x1x128xf32> to vector<16x128xf32>
    %swap3A_46 = vector.shape_cast %slice3A_40 : vector<16x128xf32> to vector<16x1x128xf32>
    tpu.vector_store %arg1[%swap3A_41, %swap3A_42, %swap3A_43], %swap3A_46 {strides = array<i32>} : memref<16x3x128xf32, #tpu.memory_space<vmem>>, vector<16x1x128xf32>,
    %slice3A_47 = vector.extract_strided_slice %scan3A_12#2 {offsets = [32, 0], sizes = [16, 128], strides = [1, 1]} : vector<48x128xf32> to vector<16x128xf32>
    %swap3A_48 = arith.constant 0 : index
    %swap3A_49 = arith.constant 0 : index
    %swap3A_50 = arith.constant 2 : index
    %swap3A_51 = vector.load %arg2[%swap3A_48, %swap3A_49, %swap3A_50] : memref<16x128x3xf32, #tpu.memory_space<vmem>>, vector<16x128x1xf32>
    %swap3A_52 = vector.shape_cast %swap3A_51 : vector<16x128x1xf32> to vector<16x128xf32>
    %swap3A_53 = vector.shape_cast %slice3A_47 : vector<16x128xf32> to vector<16x128x1xf32>
    tpu.vector_store %arg2[%swap3A_48, %swap3A_49, %swap3A_50], %swap3A_53 {strides = array<i32>} : memref<16x128x3xf32, #tpu.memory_space<vmem>>, vector<16x128x1xf32>,
    return
  }
}

module attributes {stable_mosaic.version = 14 : i64} {
  func.func @_knn_all_body(%arg0: memref<16x3x512xf32, #tpu.memory_space<vmem>>, %arg1: memref<16x128x3xf32, #tpu.memory_space<vmem>>, %arg2: memref<16x128x64xi32, #tpu.memory_space<vmem>>) attributes {dimension_semantics = [], scalar_prefetch = 0 : i64, scratch_operands = 0 : i64, tpu.core_type = #tpu.core_type<tc>} {
    %get3A = arith.constant 0 : index
    %get3A_0 = arith.constant 0 : index
    %get3A_1 = arith.constant 0 : index
    %get3A_2 = vector.load %arg1[%get3A, %get3A_0, %get3A_1] : memref<16x128x3xf32, #tpu.memory_space<vmem>>, vector<1x128x3xf32>
    %get3A_3 = vector.shape_cast %get3A_2 : vector<1x128x3xf32> to vector<128x3xf32>
    %get3A_4 = arith.constant 0 : index
    %get3A_5 = arith.constant 0 : index
    %get3A_6 = arith.constant 0 : index
    %get3A_7 = vector.load %arg0[%get3A_4, %get3A_5, %get3A_6] : memref<16x3x512xf32, #tpu.memory_space<vmem>>, vector<1x3x512xf32>
    %get3A_8 = vector.shape_cast %get3A_7 : vector<1x3x512xf32> to vector<3x512xf32>
    %dot_general3A = arith.constant dense<0.000000e+00> : vector<128x512xf32>
    %dot_general3A_9 = tpu.matmul %get3A_3, %get3A_8, %dot_general3A {dimension_numbers = #tpu.dot_dimension_numbers<[1], [0], [0], [1], [0, 0, 1, 1], [], []>, transpose_lhs_hint = false} : vector<128x3xf32>, vector<3x512xf32>, vector<128x512xf32> -> vector<128x512xf32>
    %slice3A = vector.extract_strided_slice %get3A_3 {offsets = [0, 0], sizes = [128, 1], strides = [1, 1]} : vector<128x3xf32> to vector<128x1xf32>
    %slice3A_10 = vector.extract_strided_slice %get3A_3 {offsets = [0, 1], sizes = [128, 1], strides = [1, 1]} : vector<128x3xf32> to vector<128x1xf32>
    %slice3A_11 = vector.extract_strided_slice %get3A_3 {offsets = [0, 2], sizes = [128, 1], strides = [1, 1]} : vector<128x3xf32> to vector<128x1xf32>
    %slice3A_12 = vector.extract_strided_slice %get3A_8 {offsets = [0, 0], sizes = [1, 512], strides = [1, 1]} : vector<3x512xf32> to vector<1x512xf32>
    %slice3A_13 = vector.extract_strided_slice %get3A_8 {offsets = [1, 0], sizes = [1, 512], strides = [1, 1]} : vector<3x512xf32> to vector<1x512xf32>
    %slice3A_14 = vector.extract_strided_slice %get3A_8 {offsets = [2, 0], sizes = [1, 512], strides = [1, 1]} : vector<3x512xf32> to vector<1x512xf32>
    %mul3A = arith.mulf %slice3A, %slice3A : vector<128x1xf32>
    %mul3A_15 = arith.mulf %slice3A_10, %slice3A_10 : vector<128x1xf32>
    %add3A = arith.addf %mul3A, %mul3A_15 : vector<128x1xf32>
    %mul3A_16 = arith.mulf %slice3A_11, %slice3A_11 : vector<128x1xf32>
    %add3A_17 = arith.addf %add3A, %mul3A_16 : vector<128x1xf32>
    %mul3A_18 = arith.mulf %slice3A_12, %slice3A_12 : vector<1x512xf32>
    %mul3A_19 = arith.mulf %slice3A_13, %slice3A_13 : vector<1x512xf32>
    %add3A_20 = arith.addf %mul3A_18, %mul3A_19 : vector<1x512xf32>
    %mul3A_21 = arith.mulf %slice3A_14, %slice3A_14 : vector<1x512xf32>
    %add3A_22 = arith.addf %add3A_20, %mul3A_21 : vector<1x512xf32>
    %broadcast_in_dim3A = vector.shape_cast %add3A_22 : vector<1x512xf32> to vector<1x512xf32>
    %broadcast_in_dim3A_23 = vector.broadcast %broadcast_in_dim3A : vector<1x512xf32> to vector<128x512xf32>
    %get3A_24 = arith.constant 1 : index
    %get3A_25 = arith.constant 0 : index
    %get3A_26 = arith.constant 0 : index
    %get3A_27 = vector.load %arg1[%get3A_24, %get3A_25, %get3A_26] : memref<16x128x3xf32, #tpu.memory_space<vmem>>, vector<1x128x3xf32>
    %get3A_28 = vector.shape_cast %get3A_27 : vector<1x128x3xf32> to vector<128x3xf32>
    %get3A_29 = arith.constant 1 : index
    %get3A_30 = arith.constant 0 : index
    %get3A_31 = arith.constant 0 : index
    %get3A_32 = vector.load %arg0[%get3A_29, %get3A_30, %get3A_31] : memref<16x3x512xf32, #tpu.memory_space<vmem>>, vector<1x3x512xf32>
    %get3A_33 = vector.shape_cast %get3A_32 : vector<1x3x512xf32> to vector<3x512xf32>
    %dot_general3A_34 = arith.constant dense<0.000000e+00> : vector<128x512xf32>
    %dot_general3A_35 = tpu.matmul %get3A_28, %get3A_33, %dot_general3A_34 {dimension_numbers = #tpu.dot_dimension_numbers<[1], [0], [0], [1], [0, 0, 1, 1], [], []>, transpose_lhs_hint = false} : vector<128x3xf32>, vector<3x512xf32>, vector<128x512xf32> -> vector<128x512xf32>
    %slice3A_36 = vector.extract_strided_slice %get3A_28 {offsets = [0, 0], sizes = [128, 1], strides = [1, 1]} : vector<128x3xf32> to vector<128x1xf32>
    %slice3A_37 = vector.extract_strided_slice %get3A_28 {offsets = [0, 1], sizes = [128, 1], strides = [1, 1]} : vector<128x3xf32> to vector<128x1xf32>
    %slice3A_38 = vector.extract_strided_slice %get3A_28 {offsets = [0, 2], sizes = [128, 1], strides = [1, 1]} : vector<128x3xf32> to vector<128x1xf32>
    %slice3A_39 = vector.extract_strided_slice %get3A_33 {offsets = [0, 0], sizes = [1, 512], strides = [1, 1]} : vector<3x512xf32> to vector<1x512xf32>
    %slice3A_40 = vector.extract_strided_slice %get3A_33 {offsets = [1, 0], sizes = [1, 512], strides = [1, 1]} : vector<3x512xf32> to vector<1x512xf32>
    %slice3A_41 = vector.extract_strided_slice %get3A_33 {offsets = [2, 0], sizes = [1, 512], strides = [1, 1]} : vector<3x512xf32> to vector<1x512xf32>
    %mul3A_42 = arith.mulf %slice3A_36, %slice3A_36 : vector<128x1xf32>
    %mul3A_43 = arith.mulf %slice3A_37, %slice3A_37 : vector<128x1xf32>
    %add3A_44 = arith.addf %mul3A_42, %mul3A_43 : vector<128x1xf32>
    %mul3A_45 = arith.mulf %slice3A_38, %slice3A_38 : vector<128x1xf32>
    %add3A_46 = arith.addf %add3A_44, %mul3A_45 : vector<128x1xf32>
    %mul3A_47 = arith.mulf %slice3A_39, %slice3A_39 : vector<1x512xf32>
    %mul3A_48 = arith.mulf %slice3A_40, %slice3A_40 : vector<1x512xf32>
    %add3A_49 = arith.addf %mul3A_47, %mul3A_48 : vector<1x512xf32>
    %mul3A_50 = arith.mulf %slice3A_41, %slice3A_41 : vector<1x512xf32>
    %add3A_51 = arith.addf %add3A_49, %mul3A_50 : vector<1x512xf32>
    %broadcast_in_dim3A_52 = vector.shape_cast %add3A_51 : vector<1x512xf32> to vector<1x512xf32>
    %broadcast_in_dim3A_53 = vector.broadcast %broadcast_in_dim3A_52 : vector<1x512xf32> to vector<128x512xf32>
    %get3A_54 = arith.constant 2 : index
    %get3A_55 = arith.constant 0 : index
    %get3A_56 = arith.constant 0 : index
    %get3A_57 = vector.load %arg1[%get3A_54, %get3A_55, %get3A_56] : memref<16x128x3xf32, #tpu.memory_space<vmem>>, vector<1x128x3xf32>
    %get3A_58 = vector.shape_cast %get3A_57 : vector<1x128x3xf32> to vector<128x3xf32>
    %get3A_59 = arith.constant 2 : index
    %get3A_60 = arith.constant 0 : index
    %get3A_61 = arith.constant 0 : index
    %get3A_62 = vector.load %arg0[%get3A_59, %get3A_60, %get3A_61] : memref<16x3x512xf32, #tpu.memory_space<vmem>>, vector<1x3x512xf32>
    %get3A_63 = vector.shape_cast %get3A_62 : vector<1x3x512xf32> to vector<3x512xf32>
    %dot_general3A_64 = arith.constant dense<0.000000e+00> : vector<128x512xf32>
    %dot_general3A_65 = tpu.matmul %get3A_58, %get3A_63, %dot_general3A_64 {dimension_numbers = #tpu.dot_dimension_numbers<[1], [0], [0], [1], [0, 0, 1, 1], [], []>, transpose_lhs_hint = false} : vector<128x3xf32>, vector<3x512xf32>, vector<128x512xf32> -> vector<128x512xf32>
    %slice3A_66 = vector.extract_strided_slice %get3A_58 {offsets = [0, 0], sizes = [128, 1], strides = [1, 1]} : vector<128x3xf32> to vector<128x1xf32>
    %slice3A_67 = vector.extract_strided_slice %get3A_58 {offsets = [0, 1], sizes = [128, 1], strides = [1, 1]} : vector<128x3xf32> to vector<128x1xf32>
    %slice3A_68 = vector.extract_strided_slice %get3A_58 {offsets = [0, 2], sizes = [128, 1], strides = [1, 1]} : vector<128x3xf32> to vector<128x1xf32>
    %slice3A_69 = vector.extract_strided_slice %get3A_63 {offsets = [0, 0], sizes = [1, 512], strides = [1, 1]} : vector<3x512xf32> to vector<1x512xf32>
    %slice3A_70 = vector.extract_strided_slice %get3A_63 {offsets = [1, 0], sizes = [1, 512], strides = [1, 1]} : vector<3x512xf32> to vector<1x512xf32>
    %slice3A_71 = vector.extract_strided_slice %get3A_63 {offsets = [2, 0], sizes = [1, 512], strides = [1, 1]} : vector<3x512xf32> to vector<1x512xf32>
    %mul3A_72 = arith.mulf %slice3A_66, %slice3A_66 : vector<128x1xf32>
    %mul3A_73 = arith.mulf %slice3A_67, %slice3A_67 : vector<128x1xf32>
    %add3A_74 = arith.addf %mul3A_72, %mul3A_73 : vector<128x1xf32>
    %mul3A_75 = arith.mulf %slice3A_68, %slice3A_68 : vector<128x1xf32>
    %add3A_76 = arith.addf %add3A_74, %mul3A_75 : vector<128x1xf32>
    %mul3A_77 = arith.mulf %slice3A_69, %slice3A_69 : vector<1x512xf32>
    %mul3A_78 = arith.mulf %slice3A_70, %slice3A_70 : vector<1x512xf32>
    %add3A_79 = arith.addf %mul3A_77, %mul3A_78 : vector<1x512xf32>
    %mul3A_80 = arith.mulf %slice3A_71, %slice3A_71 : vector<1x512xf32>
    %add3A_81 = arith.addf %add3A_79, %mul3A_80 : vector<1x512xf32>
    %broadcast_in_dim3A_82 = vector.shape_cast %add3A_81 : vector<1x512xf32> to vector<1x512xf32>
    %broadcast_in_dim3A_83 = vector.broadcast %broadcast_in_dim3A_82 : vector<1x512xf32> to vector<128x512xf32>
    %get3A_84 = arith.constant 3 : index
    %get3A_85 = arith.constant 0 : index
    %get3A_86 = arith.constant 0 : index
    %get3A_87 = vector.load %arg1[%get3A_84, %get3A_85, %get3A_86] : memref<16x128x3xf32, #tpu.memory_space<vmem>>, vector<1x128x3xf32>
    %get3A_88 = vector.shape_cast %get3A_87 : vector<1x128x3xf32> to vector<128x3xf32>
    %get3A_89 = arith.constant 3 : index
    %get3A_90 = arith.constant 0 : index
    %get3A_91 = arith.constant 0 : index
    %get3A_92 = vector.load %arg0[%get3A_89, %get3A_90, %get3A_91] : memref<16x3x512xf32, #tpu.memory_space<vmem>>, vector<1x3x512xf32>
    %get3A_93 = vector.shape_cast %get3A_92 : vector<1x3x512xf32> to vector<3x512xf32>
    %dot_general3A_94 = arith.constant dense<0.000000e+00> : vector<128x512xf32>
    %dot_general3A_95 = tpu.matmul %get3A_88, %get3A_93, %dot_general3A_94 {dimension_numbers = #tpu.dot_dimension_numbers<[1], [0], [0], [1], [0, 0, 1, 1], [], []>, transpose_lhs_hint = false} : vector<128x3xf32>, vector<3x512xf32>, vector<128x512xf32> -> vector<128x512xf32>
    %slice3A_96 = vector.extract_strided_slice %get3A_88 {offsets = [0, 0], sizes = [128, 1], strides = [1, 1]} : vector<128x3xf32> to vector<128x1xf32>
    %slice3A_97 = vector.extract_strided_slice %get3A_88 {offsets = [0, 1], sizes = [128, 1], strides = [1, 1]} : vector<128x3xf32> to vector<128x1xf32>
    %slice3A_98 = vector.extract_strided_slice %get3A_88 {offsets = [0, 2], sizes = [128, 1], strides = [1, 1]} : vector<128x3xf32> to vector<128x1xf32>
    %slice3A_99 = vector.extract_strided_slice %get3A_93 {offsets = [0, 0], sizes = [1, 512], strides = [1, 1]} : vector<3x512xf32> to vector<1x512xf32>
    %slice3A_100 = vector.extract_strided_slice %get3A_93 {offsets = [1, 0], sizes = [1, 512], strides = [1, 1]} : vector<3x512xf32> to vector<1x512xf32>
    %slice3A_101 = vector.extract_strided_slice %get3A_93 {offsets = [2, 0], sizes = [1, 512], strides = [1, 1]} : vector<3x512xf32> to vector<1x512xf32>
    %mul3A_102 = arith.mulf %slice3A_96, %slice3A_96 : vector<128x1xf32>
    %mul3A_103 = arith.mulf %slice3A_97, %slice3A_97 : vector<128x1xf32>
    %add3A_104 = arith.addf %mul3A_102, %mul3A_103 : vector<128x1xf32>
    %mul3A_105 = arith.mulf %slice3A_98, %slice3A_98 : vector<128x1xf32>
    %add3A_106 = arith.addf %add3A_104, %mul3A_105 : vector<128x1xf32>
    %mul3A_107 = arith.mulf %slice3A_99, %slice3A_99 : vector<1x512xf32>
    %mul3A_108 = arith.mulf %slice3A_100, %slice3A_100 : vector<1x512xf32>
    %add3A_109 = arith.addf %mul3A_107, %mul3A_108 : vector<1x512xf32>
    %mul3A_110 = arith.mulf %slice3A_101, %slice3A_101 : vector<1x512xf32>
    %add3A_111 = arith.addf %add3A_109, %mul3A_110 : vector<1x512xf32>
    %broadcast_in_dim3A_112 = vector.shape_cast %add3A_111 : vector<1x512xf32> to vector<1x512xf32>
    %broadcast_in_dim3A_113 = vector.broadcast %broadcast_in_dim3A_112 : vector<1x512xf32> to vector<128x512xf32>
    %get3A_114 = arith.constant 4 : index
    %get3A_115 = arith.constant 0 : index
    %get3A_116 = arith.constant 0 : index
    %get3A_117 = vector.load %arg1[%get3A_114, %get3A_115, %get3A_116] : memref<16x128x3xf32, #tpu.memory_space<vmem>>, vector<1x128x3xf32>
    %get3A_118 = vector.shape_cast %get3A_117 : vector<1x128x3xf32> to vector<128x3xf32>
    %get3A_119 = arith.constant 4 : index
    %get3A_120 = arith.constant 0 : index
    %get3A_121 = arith.constant 0 : index
    %get3A_122 = vector.load %arg0[%get3A_119, %get3A_120, %get3A_121] : memref<16x3x512xf32, #tpu.memory_space<vmem>>, vector<1x3x512xf32>
    %get3A_123 = vector.shape_cast %get3A_122 : vector<1x3x512xf32> to vector<3x512xf32>
    %dot_general3A_124 = arith.constant dense<0.000000e+00> : vector<128x512xf32>
    %dot_general3A_125 = tpu.matmul %get3A_118, %get3A_123, %dot_general3A_124 {dimension_numbers = #tpu.dot_dimension_numbers<[1], [0], [0], [1], [0, 0, 1, 1], [], []>, transpose_lhs_hint = false} : vector<128x3xf32>, vector<3x512xf32>, vector<128x512xf32> -> vector<128x512xf32>
    %slice3A_126 = vector.extract_strided_slice %get3A_118 {offsets = [0, 0], sizes = [128, 1], strides = [1, 1]} : vector<128x3xf32> to vector<128x1xf32>
    %slice3A_127 = vector.extract_strided_slice %get3A_118 {offsets = [0, 1], sizes = [128, 1], strides = [1, 1]} : vector<128x3xf32> to vector<128x1xf32>
    %slice3A_128 = vector.extract_strided_slice %get3A_118 {offsets = [0, 2], sizes = [128, 1], strides = [1, 1]} : vector<128x3xf32> to vector<128x1xf32>
    %slice3A_129 = vector.extract_strided_slice %get3A_123 {offsets = [0, 0], sizes = [1, 512], strides = [1, 1]} : vector<3x512xf32> to vector<1x512xf32>
    %slice3A_130 = vector.extract_strided_slice %get3A_123 {offsets = [1, 0], sizes = [1, 512], strides = [1, 1]} : vector<3x512xf32> to vector<1x512xf32>
    %slice3A_131 = vector.extract_strided_slice %get3A_123 {offsets = [2, 0], sizes = [1, 512], strides = [1, 1]} : vector<3x512xf32> to vector<1x512xf32>
    %mul3A_132 = arith.mulf %slice3A_126, %slice3A_126 : vector<128x1xf32>
    %mul3A_133 = arith.mulf %slice3A_127, %slice3A_127 : vector<128x1xf32>
    %add3A_134 = arith.addf %mul3A_132, %mul3A_133 : vector<128x1xf32>
    %mul3A_135 = arith.mulf %slice3A_128, %slice3A_128 : vector<128x1xf32>
    %add3A_136 = arith.addf %add3A_134, %mul3A_135 : vector<128x1xf32>
    %mul3A_137 = arith.mulf %slice3A_129, %slice3A_129 : vector<1x512xf32>
    %mul3A_138 = arith.mulf %slice3A_130, %slice3A_130 : vector<1x512xf32>
    %add3A_139 = arith.addf %mul3A_137, %mul3A_138 : vector<1x512xf32>
    %mul3A_140 = arith.mulf %slice3A_131, %slice3A_131 : vector<1x512xf32>
    %add3A_141 = arith.addf %add3A_139, %mul3A_140 : vector<1x512xf32>
    %broadcast_in_dim3A_142 = vector.shape_cast %add3A_141 : vector<1x512xf32> to vector<1x512xf32>
    %broadcast_in_dim3A_143 = vector.broadcast %broadcast_in_dim3A_142 : vector<1x512xf32> to vector<128x512xf32>
    %get3A_144 = arith.constant 5 : index
    %get3A_145 = arith.constant 0 : index
    %get3A_146 = arith.constant 0 : index
    %get3A_147 = vector.load %arg1[%get3A_144, %get3A_145, %get3A_146] : memref<16x128x3xf32, #tpu.memory_space<vmem>>, vector<1x128x3xf32>
    %get3A_148 = vector.shape_cast %get3A_147 : vector<1x128x3xf32> to vector<128x3xf32>
    %get3A_149 = arith.constant 5 : index
    %get3A_150 = arith.constant 0 : index
    %get3A_151 = arith.constant 0 : index
    %get3A_152 = vector.load %arg0[%get3A_149, %get3A_150, %get3A_151] : memref<16x3x512xf32, #tpu.memory_space<vmem>>, vector<1x3x512xf32>
    %get3A_153 = vector.shape_cast %get3A_152 : vector<1x3x512xf32> to vector<3x512xf32>
    %dot_general3A_154 = arith.constant dense<0.000000e+00> : vector<128x512xf32>
    %dot_general3A_155 = tpu.matmul %get3A_148, %get3A_153, %dot_general3A_154 {dimension_numbers = #tpu.dot_dimension_numbers<[1], [0], [0], [1], [0, 0, 1, 1], [], []>, transpose_lhs_hint = false} : vector<128x3xf32>, vector<3x512xf32>, vector<128x512xf32> -> vector<128x512xf32>
    %slice3A_156 = vector.extract_strided_slice %get3A_148 {offsets = [0, 0], sizes = [128, 1], strides = [1, 1]} : vector<128x3xf32> to vector<128x1xf32>
    %slice3A_157 = vector.extract_strided_slice %get3A_148 {offsets = [0, 1], sizes = [128, 1], strides = [1, 1]} : vector<128x3xf32> to vector<128x1xf32>
    %slice3A_158 = vector.extract_strided_slice %get3A_148 {offsets = [0, 2], sizes = [128, 1], strides = [1, 1]} : vector<128x3xf32> to vector<128x1xf32>
    %slice3A_159 = vector.extract_strided_slice %get3A_153 {offsets = [0, 0], sizes = [1, 512], strides = [1, 1]} : vector<3x512xf32> to vector<1x512xf32>
    %slice3A_160 = vector.extract_strided_slice %get3A_153 {offsets = [1, 0], sizes = [1, 512], strides = [1, 1]} : vector<3x512xf32> to vector<1x512xf32>
    %slice3A_161 = vector.extract_strided_slice %get3A_153 {offsets = [2, 0], sizes = [1, 512], strides = [1, 1]} : vector<3x512xf32> to vector<1x512xf32>
    %mul3A_162 = arith.mulf %slice3A_156, %slice3A_156 : vector<128x1xf32>
    %mul3A_163 = arith.mulf %slice3A_157, %slice3A_157 : vector<128x1xf32>
    %add3A_164 = arith.addf %mul3A_162, %mul3A_163 : vector<128x1xf32>
    %mul3A_165 = arith.mulf %slice3A_158, %slice3A_158 : vector<128x1xf32>
    %add3A_166 = arith.addf %add3A_164, %mul3A_165 : vector<128x1xf32>
    %mul3A_167 = arith.mulf %slice3A_159, %slice3A_159 : vector<1x512xf32>
    %mul3A_168 = arith.mulf %slice3A_160, %slice3A_160 : vector<1x512xf32>
    %add3A_169 = arith.addf %mul3A_167, %mul3A_168 : vector<1x512xf32>
    %mul3A_170 = arith.mulf %slice3A_161, %slice3A_161 : vector<1x512xf32>
    %add3A_171 = arith.addf %add3A_169, %mul3A_170 : vector<1x512xf32>
    %broadcast_in_dim3A_172 = vector.shape_cast %add3A_171 : vector<1x512xf32> to vector<1x512xf32>
    %broadcast_in_dim3A_173 = vector.broadcast %broadcast_in_dim3A_172 : vector<1x512xf32> to vector<128x512xf32>
    %get3A_174 = arith.constant 6 : index
    %get3A_175 = arith.constant 0 : index
    %get3A_176 = arith.constant 0 : index
    %get3A_177 = vector.load %arg1[%get3A_174, %get3A_175, %get3A_176] : memref<16x128x3xf32, #tpu.memory_space<vmem>>, vector<1x128x3xf32>
    %get3A_178 = vector.shape_cast %get3A_177 : vector<1x128x3xf32> to vector<128x3xf32>
    %get3A_179 = arith.constant 6 : index
    %get3A_180 = arith.constant 0 : index
    %get3A_181 = arith.constant 0 : index
    %get3A_182 = vector.load %arg0[%get3A_179, %get3A_180, %get3A_181] : memref<16x3x512xf32, #tpu.memory_space<vmem>>, vector<1x3x512xf32>
    %get3A_183 = vector.shape_cast %get3A_182 : vector<1x3x512xf32> to vector<3x512xf32>
    %dot_general3A_184 = arith.constant dense<0.000000e+00> : vector<128x512xf32>
    %dot_general3A_185 = tpu.matmul %get3A_178, %get3A_183, %dot_general3A_184 {dimension_numbers = #tpu.dot_dimension_numbers<[1], [0], [0], [1], [0, 0, 1, 1], [], []>, transpose_lhs_hint = false} : vector<128x3xf32>, vector<3x512xf32>, vector<128x512xf32> -> vector<128x512xf32>
    %slice3A_186 = vector.extract_strided_slice %get3A_178 {offsets = [0, 0], sizes = [128, 1], strides = [1, 1]} : vector<128x3xf32> to vector<128x1xf32>
    %slice3A_187 = vector.extract_strided_slice %get3A_178 {offsets = [0, 1], sizes = [128, 1], strides = [1, 1]} : vector<128x3xf32> to vector<128x1xf32>
    %slice3A_188 = vector.extract_strided_slice %get3A_178 {offsets = [0, 2], sizes = [128, 1], strides = [1, 1]} : vector<128x3xf32> to vector<128x1xf32>
    %slice3A_189 = vector.extract_strided_slice %get3A_183 {offsets = [0, 0], sizes = [1, 512], strides = [1, 1]} : vector<3x512xf32> to vector<1x512xf32>
    %slice3A_190 = vector.extract_strided_slice %get3A_183 {offsets = [1, 0], sizes = [1, 512], strides = [1, 1]} : vector<3x512xf32> to vector<1x512xf32>
    %slice3A_191 = vector.extract_strided_slice %get3A_183 {offsets = [2, 0], sizes = [1, 512], strides = [1, 1]} : vector<3x512xf32> to vector<1x512xf32>
    %mul3A_192 = arith.mulf %slice3A_186, %slice3A_186 : vector<128x1xf32>
    %mul3A_193 = arith.mulf %slice3A_187, %slice3A_187 : vector<128x1xf32>
    %add3A_194 = arith.addf %mul3A_192, %mul3A_193 : vector<128x1xf32>
    %mul3A_195 = arith.mulf %slice3A_188, %slice3A_188 : vector<128x1xf32>
    %add3A_196 = arith.addf %add3A_194, %mul3A_195 : vector<128x1xf32>
    %mul3A_197 = arith.mulf %slice3A_189, %slice3A_189 : vector<1x512xf32>
    %mul3A_198 = arith.mulf %slice3A_190, %slice3A_190 : vector<1x512xf32>
    %add3A_199 = arith.addf %mul3A_197, %mul3A_198 : vector<1x512xf32>
    %mul3A_200 = arith.mulf %slice3A_191, %slice3A_191 : vector<1x512xf32>
    %add3A_201 = arith.addf %add3A_199, %mul3A_200 : vector<1x512xf32>
    %broadcast_in_dim3A_202 = vector.shape_cast %add3A_201 : vector<1x512xf32> to vector<1x512xf32>
    %broadcast_in_dim3A_203 = vector.broadcast %broadcast_in_dim3A_202 : vector<1x512xf32> to vector<128x512xf32>
    %get3A_204 = arith.constant 7 : index
    %get3A_205 = arith.constant 0 : index
    %get3A_206 = arith.constant 0 : index
    %get3A_207 = vector.load %arg1[%get3A_204, %get3A_205, %get3A_206] : memref<16x128x3xf32, #tpu.memory_space<vmem>>, vector<1x128x3xf32>
    %get3A_208 = vector.shape_cast %get3A_207 : vector<1x128x3xf32> to vector<128x3xf32>
    %get3A_209 = arith.constant 7 : index
    %get3A_210 = arith.constant 0 : index
    %get3A_211 = arith.constant 0 : index
    %get3A_212 = vector.load %arg0[%get3A_209, %get3A_210, %get3A_211] : memref<16x3x512xf32, #tpu.memory_space<vmem>>, vector<1x3x512xf32>
    %get3A_213 = vector.shape_cast %get3A_212 : vector<1x3x512xf32> to vector<3x512xf32>
    %dot_general3A_214 = arith.constant dense<0.000000e+00> : vector<128x512xf32>
    %dot_general3A_215 = tpu.matmul %get3A_208, %get3A_213, %dot_general3A_214 {dimension_numbers = #tpu.dot_dimension_numbers<[1], [0], [0], [1], [0, 0, 1, 1], [], []>, transpose_lhs_hint = false} : vector<128x3xf32>, vector<3x512xf32>, vector<128x512xf32> -> vector<128x512xf32>
    %slice3A_216 = vector.extract_strided_slice %get3A_208 {offsets = [0, 0], sizes = [128, 1], strides = [1, 1]} : vector<128x3xf32> to vector<128x1xf32>
    %slice3A_217 = vector.extract_strided_slice %get3A_208 {offsets = [0, 1], sizes = [128, 1], strides = [1, 1]} : vector<128x3xf32> to vector<128x1xf32>
    %slice3A_218 = vector.extract_strided_slice %get3A_208 {offsets = [0, 2], sizes = [128, 1], strides = [1, 1]} : vector<128x3xf32> to vector<128x1xf32>
    %slice3A_219 = vector.extract_strided_slice %get3A_213 {offsets = [0, 0], sizes = [1, 512], strides = [1, 1]} : vector<3x512xf32> to vector<1x512xf32>
    %slice3A_220 = vector.extract_strided_slice %get3A_213 {offsets = [1, 0], sizes = [1, 512], strides = [1, 1]} : vector<3x512xf32> to vector<1x512xf32>
    %slice3A_221 = vector.extract_strided_slice %get3A_213 {offsets = [2, 0], sizes = [1, 512], strides = [1, 1]} : vector<3x512xf32> to vector<1x512xf32>
    %mul3A_222 = arith.mulf %slice3A_216, %slice3A_216 : vector<128x1xf32>
    %mul3A_223 = arith.mulf %slice3A_217, %slice3A_217 : vector<128x1xf32>
    %add3A_224 = arith.addf %mul3A_222, %mul3A_223 : vector<128x1xf32>
    %mul3A_225 = arith.mulf %slice3A_218, %slice3A_218 : vector<128x1xf32>
    %add3A_226 = arith.addf %add3A_224, %mul3A_225 : vector<128x1xf32>
    %mul3A_227 = arith.mulf %slice3A_219, %slice3A_219 : vector<1x512xf32>
    %mul3A_228 = arith.mulf %slice3A_220, %slice3A_220 : vector<1x512xf32>
    %add3A_229 = arith.addf %mul3A_227, %mul3A_228 : vector<1x512xf32>
    %mul3A_230 = arith.mulf %slice3A_221, %slice3A_221 : vector<1x512xf32>
    %add3A_231 = arith.addf %add3A_229, %mul3A_230 : vector<1x512xf32>
    %broadcast_in_dim3A_232 = vector.shape_cast %add3A_231 : vector<1x512xf32> to vector<1x512xf32>
    %broadcast_in_dim3A_233 = vector.broadcast %broadcast_in_dim3A_232 : vector<1x512xf32> to vector<128x512xf32>
    %get3A_234 = arith.constant 8 : index
    %get3A_235 = arith.constant 0 : index
    %get3A_236 = arith.constant 0 : index
    %get3A_237 = vector.load %arg1[%get3A_234, %get3A_235, %get3A_236] : memref<16x128x3xf32, #tpu.memory_space<vmem>>, vector<1x128x3xf32>
    %get3A_238 = vector.shape_cast %get3A_237 : vector<1x128x3xf32> to vector<128x3xf32>
    %get3A_239 = arith.constant 8 : index
    %get3A_240 = arith.constant 0 : index
    %get3A_241 = arith.constant 0 : index
    %get3A_242 = vector.load %arg0[%get3A_239, %get3A_240, %get3A_241] : memref<16x3x512xf32, #tpu.memory_space<vmem>>, vector<1x3x512xf32>
    %get3A_243 = vector.shape_cast %get3A_242 : vector<1x3x512xf32> to vector<3x512xf32>
    %dot_general3A_244 = arith.constant dense<0.000000e+00> : vector<128x512xf32>
    %dot_general3A_245 = tpu.matmul %get3A_238, %get3A_243, %dot_general3A_244 {dimension_numbers = #tpu.dot_dimension_numbers<[1], [0], [0], [1], [0, 0, 1, 1], [], []>, transpose_lhs_hint = false} : vector<128x3xf32>, vector<3x512xf32>, vector<128x512xf32> -> vector<128x512xf32>
    %slice3A_246 = vector.extract_strided_slice %get3A_238 {offsets = [0, 0], sizes = [128, 1], strides = [1, 1]} : vector<128x3xf32> to vector<128x1xf32>
    %slice3A_247 = vector.extract_strided_slice %get3A_238 {offsets = [0, 1], sizes = [128, 1], strides = [1, 1]} : vector<128x3xf32> to vector<128x1xf32>
    %slice3A_248 = vector.extract_strided_slice %get3A_238 {offsets = [0, 2], sizes = [128, 1], strides = [1, 1]} : vector<128x3xf32> to vector<128x1xf32>
    %slice3A_249 = vector.extract_strided_slice %get3A_243 {offsets = [0, 0], sizes = [1, 512], strides = [1, 1]} : vector<3x512xf32> to vector<1x512xf32>
    %slice3A_250 = vector.extract_strided_slice %get3A_243 {offsets = [1, 0], sizes = [1, 512], strides = [1, 1]} : vector<3x512xf32> to vector<1x512xf32>
    %slice3A_251 = vector.extract_strided_slice %get3A_243 {offsets = [2, 0], sizes = [1, 512], strides = [1, 1]} : vector<3x512xf32> to vector<1x512xf32>
    %mul3A_252 = arith.mulf %slice3A_246, %slice3A_246 : vector<128x1xf32>
    %mul3A_253 = arith.mulf %slice3A_247, %slice3A_247 : vector<128x1xf32>
    %add3A_254 = arith.addf %mul3A_252, %mul3A_253 : vector<128x1xf32>
    %mul3A_255 = arith.mulf %slice3A_248, %slice3A_248 : vector<128x1xf32>
    %add3A_256 = arith.addf %add3A_254, %mul3A_255 : vector<128x1xf32>
    %mul3A_257 = arith.mulf %slice3A_249, %slice3A_249 : vector<1x512xf32>
    %mul3A_258 = arith.mulf %slice3A_250, %slice3A_250 : vector<1x512xf32>
    %add3A_259 = arith.addf %mul3A_257, %mul3A_258 : vector<1x512xf32>
    %mul3A_260 = arith.mulf %slice3A_251, %slice3A_251 : vector<1x512xf32>
    %add3A_261 = arith.addf %add3A_259, %mul3A_260 : vector<1x512xf32>
    %broadcast_in_dim3A_262 = vector.shape_cast %add3A_261 : vector<1x512xf32> to vector<1x512xf32>
    %broadcast_in_dim3A_263 = vector.broadcast %broadcast_in_dim3A_262 : vector<1x512xf32> to vector<128x512xf32>
    %get3A_264 = arith.constant 9 : index
    %get3A_265 = arith.constant 0 : index
    %get3A_266 = arith.constant 0 : index
    %get3A_267 = vector.load %arg1[%get3A_264, %get3A_265, %get3A_266] : memref<16x128x3xf32, #tpu.memory_space<vmem>>, vector<1x128x3xf32>
    %get3A_268 = vector.shape_cast %get3A_267 : vector<1x128x3xf32> to vector<128x3xf32>
    %get3A_269 = arith.constant 9 : index
    %get3A_270 = arith.constant 0 : index
    %get3A_271 = arith.constant 0 : index
    %get3A_272 = vector.load %arg0[%get3A_269, %get3A_270, %get3A_271] : memref<16x3x512xf32, #tpu.memory_space<vmem>>, vector<1x3x512xf32>
    %get3A_273 = vector.shape_cast %get3A_272 : vector<1x3x512xf32> to vector<3x512xf32>
    %dot_general3A_274 = arith.constant dense<0.000000e+00> : vector<128x512xf32>
    %dot_general3A_275 = tpu.matmul %get3A_268, %get3A_273, %dot_general3A_274 {dimension_numbers = #tpu.dot_dimension_numbers<[1], [0], [0], [1], [0, 0, 1, 1], [], []>, transpose_lhs_hint = false} : vector<128x3xf32>, vector<3x512xf32>, vector<128x512xf32> -> vector<128x512xf32>
    %slice3A_276 = vector.extract_strided_slice %get3A_268 {offsets = [0, 0], sizes = [128, 1], strides = [1, 1]} : vector<128x3xf32> to vector<128x1xf32>
    %slice3A_277 = vector.extract_strided_slice %get3A_268 {offsets = [0, 1], sizes = [128, 1], strides = [1, 1]} : vector<128x3xf32> to vector<128x1xf32>
    %slice3A_278 = vector.extract_strided_slice %get3A_268 {offsets = [0, 2], sizes = [128, 1], strides = [1, 1]} : vector<128x3xf32> to vector<128x1xf32>
    %slice3A_279 = vector.extract_strided_slice %get3A_273 {offsets = [0, 0], sizes = [1, 512], strides = [1, 1]} : vector<3x512xf32> to vector<1x512xf32>
    %slice3A_280 = vector.extract_strided_slice %get3A_273 {offsets = [1, 0], sizes = [1, 512], strides = [1, 1]} : vector<3x512xf32> to vector<1x512xf32>
    %slice3A_281 = vector.extract_strided_slice %get3A_273 {offsets = [2, 0], sizes = [1, 512], strides = [1, 1]} : vector<3x512xf32> to vector<1x512xf32>
    %mul3A_282 = arith.mulf %slice3A_276, %slice3A_276 : vector<128x1xf32>
    %mul3A_283 = arith.mulf %slice3A_277, %slice3A_277 : vector<128x1xf32>
    %add3A_284 = arith.addf %mul3A_282, %mul3A_283 : vector<128x1xf32>
    %mul3A_285 = arith.mulf %slice3A_278, %slice3A_278 : vector<128x1xf32>
    %add3A_286 = arith.addf %add3A_284, %mul3A_285 : vector<128x1xf32>
    %mul3A_287 = arith.mulf %slice3A_279, %slice3A_279 : vector<1x512xf32>
    %mul3A_288 = arith.mulf %slice3A_280, %slice3A_280 : vector<1x512xf32>
    %add3A_289 = arith.addf %mul3A_287, %mul3A_288 : vector<1x512xf32>
    %mul3A_290 = arith.mulf %slice3A_281, %slice3A_281 : vector<1x512xf32>
    %add3A_291 = arith.addf %add3A_289, %mul3A_290 : vector<1x512xf32>
    %broadcast_in_dim3A_292 = vector.shape_cast %add3A_291 : vector<1x512xf32> to vector<1x512xf32>
    %broadcast_in_dim3A_293 = vector.broadcast %broadcast_in_dim3A_292 : vector<1x512xf32> to vector<128x512xf32>
    %get3A_294 = arith.constant 10 : index
    %get3A_295 = arith.constant 0 : index
    %get3A_296 = arith.constant 0 : index
    %get3A_297 = vector.load %arg1[%get3A_294, %get3A_295, %get3A_296] : memref<16x128x3xf32, #tpu.memory_space<vmem>>, vector<1x128x3xf32>
    %get3A_298 = vector.shape_cast %get3A_297 : vector<1x128x3xf32> to vector<128x3xf32>
    %get3A_299 = arith.constant 10 : index
    %get3A_300 = arith.constant 0 : index
    %get3A_301 = arith.constant 0 : index
    %get3A_302 = vector.load %arg0[%get3A_299, %get3A_300, %get3A_301] : memref<16x3x512xf32, #tpu.memory_space<vmem>>, vector<1x3x512xf32>
    %get3A_303 = vector.shape_cast %get3A_302 : vector<1x3x512xf32> to vector<3x512xf32>
    %dot_general3A_304 = arith.constant dense<0.000000e+00> : vector<128x512xf32>
    %dot_general3A_305 = tpu.matmul %get3A_298, %get3A_303, %dot_general3A_304 {dimension_numbers = #tpu.dot_dimension_numbers<[1], [0], [0], [1], [0, 0, 1, 1], [], []>, transpose_lhs_hint = false} : vector<128x3xf32>, vector<3x512xf32>, vector<128x512xf32> -> vector<128x512xf32>
    %slice3A_306 = vector.extract_strided_slice %get3A_298 {offsets = [0, 0], sizes = [128, 1], strides = [1, 1]} : vector<128x3xf32> to vector<128x1xf32>
    %slice3A_307 = vector.extract_strided_slice %get3A_298 {offsets = [0, 1], sizes = [128, 1], strides = [1, 1]} : vector<128x3xf32> to vector<128x1xf32>
    %slice3A_308 = vector.extract_strided_slice %get3A_298 {offsets = [0, 2], sizes = [128, 1], strides = [1, 1]} : vector<128x3xf32> to vector<128x1xf32>
    %slice3A_309 = vector.extract_strided_slice %get3A_303 {offsets = [0, 0], sizes = [1, 512], strides = [1, 1]} : vector<3x512xf32> to vector<1x512xf32>
    %slice3A_310 = vector.extract_strided_slice %get3A_303 {offsets = [1, 0], sizes = [1, 512], strides = [1, 1]} : vector<3x512xf32> to vector<1x512xf32>
    %slice3A_311 = vector.extract_strided_slice %get3A_303 {offsets = [2, 0], sizes = [1, 512], strides = [1, 1]} : vector<3x512xf32> to vector<1x512xf32>
    %mul3A_312 = arith.mulf %slice3A_306, %slice3A_306 : vector<128x1xf32>
    %mul3A_313 = arith.mulf %slice3A_307, %slice3A_307 : vector<128x1xf32>
    %add3A_314 = arith.addf %mul3A_312, %mul3A_313 : vector<128x1xf32>
    %mul3A_315 = arith.mulf %slice3A_308, %slice3A_308 : vector<128x1xf32>
    %add3A_316 = arith.addf %add3A_314, %mul3A_315 : vector<128x1xf32>
    %mul3A_317 = arith.mulf %slice3A_309, %slice3A_309 : vector<1x512xf32>
    %mul3A_318 = arith.mulf %slice3A_310, %slice3A_310 : vector<1x512xf32>
    %add3A_319 = arith.addf %mul3A_317, %mul3A_318 : vector<1x512xf32>
    %mul3A_320 = arith.mulf %slice3A_311, %slice3A_311 : vector<1x512xf32>
    %add3A_321 = arith.addf %add3A_319, %mul3A_320 : vector<1x512xf32>
    %broadcast_in_dim3A_322 = vector.shape_cast %add3A_321 : vector<1x512xf32> to vector<1x512xf32>
    %broadcast_in_dim3A_323 = vector.broadcast %broadcast_in_dim3A_322 : vector<1x512xf32> to vector<128x512xf32>
    %get3A_324 = arith.constant 11 : index
    %get3A_325 = arith.constant 0 : index
    %get3A_326 = arith.constant 0 : index
    %get3A_327 = vector.load %arg1[%get3A_324, %get3A_325, %get3A_326] : memref<16x128x3xf32, #tpu.memory_space<vmem>>, vector<1x128x3xf32>
    %get3A_328 = vector.shape_cast %get3A_327 : vector<1x128x3xf32> to vector<128x3xf32>
    %get3A_329 = arith.constant 11 : index
    %get3A_330 = arith.constant 0 : index
    %get3A_331 = arith.constant 0 : index
    %get3A_332 = vector.load %arg0[%get3A_329, %get3A_330, %get3A_331] : memref<16x3x512xf32, #tpu.memory_space<vmem>>, vector<1x3x512xf32>
    %get3A_333 = vector.shape_cast %get3A_332 : vector<1x3x512xf32> to vector<3x512xf32>
    %dot_general3A_334 = arith.constant dense<0.000000e+00> : vector<128x512xf32>
    %dot_general3A_335 = tpu.matmul %get3A_328, %get3A_333, %dot_general3A_334 {dimension_numbers = #tpu.dot_dimension_numbers<[1], [0], [0], [1], [0, 0, 1, 1], [], []>, transpose_lhs_hint = false} : vector<128x3xf32>, vector<3x512xf32>, vector<128x512xf32> -> vector<128x512xf32>
    %slice3A_336 = vector.extract_strided_slice %get3A_328 {offsets = [0, 0], sizes = [128, 1], strides = [1, 1]} : vector<128x3xf32> to vector<128x1xf32>
    %slice3A_337 = vector.extract_strided_slice %get3A_328 {offsets = [0, 1], sizes = [128, 1], strides = [1, 1]} : vector<128x3xf32> to vector<128x1xf32>
    %slice3A_338 = vector.extract_strided_slice %get3A_328 {offsets = [0, 2], sizes = [128, 1], strides = [1, 1]} : vector<128x3xf32> to vector<128x1xf32>
    %slice3A_339 = vector.extract_strided_slice %get3A_333 {offsets = [0, 0], sizes = [1, 512], strides = [1, 1]} : vector<3x512xf32> to vector<1x512xf32>
    %slice3A_340 = vector.extract_strided_slice %get3A_333 {offsets = [1, 0], sizes = [1, 512], strides = [1, 1]} : vector<3x512xf32> to vector<1x512xf32>
    %slice3A_341 = vector.extract_strided_slice %get3A_333 {offsets = [2, 0], sizes = [1, 512], strides = [1, 1]} : vector<3x512xf32> to vector<1x512xf32>
    %mul3A_342 = arith.mulf %slice3A_336, %slice3A_336 : vector<128x1xf32>
    %mul3A_343 = arith.mulf %slice3A_337, %slice3A_337 : vector<128x1xf32>
    %add3A_344 = arith.addf %mul3A_342, %mul3A_343 : vector<128x1xf32>
    %mul3A_345 = arith.mulf %slice3A_338, %slice3A_338 : vector<128x1xf32>
    %add3A_346 = arith.addf %add3A_344, %mul3A_345 : vector<128x1xf32>
    %mul3A_347 = arith.mulf %slice3A_339, %slice3A_339 : vector<1x512xf32>
    %mul3A_348 = arith.mulf %slice3A_340, %slice3A_340 : vector<1x512xf32>
    %add3A_349 = arith.addf %mul3A_347, %mul3A_348 : vector<1x512xf32>
    %mul3A_350 = arith.mulf %slice3A_341, %slice3A_341 : vector<1x512xf32>
    %add3A_351 = arith.addf %add3A_349, %mul3A_350 : vector<1x512xf32>
    %broadcast_in_dim3A_352 = vector.shape_cast %add3A_351 : vector<1x512xf32> to vector<1x512xf32>
    %broadcast_in_dim3A_353 = vector.broadcast %broadcast_in_dim3A_352 : vector<1x512xf32> to vector<128x512xf32>
    %get3A_354 = arith.constant 12 : index
    %get3A_355 = arith.constant 0 : index
    %get3A_356 = arith.constant 0 : index
    %get3A_357 = vector.load %arg1[%get3A_354, %get3A_355, %get3A_356] : memref<16x128x3xf32, #tpu.memory_space<vmem>>, vector<1x128x3xf32>
    %get3A_358 = vector.shape_cast %get3A_357 : vector<1x128x3xf32> to vector<128x3xf32>
    %get3A_359 = arith.constant 12 : index
    %get3A_360 = arith.constant 0 : index
    %get3A_361 = arith.constant 0 : index
    %get3A_362 = vector.load %arg0[%get3A_359, %get3A_360, %get3A_361] : memref<16x3x512xf32, #tpu.memory_space<vmem>>, vector<1x3x512xf32>
    %get3A_363 = vector.shape_cast %get3A_362 : vector<1x3x512xf32> to vector<3x512xf32>
    %dot_general3A_364 = arith.constant dense<0.000000e+00> : vector<128x512xf32>
    %dot_general3A_365 = tpu.matmul %get3A_358, %get3A_363, %dot_general3A_364 {dimension_numbers = #tpu.dot_dimension_numbers<[1], [0], [0], [1], [0, 0, 1, 1], [], []>, transpose_lhs_hint = false} : vector<128x3xf32>, vector<3x512xf32>, vector<128x512xf32> -> vector<128x512xf32>
    %slice3A_366 = vector.extract_strided_slice %get3A_358 {offsets = [0, 0], sizes = [128, 1], strides = [1, 1]} : vector<128x3xf32> to vector<128x1xf32>
    %slice3A_367 = vector.extract_strided_slice %get3A_358 {offsets = [0, 1], sizes = [128, 1], strides = [1, 1]} : vector<128x3xf32> to vector<128x1xf32>
    %slice3A_368 = vector.extract_strided_slice %get3A_358 {offsets = [0, 2], sizes = [128, 1], strides = [1, 1]} : vector<128x3xf32> to vector<128x1xf32>
    %slice3A_369 = vector.extract_strided_slice %get3A_363 {offsets = [0, 0], sizes = [1, 512], strides = [1, 1]} : vector<3x512xf32> to vector<1x512xf32>
    %slice3A_370 = vector.extract_strided_slice %get3A_363 {offsets = [1, 0], sizes = [1, 512], strides = [1, 1]} : vector<3x512xf32> to vector<1x512xf32>
    %slice3A_371 = vector.extract_strided_slice %get3A_363 {offsets = [2, 0], sizes = [1, 512], strides = [1, 1]} : vector<3x512xf32> to vector<1x512xf32>
    %mul3A_372 = arith.mulf %slice3A_366, %slice3A_366 : vector<128x1xf32>
    %mul3A_373 = arith.mulf %slice3A_367, %slice3A_367 : vector<128x1xf32>
    %add3A_374 = arith.addf %mul3A_372, %mul3A_373 : vector<128x1xf32>
    %mul3A_375 = arith.mulf %slice3A_368, %slice3A_368 : vector<128x1xf32>
    %add3A_376 = arith.addf %add3A_374, %mul3A_375 : vector<128x1xf32>
    %mul3A_377 = arith.mulf %slice3A_369, %slice3A_369 : vector<1x512xf32>
    %mul3A_378 = arith.mulf %slice3A_370, %slice3A_370 : vector<1x512xf32>
    %add3A_379 = arith.addf %mul3A_377, %mul3A_378 : vector<1x512xf32>
    %mul3A_380 = arith.mulf %slice3A_371, %slice3A_371 : vector<1x512xf32>
    %add3A_381 = arith.addf %add3A_379, %mul3A_380 : vector<1x512xf32>
    %broadcast_in_dim3A_382 = vector.shape_cast %add3A_381 : vector<1x512xf32> to vector<1x512xf32>
    %broadcast_in_dim3A_383 = vector.broadcast %broadcast_in_dim3A_382 : vector<1x512xf32> to vector<128x512xf32>
    %get3A_384 = arith.constant 13 : index
    %get3A_385 = arith.constant 0 : index
    %get3A_386 = arith.constant 0 : index
    %get3A_387 = vector.load %arg1[%get3A_384, %get3A_385, %get3A_386] : memref<16x128x3xf32, #tpu.memory_space<vmem>>, vector<1x128x3xf32>
    %get3A_388 = vector.shape_cast %get3A_387 : vector<1x128x3xf32> to vector<128x3xf32>
    %get3A_389 = arith.constant 13 : index
    %get3A_390 = arith.constant 0 : index
    %get3A_391 = arith.constant 0 : index
    %get3A_392 = vector.load %arg0[%get3A_389, %get3A_390, %get3A_391] : memref<16x3x512xf32, #tpu.memory_space<vmem>>, vector<1x3x512xf32>
    %get3A_393 = vector.shape_cast %get3A_392 : vector<1x3x512xf32> to vector<3x512xf32>
    %dot_general3A_394 = arith.constant dense<0.000000e+00> : vector<128x512xf32>
    %dot_general3A_395 = tpu.matmul %get3A_388, %get3A_393, %dot_general3A_394 {dimension_numbers = #tpu.dot_dimension_numbers<[1], [0], [0], [1], [0, 0, 1, 1], [], []>, transpose_lhs_hint = false} : vector<128x3xf32>, vector<3x512xf32>, vector<128x512xf32> -> vector<128x512xf32>
    %slice3A_396 = vector.extract_strided_slice %get3A_388 {offsets = [0, 0], sizes = [128, 1], strides = [1, 1]} : vector<128x3xf32> to vector<128x1xf32>
    %slice3A_397 = vector.extract_strided_slice %get3A_388 {offsets = [0, 1], sizes = [128, 1], strides = [1, 1]} : vector<128x3xf32> to vector<128x1xf32>
    %slice3A_398 = vector.extract_strided_slice %get3A_388 {offsets = [0, 2], sizes = [128, 1], strides = [1, 1]} : vector<128x3xf32> to vector<128x1xf32>
    %slice3A_399 = vector.extract_strided_slice %get3A_393 {offsets = [0, 0], sizes = [1, 512], strides = [1, 1]} : vector<3x512xf32> to vector<1x512xf32>
    %slice3A_400 = vector.extract_strided_slice %get3A_393 {offsets = [1, 0], sizes = [1, 512], strides = [1, 1]} : vector<3x512xf32> to vector<1x512xf32>
    %slice3A_401 = vector.extract_strided_slice %get3A_393 {offsets = [2, 0], sizes = [1, 512], strides = [1, 1]} : vector<3x512xf32> to vector<1x512xf32>
    %mul3A_402 = arith.mulf %slice3A_396, %slice3A_396 : vector<128x1xf32>
    %mul3A_403 = arith.mulf %slice3A_397, %slice3A_397 : vector<128x1xf32>
    %add3A_404 = arith.addf %mul3A_402, %mul3A_403 : vector<128x1xf32>
    %mul3A_405 = arith.mulf %slice3A_398, %slice3A_398 : vector<128x1xf32>
    %add3A_406 = arith.addf %add3A_404, %mul3A_405 : vector<128x1xf32>
    %mul3A_407 = arith.mulf %slice3A_399, %slice3A_399 : vector<1x512xf32>
    %mul3A_408 = arith.mulf %slice3A_400, %slice3A_400 : vector<1x512xf32>
    %add3A_409 = arith.addf %mul3A_407, %mul3A_408 : vector<1x512xf32>
    %mul3A_410 = arith.mulf %slice3A_401, %slice3A_401 : vector<1x512xf32>
    %add3A_411 = arith.addf %add3A_409, %mul3A_410 : vector<1x512xf32>
    %broadcast_in_dim3A_412 = vector.shape_cast %add3A_411 : vector<1x512xf32> to vector<1x512xf32>
    %broadcast_in_dim3A_413 = vector.broadcast %broadcast_in_dim3A_412 : vector<1x512xf32> to vector<128x512xf32>
    %get3A_414 = arith.constant 14 : index
    %get3A_415 = arith.constant 0 : index
    %get3A_416 = arith.constant 0 : index
    %get3A_417 = vector.load %arg1[%get3A_414, %get3A_415, %get3A_416] : memref<16x128x3xf32, #tpu.memory_space<vmem>>, vector<1x128x3xf32>
    %get3A_418 = vector.shape_cast %get3A_417 : vector<1x128x3xf32> to vector<128x3xf32>
    %get3A_419 = arith.constant 14 : index
    %get3A_420 = arith.constant 0 : index
    %get3A_421 = arith.constant 0 : index
    %get3A_422 = vector.load %arg0[%get3A_419, %get3A_420, %get3A_421] : memref<16x3x512xf32, #tpu.memory_space<vmem>>, vector<1x3x512xf32>
    %get3A_423 = vector.shape_cast %get3A_422 : vector<1x3x512xf32> to vector<3x512xf32>
    %dot_general3A_424 = arith.constant dense<0.000000e+00> : vector<128x512xf32>
    %dot_general3A_425 = tpu.matmul %get3A_418, %get3A_423, %dot_general3A_424 {dimension_numbers = #tpu.dot_dimension_numbers<[1], [0], [0], [1], [0, 0, 1, 1], [], []>, transpose_lhs_hint = false} : vector<128x3xf32>, vector<3x512xf32>, vector<128x512xf32> -> vector<128x512xf32>
    %slice3A_426 = vector.extract_strided_slice %get3A_418 {offsets = [0, 0], sizes = [128, 1], strides = [1, 1]} : vector<128x3xf32> to vector<128x1xf32>
    %slice3A_427 = vector.extract_strided_slice %get3A_418 {offsets = [0, 1], sizes = [128, 1], strides = [1, 1]} : vector<128x3xf32> to vector<128x1xf32>
    %slice3A_428 = vector.extract_strided_slice %get3A_418 {offsets = [0, 2], sizes = [128, 1], strides = [1, 1]} : vector<128x3xf32> to vector<128x1xf32>
    %slice3A_429 = vector.extract_strided_slice %get3A_423 {offsets = [0, 0], sizes = [1, 512], strides = [1, 1]} : vector<3x512xf32> to vector<1x512xf32>
    %slice3A_430 = vector.extract_strided_slice %get3A_423 {offsets = [1, 0], sizes = [1, 512], strides = [1, 1]} : vector<3x512xf32> to vector<1x512xf32>
    %slice3A_431 = vector.extract_strided_slice %get3A_423 {offsets = [2, 0], sizes = [1, 512], strides = [1, 1]} : vector<3x512xf32> to vector<1x512xf32>
    %mul3A_432 = arith.mulf %slice3A_426, %slice3A_426 : vector<128x1xf32>
    %mul3A_433 = arith.mulf %slice3A_427, %slice3A_427 : vector<128x1xf32>
    %add3A_434 = arith.addf %mul3A_432, %mul3A_433 : vector<128x1xf32>
    %mul3A_435 = arith.mulf %slice3A_428, %slice3A_428 : vector<128x1xf32>
    %add3A_436 = arith.addf %add3A_434, %mul3A_435 : vector<128x1xf32>
    %mul3A_437 = arith.mulf %slice3A_429, %slice3A_429 : vector<1x512xf32>
    %mul3A_438 = arith.mulf %slice3A_430, %slice3A_430 : vector<1x512xf32>
    %add3A_439 = arith.addf %mul3A_437, %mul3A_438 : vector<1x512xf32>
    %mul3A_440 = arith.mulf %slice3A_431, %slice3A_431 : vector<1x512xf32>
    %add3A_441 = arith.addf %add3A_439, %mul3A_440 : vector<1x512xf32>
    %broadcast_in_dim3A_442 = vector.shape_cast %add3A_441 : vector<1x512xf32> to vector<1x512xf32>
    %broadcast_in_dim3A_443 = vector.broadcast %broadcast_in_dim3A_442 : vector<1x512xf32> to vector<128x512xf32>
    %get3A_444 = arith.constant 15 : index
    %get3A_445 = arith.constant 0 : index
    %get3A_446 = arith.constant 0 : index
    %get3A_447 = vector.load %arg1[%get3A_444, %get3A_445, %get3A_446] : memref<16x128x3xf32, #tpu.memory_space<vmem>>, vector<1x128x3xf32>
    %get3A_448 = vector.shape_cast %get3A_447 : vector<1x128x3xf32> to vector<128x3xf32>
    %get3A_449 = arith.constant 15 : index
    %get3A_450 = arith.constant 0 : index
    %get3A_451 = arith.constant 0 : index
    %get3A_452 = vector.load %arg0[%get3A_449, %get3A_450, %get3A_451] : memref<16x3x512xf32, #tpu.memory_space<vmem>>, vector<1x3x512xf32>
    %get3A_453 = vector.shape_cast %get3A_452 : vector<1x3x512xf32> to vector<3x512xf32>
    %dot_general3A_454 = arith.constant dense<0.000000e+00> : vector<128x512xf32>
    %dot_general3A_455 = tpu.matmul %get3A_448, %get3A_453, %dot_general3A_454 {dimension_numbers = #tpu.dot_dimension_numbers<[1], [0], [0], [1], [0, 0, 1, 1], [], []>, transpose_lhs_hint = false} : vector<128x3xf32>, vector<3x512xf32>, vector<128x512xf32> -> vector<128x512xf32>
    %slice3A_456 = vector.extract_strided_slice %get3A_448 {offsets = [0, 0], sizes = [128, 1], strides = [1, 1]} : vector<128x3xf32> to vector<128x1xf32>
    %slice3A_457 = vector.extract_strided_slice %get3A_448 {offsets = [0, 1], sizes = [128, 1], strides = [1, 1]} : vector<128x3xf32> to vector<128x1xf32>
    %slice3A_458 = vector.extract_strided_slice %get3A_448 {offsets = [0, 2], sizes = [128, 1], strides = [1, 1]} : vector<128x3xf32> to vector<128x1xf32>
    %slice3A_459 = vector.extract_strided_slice %get3A_453 {offsets = [0, 0], sizes = [1, 512], strides = [1, 1]} : vector<3x512xf32> to vector<1x512xf32>
    %slice3A_460 = vector.extract_strided_slice %get3A_453 {offsets = [1, 0], sizes = [1, 512], strides = [1, 1]} : vector<3x512xf32> to vector<1x512xf32>
    %slice3A_461 = vector.extract_strided_slice %get3A_453 {offsets = [2, 0], sizes = [1, 512], strides = [1, 1]} : vector<3x512xf32> to vector<1x512xf32>
    %mul3A_462 = arith.mulf %slice3A_456, %slice3A_456 : vector<128x1xf32>
    %mul3A_463 = arith.mulf %slice3A_457, %slice3A_457 : vector<128x1xf32>
    %add3A_464 = arith.addf %mul3A_462, %mul3A_463 : vector<128x1xf32>
    %mul3A_465 = arith.mulf %slice3A_458, %slice3A_458 : vector<128x1xf32>
    %add3A_466 = arith.addf %add3A_464, %mul3A_465 : vector<128x1xf32>
    %mul3A_467 = arith.mulf %slice3A_459, %slice3A_459 : vector<1x512xf32>
    %mul3A_468 = arith.mulf %slice3A_460, %slice3A_460 : vector<1x512xf32>
    %add3A_469 = arith.addf %mul3A_467, %mul3A_468 : vector<1x512xf32>
    %mul3A_470 = arith.mulf %slice3A_461, %slice3A_461 : vector<1x512xf32>
    %add3A_471 = arith.addf %add3A_469, %mul3A_470 : vector<1x512xf32>
    %broadcast_in_dim3A_472 = vector.shape_cast %add3A_471 : vector<1x512xf32> to vector<1x512xf32>
    %broadcast_in_dim3A_473 = vector.broadcast %broadcast_in_dim3A_472 : vector<1x512xf32> to vector<128x512xf32>
    %concatenate3A = tpu.concatenate %dot_general3A_9, %dot_general3A_35, %dot_general3A_65, %dot_general3A_95, %dot_general3A_125, %dot_general3A_155, %dot_general3A_185, %dot_general3A_215, %dot_general3A_245, %dot_general3A_275, %dot_general3A_305, %dot_general3A_335, %dot_general3A_365, %dot_general3A_395, %dot_general3A_425, %dot_general3A_455 in 0 : vector<128x512xf32>, vector<128x512xf32>, vector<128x512xf32>, vector<128x512xf32>, vector<128x512xf32>, vector<128x512xf32>, vector<128x512xf32>, vector<128x512xf32>, vector<128x512xf32>, vector<128x512xf32>, vector<128x512xf32>, vector<128x512xf32>, vector<128x512xf32>, vector<128x512xf32>, vector<128x512xf32>, vector<128x512xf32> -> vector<2048x512xf32>
    %concatenate3A_474 = tpu.concatenate %add3A_17, %add3A_46, %add3A_76, %add3A_106, %add3A_136, %add3A_166, %add3A_196, %add3A_226, %add3A_256, %add3A_286, %add3A_316, %add3A_346, %add3A_376, %add3A_406, %add3A_436, %add3A_466 in 0 : vector<128x1xf32>, vector<128x1xf32>, vector<128x1xf32>, vector<128x1xf32>, vector<128x1xf32>, vector<128x1xf32>, vector<128x1xf32>, vector<128x1xf32>, vector<128x1xf32>, vector<128x1xf32>, vector<128x1xf32>, vector<128x1xf32>, vector<128x1xf32>, vector<128x1xf32>, vector<128x1xf32>, vector<128x1xf32> -> vector<2048x1xf32>
    %concatenate3A_475 = tpu.concatenate %broadcast_in_dim3A_23, %broadcast_in_dim3A_53, %broadcast_in_dim3A_83, %broadcast_in_dim3A_113, %broadcast_in_dim3A_143, %broadcast_in_dim3A_173, %broadcast_in_dim3A_203, %broadcast_in_dim3A_233, %broadcast_in_dim3A_263, %broadcast_in_dim3A_293, %broadcast_in_dim3A_323, %broadcast_in_dim3A_353, %broadcast_in_dim3A_383, %broadcast_in_dim3A_413, %broadcast_in_dim3A_443, %broadcast_in_dim3A_473 in 0 : vector<128x512xf32>, vector<128x512xf32>, vector<128x512xf32>, vector<128x512xf32>, vector<128x512xf32>, vector<128x512xf32>, vector<128x512xf32>, vector<128x512xf32>, vector<128x512xf32>, vector<128x512xf32>, vector<128x512xf32>, vector<128x512xf32>, vector<128x512xf32>, vector<128x512xf32>, vector<128x512xf32>, vector<128x512xf32> -> vector<2048x512xf32>
    %add3A_476 = vector.broadcast %concatenate3A_474 : vector<2048x1xf32> to vector<2048x512xf32>
    %add3A_477 = arith.addf %add3A_476, %concatenate3A_475 : vector<2048x512xf32>
    %mul3A_478 = arith.constant 2.000000e+00 : f32
    %mul3A_479 = vector.broadcast %mul3A_478 : f32 to vector<2048x512xf32>
    %mul3A_480 = arith.mulf %mul3A_479, %concatenate3A : vector<2048x512xf32>
    %sub3A = arith.subf %add3A_477, %mul3A_480 : vector<2048x512xf32>
    %iota3A = tpu.iota {dimensions = array<i32: 1>} : vector<2048x512xi32>
    %iota3A_481 = tpu.iota {dimensions = array<i32: 1>} : vector<2048x64xi32>
    %broadcast_in_dim3A_482 = arith.constant 0 : i32
    %broadcast_in_dim3A_483 = vector.broadcast %broadcast_in_dim3A_482 : i32 to vector<2048x64xi32>
    %scan3A = arith.constant 0 : i32
    %scan3A_484 = arith.constant 64 : i32
    %scan3A_485 = arith.addi %scan3A, %scan3A_484 : i32
    %scan3A_486 = arith.constant 1 : i32
    %scan3A_487:2 = scf.for %scan3A_492 = %scan3A to %scan3A_485 step %scan3A_486 iter_args(%scan3A_493 = %sub3A, %scan3A_494 = %broadcast_in_dim3A_483) -> (vector<2048x512xf32>, vector<2048x64xi32>)  : i32 {
      %reduce_min3A = arith.constant dense<0x7F800000> : vector<2048xf32>
      %reduce_min3A_495 = vector.multi_reduction <minimumf>, %scan3A_493, %reduce_min3A [1] : vector<2048x512xf32> to vector<2048xf32>
      %broadcast_in_dim3A_496 = vector.shape_cast %reduce_min3A_495 : vector<2048xf32> to vector<2048x1xf32>
      %eq3A = vector.broadcast %broadcast_in_dim3A_496 : vector<2048x1xf32> to vector<2048x512xf32>
      %eq3A_497 = arith.cmpf oeq, %scan3A_493, %eq3A : vector<2048x512xf32>
      %jit3A = arith.constant 512 : i32
      %broadcast_in_dim3A_498 = vector.broadcast %jit3A : i32 to vector<2048x512xi32>
      %select_n3A = arith.select %eq3A_497, %iota3A, %broadcast_in_dim3A_498 : vector<2048x512xi1>, vector<2048x512xi32>
      %reduce_min3A_499 = arith.constant dense<2147483647> : vector<2048xi32>
      %reduce_min3A_500 = vector.multi_reduction <minsi>, %select_n3A, %reduce_min3A_499 [1] : vector<2048x512xi32> to vector<2048xi32>
      %broadcast_in_dim3A_501 = vector.shape_cast %reduce_min3A_500 : vector<2048xi32> to vector<2048x1xi32>
      %eq3A_502 = vector.broadcast %scan3A_492 : i32 to vector<2048x64xi32>
      %eq3A_503 = arith.cmpi eq, %iota3A_481, %eq3A_502 : vector<2048x64xi32>
      %broadcast_in_dim3A_504 = vector.shape_cast %broadcast_in_dim3A_501 : vector<2048x1xi32> to vector<2048x1xi32>
      %broadcast_in_dim3A_505 = vector.broadcast %broadcast_in_dim3A_504 : vector<2048x1xi32> to vector<2048x64xi32>
      %select_n3A_506 = arith.select %eq3A_503, %broadcast_in_dim3A_505, %scan3A_494 : vector<2048x64xi1>, vector<2048x64xi32>
      %eq3A_507 = vector.broadcast %broadcast_in_dim3A_501 : vector<2048x1xi32> to vector<2048x512xi32>
      %eq3A_508 = arith.cmpi eq, %iota3A, %eq3A_507 : vector<2048x512xi32>
      %jit3A_509 = arith.constant 0x7F800000 : f32
      %broadcast_in_dim3A_510 = vector.broadcast %jit3A_509 : f32 to vector<2048x512xf32>
      %select_n3A_511 = arith.select %eq3A_508, %broadcast_in_dim3A_510, %scan3A_493 : vector<2048x512xi1>, vector<2048x512xf32>
      scf.yield %select_n3A_511, %select_n3A_506 : vector<2048x512xf32>, vector<2048x64xi32>
    }
    %scan3A_488 = arith.constant 64 : i32
    %reshape3A = vector.shape_cast %scan3A_487#1 : vector<2048x64xi32> to vector<16x128x64xi32>
    %swap3A = arith.constant 0 : index
    %swap3A_489 = arith.constant 0 : index
    %swap3A_490 = arith.constant 0 : index
    %swap3A_491 = vector.load %arg2[%swap3A, %swap3A_489, %swap3A_490] : memref<16x128x64xi32, #tpu.memory_space<vmem>>, vector<16x128x64xi32>
    tpu.vector_store %arg2[%swap3A, %swap3A_489, %swap3A_490], %reshape3A {strides = array<i32>} : memref<16x128x64xi32, #tpu.memory_space<vmem>>, vector<16x128x64xi32>,
    return
  }
}

module attributes {stable_mosaic.version = 14 : i64} {
  func.func @_g1post_body(%arg0: i32, %arg1: i32, %arg2: memref<1x4096x16xf32, #tpu.memory_space<vmem>>, %arg3: memref<1x128x3xf32, #tpu.memory_space<vmem>>, %arg4: memref<16x64xf32, #tpu.memory_space<vmem>>, %arg5: memref<1x64xf32, #tpu.memory_space<vmem>>, %arg6: memref<1x4096x64xf32, #tpu.memory_space<vmem>>, %arg7: memref<1x64xf32, #tpu.memory_space<vmem>>, %arg8: memref<1x64xf32, #tpu.memory_space<vmem>>) attributes {dimension_semantics = [#tpu.dimension_semantics<arbitrary>, #tpu.dimension_semantics<arbitrary>], iteration_bounds = array<i64: 16, 4>, scalar_prefetch = 0 : i64, scratch_operands = 0 : i64, tpu.core_type = #tpu.core_type<tc>, window_params = [{transform_indices = @transform_0, window_bounds = array<i64: 1, 4096, 16>}, {transform_indices = @transform_1, window_bounds = array<i64: 1, 128, 3>}, {pipeline_mode = #tpu.pipeline_mode<synchronous>, transform_indices = @transform_2, window_bounds = array<i64: 16, 64>}, {pipeline_mode = #tpu.pipeline_mode<synchronous>, transform_indices = @transform_3, window_bounds = array<i64: 1, 64>}, {transform_indices = @transform_4, window_bounds = array<i64: 1, 4096, 64>}, {pipeline_mode = #tpu.pipeline_mode<synchronous>, transform_indices = @transform_5, window_bounds = array<i64: 1, 64>}, {pipeline_mode = #tpu.pipeline_mode<synchronous>, transform_indices = @transform_6, window_bounds = array<i64: 1, 64>}]} {
    %get3A = arith.constant 0 : index
    %get3A_0 = arith.constant 0 : index
    %get3A_1 = arith.constant 0 : index
    %get3A_2 = vector.load %arg2[%get3A, %get3A_0, %get3A_1] : memref<1x4096x16xf32, #tpu.memory_space<vmem>>, vector<1x4096x16xf32>
    %get3A_3 = vector.shape_cast %get3A_2 : vector<1x4096x16xf32> to vector<4096x16xf32>
    %get3A_4 = arith.constant 0 : index
    %get3A_5 = arith.constant 0 : index
    %get3A_6 = arith.constant 0 : index
    %get3A_7 = vector.load %arg3[%get3A_4, %get3A_5, %get3A_6] : memref<1x128x3xf32, #tpu.memory_space<vmem>>, vector<1x128x3xf32>
    %get3A_8 = vector.shape_cast %get3A_7 : vector<1x128x3xf32> to vector<128x3xf32>
    %broadcast_in_dim3A = vector.shape_cast %get3A_8 : vector<128x3xf32> to vector<128x1x3xf32>
    %broadcast_in_dim3A_9 = vector.shape_cast %broadcast_in_dim3A : vector<128x1x3xf32> to vector<128x1x3xf32>
    %broadcast_in_dim3A_10 = vector.broadcast %broadcast_in_dim3A_9 : vector<128x1x3xf32> to vector<128x32x3xf32>
    %reshape3A = vector.shape_cast %broadcast_in_dim3A_10 : vector<128x32x3xf32> to vector<4096x3xf32>
    %broadcast_in_dim3A_11 = arith.constant 0.000000e+00 : f32
    %broadcast_in_dim3A_12 = vector.broadcast %broadcast_in_dim3A_11 : f32 to vector<4096x13xf32>
    %concatenate3A = tpu.concatenate %reshape3A, %broadcast_in_dim3A_12 in 1 : vector<4096x3xf32>, vector<4096x13xf32> -> vector<4096x16xf32>
    %sub3A = arith.subf %get3A_3, %concatenate3A : vector<4096x16xf32>
    %get3A_13 = arith.constant 0 : index
    %get3A_14 = arith.constant 0 : index
    %get3A_15 = vector.load %arg4[%get3A_13, %get3A_14] : memref<16x64xf32, #tpu.memory_space<vmem>>, vector<16x64xf32>
    %dot_general3A = arith.constant dense<0.000000e+00> : vector<4096x64xf32>
    %dot_general3A_16 = tpu.matmul %sub3A, %get3A_15, %dot_general3A {dimension_numbers = #tpu.dot_dimension_numbers<[1], [0], [0], [1], [0, 0, 1, 1], [], []>, transpose_lhs_hint = false} : vector<4096x16xf32>, vector<16x64xf32>, vector<4096x64xf32> -> vector<4096x64xf32>
    %get3A_17 = arith.constant 0 : index
    %get3A_18 = arith.constant 0 : index
    %get3A_19 = vector.load %arg5[%get3A_17, %get3A_18] : memref<1x64xf32, #tpu.memory_space<vmem>>, vector<1x64xf32>
    %add3A = vector.broadcast %get3A_19 : vector<1x64xf32> to vector<4096x64xf32>
    %add3A_20 = arith.addf %dot_general3A_16, %add3A : vector<4096x64xf32>
    %swap3A = arith.constant 0 : index
    %swap3A_21 = arith.constant 0 : index
    %swap3A_22 = arith.constant 0 : index
    %swap3A_23 = vector.load %arg6[%swap3A, %swap3A_21, %swap3A_22] : memref<1x4096x64xf32, #tpu.memory_space<vmem>>, vector<1x4096x64xf32>
    %swap3A_24 = vector.shape_cast %swap3A_23 : vector<1x4096x64xf32> to vector<4096x64xf32>
    %swap3A_25 = vector.shape_cast %add3A_20 : vector<4096x64xf32> to vector<1x4096x64xf32>
    tpu.vector_store %arg6[%swap3A, %swap3A_21, %swap3A_22], %swap3A_25 {strides = array<i32>} : memref<1x4096x64xf32, #tpu.memory_space<vmem>>, vector<1x4096x64xf32>,
    %eq3A = arith.constant 0 : i32
    %eq3A_26 = arith.cmpi eq, %arg0, %eq3A : i32
    %eq3A_27 = arith.constant 0 : i32
    %eq3A_28 = arith.cmpi eq, %arg1, %eq3A_27 : i32
    %and3A = arith.andi %eq3A_26, %eq3A_28 : i1
    %convert_element_type3A = arith.extui %and3A : i1 to i32
    %cond3A = arith.constant 0 : i32
    %cond3A_29 = arith.cmpi ne, %convert_element_type3A, %cond3A : i32
    scf.if %cond3A_29 {
      %broadcast_in_dim3A_49 = arith.constant 0.000000e+00 : f32
      %broadcast_in_dim3A_50 = vector.broadcast %broadcast_in_dim3A_49 : f32 to vector<1x64xf32>
      %swap3A_51 = arith.constant 0 : index
      %swap3A_52 = arith.constant 0 : index
      %swap3A_53 = vector.load %arg7[%swap3A_51, %swap3A_52] : memref<1x64xf32, #tpu.memory_space<vmem>>, vector<1x64xf32>
      tpu.vector_store %arg7[%swap3A_51, %swap3A_52], %broadcast_in_dim3A_50 {strides = array<i32>} : memref<1x64xf32, #tpu.memory_space<vmem>>, vector<1x64xf32>,
      %broadcast_in_dim3A_54 = arith.constant 0.000000e+00 : f32
      %broadcast_in_dim3A_55 = vector.broadcast %broadcast_in_dim3A_54 : f32 to vector<1x64xf32>
      %swap3A_56 = arith.constant 0 : index
      %swap3A_57 = arith.constant 0 : index
      %swap3A_58 = vector.load %arg8[%swap3A_56, %swap3A_57] : memref<1x64xf32, #tpu.memory_space<vmem>>, vector<1x64xf32>
      tpu.vector_store %arg8[%swap3A_56, %swap3A_57], %broadcast_in_dim3A_55 {strides = array<i32>} : memref<1x64xf32, #tpu.memory_space<vmem>>, vector<1x64xf32>,
    } else {
    }
    %get3A_30 = arith.constant 0 : index
    %get3A_31 = arith.constant 0 : index
    %get3A_32 = vector.load %arg7[%get3A_30, %get3A_31] : memref<1x64xf32, #tpu.memory_space<vmem>>, vector<1x64xf32>
    %reduce_sum3A = arith.constant dense<0.000000e+00> : vector<64xf32>
    %reduce_sum3A_33 = vector.multi_reduction <add>, %add3A_20, %reduce_sum3A [0] : vector<4096x64xf32> to vector<64xf32>
    %broadcast_in_dim3A_34 = vector.shape_cast %reduce_sum3A_33 : vector<64xf32> to vector<1x64xf32>
    %add3A_35 = arith.addf %get3A_32, %broadcast_in_dim3A_34 : vector<1x64xf32>
    %swap3A_36 = arith.constant 0 : index
    %swap3A_37 = arith.constant 0 : index
    %swap3A_38 = vector.load %arg7[%swap3A_36, %swap3A_37] : memref<1x64xf32, #tpu.memory_space<vmem>>, vector<1x64xf32>
    tpu.vector_store %arg7[%swap3A_36, %swap3A_37], %add3A_35 {strides = array<i32>} : memref<1x64xf32, #tpu.memory_space<vmem>>, vector<1x64xf32>,
    %get3A_39 = arith.constant 0 : index
    %get3A_40 = arith.constant 0 : index
    %get3A_41 = vector.load %arg8[%get3A_39, %get3A_40] : memref<1x64xf32, #tpu.memory_space<vmem>>, vector<1x64xf32>
    %mul3A = arith.mulf %add3A_20, %add3A_20 : vector<4096x64xf32>
    %reduce_sum3A_42 = arith.constant dense<0.000000e+00> : vector<64xf32>
    %reduce_sum3A_43 = vector.multi_reduction <add>, %mul3A, %reduce_sum3A_42 [0] : vector<4096x64xf32> to vector<64xf32>
    %broadcast_in_dim3A_44 = vector.shape_cast %reduce_sum3A_43 : vector<64xf32> to vector<1x64xf32>
    %add3A_45 = arith.addf %get3A_41, %broadcast_in_dim3A_44 : vector<1x64xf32>
    %swap3A_46 = arith.constant 0 : index
    %swap3A_47 = arith.constant 0 : index
    %swap3A_48 = vector.load %arg8[%swap3A_46, %swap3A_47] : memref<1x64xf32, #tpu.memory_space<vmem>>, vector<1x64xf32>
    tpu.vector_store %arg8[%swap3A_46, %swap3A_47], %add3A_45 {strides = array<i32>} : memref<1x64xf32, #tpu.memory_space<vmem>>, vector<1x64xf32>,
    return
  }
  func.func @transform_0(%arg0: i32, %arg1: i32) -> (i32, i32, i32) {
    %c0_i32 = arith.constant 0 : i32
    %c0_i32_0 = arith.constant 0 : i32
    return %arg0, %arg1, %c0_i32 : i32, i32, i32
  }
  func.func @transform_1(%arg0: i32, %arg1: i32) -> (i32, i32, i32) {
    %c0_i32 = arith.constant 0 : i32
    %c0_i32_0 = arith.constant 0 : i32
    return %arg0, %arg1, %c0_i32 : i32, i32, i32
  }
  func.func @transform_2(%arg0: i32, %arg1: i32) -> (i32, i32) {
    %c0_i32 = arith.constant 0 : i32
    %c0_i32_0 = arith.constant 0 : i32
    %c0_i32_1 = arith.constant 0 : i32
    return %c0_i32, %c0_i32_0 : i32, i32
  }
  func.func @transform_3(%arg0: i32, %arg1: i32) -> (i32, i32) {
    %c0_i32 = arith.constant 0 : i32
    %c0_i32_0 = arith.constant 0 : i32
    %c0_i32_1 = arith.constant 0 : i32
    return %c0_i32, %c0_i32_0 : i32, i32
  }
  func.func @transform_4(%arg0: i32, %arg1: i32) -> (i32, i32, i32) {
    %c0_i32 = arith.constant 0 : i32
    %c0_i32_0 = arith.constant 0 : i32
    return %arg0, %arg1, %c0_i32 : i32, i32, i32
  }
  func.func @transform_5(%arg0: i32, %arg1: i32) -> (i32, i32) {
    %c0_i32 = arith.constant 0 : i32
    %c0_i32_0 = arith.constant 0 : i32
    %c0_i32_1 = arith.constant 0 : i32
    return %c0_i32, %c0_i32_0 : i32, i32
  }
  func.func @transform_6(%arg0: i32, %arg1: i32) -> (i32, i32) {
    %c0_i32 = arith.constant 0 : i32
    %c0_i32_0 = arith.constant 0 : i32
    %c0_i32_1 = arith.constant 0 : i32
    return %c0_i32, %c0_i32_0 : i32, i32
  }
}

module attributes {stable_mosaic.version = 14 : i64} {
  func.func @_bnmm_body(%arg0: i32, %arg1: i32, %arg2: memref<1x8192x64xf32, #tpu.memory_space<vmem>>, %arg3: memref<1x64xf32, #tpu.memory_space<vmem>>, %arg4: memref<1x64xf32, #tpu.memory_space<vmem>>, %arg5: memref<64x64xf32, #tpu.memory_space<vmem>>, %arg6: memref<1x64xf32, #tpu.memory_space<vmem>>, %arg7: memref<1x8192x64xf32, #tpu.memory_space<vmem>>, %arg8: memref<1x64xf32, #tpu.memory_space<vmem>>, %arg9: memref<1x64xf32, #tpu.memory_space<vmem>>) attributes {dimension_semantics = [#tpu.dimension_semantics<arbitrary>, #tpu.dimension_semantics<arbitrary>], iteration_bounds = array<i64: 16, 2>, scalar_prefetch = 0 : i64, scratch_operands = 0 : i64, tpu.core_type = #tpu.core_type<tc>, window_params = [{transform_indices = @transform_0, window_bounds = array<i64: 1, 8192, 64>}, {pipeline_mode = #tpu.pipeline_mode<synchronous>, transform_indices = @transform_1, window_bounds = array<i64: 1, 64>}, {pipeline_mode = #tpu.pipeline_mode<synchronous>, transform_indices = @transform_2, window_bounds = array<i64: 1, 64>}, {pipeline_mode = #tpu.pipeline_mode<synchronous>, transform_indices = @transform_3, window_bounds = array<i64: 64, 64>}, {pipeline_mode = #tpu.pipeline_mode<synchronous>, transform_indices = @transform_4, window_bounds = array<i64: 1, 64>}, {transform_indices = @transform_5, window_bounds = array<i64: 1, 8192, 64>}, {pipeline_mode = #tpu.pipeline_mode<synchronous>, transform_indices = @transform_6, window_bounds = array<i64: 1, 64>}, {pipeline_mode = #tpu.pipeline_mode<synchronous>, transform_indices = @transform_7, window_bounds = array<i64: 1, 64>}]} {
    %get3A = arith.constant 0 : index
    %get3A_0 = arith.constant 0 : index
    %get3A_1 = arith.constant 0 : index
    %get3A_2 = vector.load %arg2[%get3A, %get3A_0, %get3A_1] : memref<1x8192x64xf32, #tpu.memory_space<vmem>>, vector<1x8192x64xf32>
    %get3A_3 = vector.shape_cast %get3A_2 : vector<1x8192x64xf32> to vector<8192x64xf32>
    %get3A_4 = arith.constant 0 : index
    %get3A_5 = arith.constant 0 : index
    %get3A_6 = vector.load %arg3[%get3A_4, %get3A_5] : memref<1x64xf32, #tpu.memory_space<vmem>>, vector<1x64xf32>
    %mul3A = vector.broadcast %get3A_6 : vector<1x64xf32> to vector<8192x64xf32>
    %mul3A_7 = arith.mulf %get3A_3, %mul3A : vector<8192x64xf32>
    %get3A_8 = arith.constant 0 : index
    %get3A_9 = arith.constant 0 : index
    %get3A_10 = vector.load %arg4[%get3A_8, %get3A_9] : memref<1x64xf32, #tpu.memory_space<vmem>>, vector<1x64xf32>
    %add3A = vector.broadcast %get3A_10 : vector<1x64xf32> to vector<8192x64xf32>
    %add3A_11 = arith.addf %mul3A_7, %add3A : vector<8192x64xf32>
    %max3A = arith.constant 0.000000e+00 : f32
    %max3A_12 = vector.broadcast %max3A : f32 to vector<8192x64xf32>
    %max3A_13 = arith.maximumf %add3A_11, %max3A_12 : vector<8192x64xf32>
    %get3A_14 = arith.constant 0 : index
    %get3A_15 = arith.constant 0 : index
    %get3A_16 = vector.load %arg5[%get3A_14, %get3A_15] : memref<64x64xf32, #tpu.memory_space<vmem>>, vector<64x64xf32>
    %dot_general3A = arith.constant dense<0.000000e+00> : vector<8192x64xf32>
    %dot_general3A_17 = tpu.matmul %max3A_13, %get3A_16, %dot_general3A {dimension_numbers = #tpu.dot_dimension_numbers<[1], [0], [0], [1], [0, 0, 1, 1], [], []>, transpose_lhs_hint = false} : vector<8192x64xf32>, vector<64x64xf32>, vector<8192x64xf32> -> vector<8192x64xf32>
    %get3A_18 = arith.constant 0 : index
    %get3A_19 = arith.constant 0 : index
    %get3A_20 = vector.load %arg6[%get3A_18, %get3A_19] : memref<1x64xf32, #tpu.memory_space<vmem>>, vector<1x64xf32>
    %add3A_21 = vector.broadcast %get3A_20 : vector<1x64xf32> to vector<8192x64xf32>
    %add3A_22 = arith.addf %dot_general3A_17, %add3A_21 : vector<8192x64xf32>
    %swap3A = arith.constant 0 : index
    %swap3A_23 = arith.constant 0 : index
    %swap3A_24 = arith.constant 0 : index
    %swap3A_25 = vector.load %arg7[%swap3A, %swap3A_23, %swap3A_24] : memref<1x8192x64xf32, #tpu.memory_space<vmem>>, vector<1x8192x64xf32>
    %swap3A_26 = vector.shape_cast %swap3A_25 : vector<1x8192x64xf32> to vector<8192x64xf32>
    %swap3A_27 = vector.shape_cast %add3A_22 : vector<8192x64xf32> to vector<1x8192x64xf32>
    tpu.vector_store %arg7[%swap3A, %swap3A_23, %swap3A_24], %swap3A_27 {strides = array<i32>} : memref<1x8192x64xf32, #tpu.memory_space<vmem>>, vector<1x8192x64xf32>,
    %eq3A = arith.constant 0 : i32
    %eq3A_28 = arith.cmpi eq, %arg0, %eq3A : i32
    %eq3A_29 = arith.constant 0 : i32
    %eq3A_30 = arith.cmpi eq, %arg1, %eq3A_29 : i32
    %and3A = arith.andi %eq3A_28, %eq3A_30 : i1
    %convert_element_type3A = arith.extui %and3A : i1 to i32
    %cond3A = arith.constant 0 : i32
    %cond3A_31 = arith.cmpi ne, %convert_element_type3A, %cond3A : i32
    scf.if %cond3A_31 {
      %broadcast_in_dim3A_51 = arith.constant 0.000000e+00 : f32
      %broadcast_in_dim3A_52 = vector.broadcast %broadcast_in_dim3A_51 : f32 to vector<1x64xf32>
      %swap3A_53 = arith.constant 0 : index
      %swap3A_54 = arith.constant 0 : index
      %swap3A_55 = vector.load %arg8[%swap3A_53, %swap3A_54] : memref<1x64xf32, #tpu.memory_space<vmem>>, vector<1x64xf32>
      tpu.vector_store %arg8[%swap3A_53, %swap3A_54], %broadcast_in_dim3A_52 {strides = array<i32>} : memref<1x64xf32, #tpu.memory_space<vmem>>, vector<1x64xf32>,
      %broadcast_in_dim3A_56 = arith.constant 0.000000e+00 : f32
      %broadcast_in_dim3A_57 = vector.broadcast %broadcast_in_dim3A_56 : f32 to vector<1x64xf32>
      %swap3A_58 = arith.constant 0 : index
      %swap3A_59 = arith.constant 0 : index
      %swap3A_60 = vector.load %arg9[%swap3A_58, %swap3A_59] : memref<1x64xf32, #tpu.memory_space<vmem>>, vector<1x64xf32>
      tpu.vector_store %arg9[%swap3A_58, %swap3A_59], %broadcast_in_dim3A_57 {strides = array<i32>} : memref<1x64xf32, #tpu.memory_space<vmem>>, vector<1x64xf32>,
    } else {
    }
    %get3A_32 = arith.constant 0 : index
    %get3A_33 = arith.constant 0 : index
    %get3A_34 = vector.load %arg8[%get3A_32, %get3A_33] : memref<1x64xf32, #tpu.memory_space<vmem>>, vector<1x64xf32>
    %reduce_sum3A = arith.constant dense<0.000000e+00> : vector<64xf32>
    %reduce_sum3A_35 = vector.multi_reduction <add>, %add3A_22, %reduce_sum3A [0] : vector<8192x64xf32> to vector<64xf32>
    %broadcast_in_dim3A = vector.shape_cast %reduce_sum3A_35 : vector<64xf32> to vector<1x64xf32>
    %add3A_36 = arith.addf %get3A_34, %broadcast_in_dim3A : vector<1x64xf32>
    %swap3A_37 = arith.constant 0 : index
    %swap3A_38 = arith.constant 0 : index
    %swap3A_39 = vector.load %arg8[%swap3A_37, %swap3A_38] : memref<1x64xf32, #tpu.memory_space<vmem>>, vector<1x64xf32>
    tpu.vector_store %arg8[%swap3A_37, %swap3A_38], %add3A_36 {strides = array<i32>} : memref<1x64xf32, #tpu.memory_space<vmem>>, vector<1x64xf32>,
    %get3A_40 = arith.constant 0 : index
    %get3A_41 = arith.constant 0 : index
    %get3A_42 = vector.load %arg9[%get3A_40, %get3A_41] : memref<1x64xf32, #tpu.memory_space<vmem>>, vector<1x64xf32>
    %mul3A_43 = arith.mulf %add3A_22, %add3A_22 : vector<8192x64xf32>
    %reduce_sum3A_44 = arith.constant dense<0.000000e+00> : vector<64xf32>
    %reduce_sum3A_45 = vector.multi_reduction <add>, %mul3A_43, %reduce_sum3A_44 [0] : vector<8192x64xf32> to vector<64xf32>
    %broadcast_in_dim3A_46 = vector.shape_cast %reduce_sum3A_45 : vector<64xf32> to vector<1x64xf32>
    %add3A_47 = arith.addf %get3A_42, %broadcast_in_dim3A_46 : vector<1x64xf32>
    %swap3A_48 = arith.constant 0 : index
    %swap3A_49 = arith.constant 0 : index
    %swap3A_50 = vector.load %arg9[%swap3A_48, %swap3A_49] : memref<1x64xf32, #tpu.memory_space<vmem>>, vector<1x64xf32>
    tpu.vector_store %arg9[%swap3A_48, %swap3A_49], %add3A_47 {strides = array<i32>} : memref<1x64xf32, #tpu.memory_space<vmem>>, vector<1x64xf32>,
    return
  }
  func.func @transform_0(%arg0: i32, %arg1: i32) -> (i32, i32, i32) {
    %c0_i32 = arith.constant 0 : i32
    %c0_i32_0 = arith.constant 0 : i32
    return %arg0, %arg1, %c0_i32 : i32, i32, i32
  }
  func.func @transform_1(%arg0: i32, %arg1: i32) -> (i32, i32) {
    %c0_i32 = arith.constant 0 : i32
    %c0_i32_0 = arith.constant 0 : i32
    %c0_i32_1 = arith.constant 0 : i32
    return %c0_i32, %c0_i32_0 : i32, i32
  }
  func.func @transform_2(%arg0: i32, %arg1: i32) -> (i32, i32) {
    %c0_i32 = arith.constant 0 : i32
    %c0_i32_0 = arith.constant 0 : i32
    %c0_i32_1 = arith.constant 0 : i32
    return %c0_i32, %c0_i32_0 : i32, i32
  }
  func.func @transform_3(%arg0: i32, %arg1: i32) -> (i32, i32) {
    %c0_i32 = arith.constant 0 : i32
    %c0_i32_0 = arith.constant 0 : i32
    %c0_i32_1 = arith.constant 0 : i32
    return %c0_i32, %c0_i32_0 : i32, i32
  }
  func.func @transform_4(%arg0: i32, %arg1: i32) -> (i32, i32) {
    %c0_i32 = arith.constant 0 : i32
    %c0_i32_0 = arith.constant 0 : i32
    %c0_i32_1 = arith.constant 0 : i32
    return %c0_i32, %c0_i32_0 : i32, i32
  }
  func.func @transform_5(%arg0: i32, %arg1: i32) -> (i32, i32, i32) {
    %c0_i32 = arith.constant 0 : i32
    %c0_i32_0 = arith.constant 0 : i32
    return %arg0, %arg1, %c0_i32 : i32, i32, i32
  }
  func.func @transform_6(%arg0: i32, %arg1: i32) -> (i32, i32) {
    %c0_i32 = arith.constant 0 : i32
    %c0_i32_0 = arith.constant 0 : i32
    %c0_i32_1 = arith.constant 0 : i32
    return %c0_i32, %c0_i32_0 : i32, i32
  }
  func.func @transform_7(%arg0: i32, %arg1: i32) -> (i32, i32) {
    %c0_i32 = arith.constant 0 : i32
    %c0_i32_0 = arith.constant 0 : i32
    %c0_i32_1 = arith.constant 0 : i32
    return %c0_i32, %c0_i32_0 : i32, i32
  }
}

module attributes {stable_mosaic.version = 14 : i64} {
  func.func @_bnmm_body(%arg0: i32, %arg1: i32, %arg2: memref<1x8192x64xf32, #tpu.memory_space<vmem>>, %arg3: memref<1x64xf32, #tpu.memory_space<vmem>>, %arg4: memref<1x64xf32, #tpu.memory_space<vmem>>, %arg5: memref<64x128xf32, #tpu.memory_space<vmem>>, %arg6: memref<1x128xf32, #tpu.memory_space<vmem>>, %arg7: memref<1x8192x128xf32, #tpu.memory_space<vmem>>, %arg8: memref<1x128xf32, #tpu.memory_space<vmem>>, %arg9: memref<1x128xf32, #tpu.memory_space<vmem>>) attributes {dimension_semantics = [#tpu.dimension_semantics<arbitrary>, #tpu.dimension_semantics<arbitrary>], iteration_bounds = array<i64: 16, 2>, scalar_prefetch = 0 : i64, scratch_operands = 0 : i64, tpu.core_type = #tpu.core_type<tc>, window_params = [{transform_indices = @transform_0, window_bounds = array<i64: 1, 8192, 64>}, {pipeline_mode = #tpu.pipeline_mode<synchronous>, transform_indices = @transform_1, window_bounds = array<i64: 1, 64>}, {pipeline_mode = #tpu.pipeline_mode<synchronous>, transform_indices = @transform_2, window_bounds = array<i64: 1, 64>}, {pipeline_mode = #tpu.pipeline_mode<synchronous>, transform_indices = @transform_3, window_bounds = array<i64: 64, 128>}, {pipeline_mode = #tpu.pipeline_mode<synchronous>, transform_indices = @transform_4, window_bounds = array<i64: 1, 128>}, {transform_indices = @transform_5, window_bounds = array<i64: 1, 8192, 128>}, {pipeline_mode = #tpu.pipeline_mode<synchronous>, transform_indices = @transform_6, window_bounds = array<i64: 1, 128>}, {pipeline_mode = #tpu.pipeline_mode<synchronous>, transform_indices = @transform_7, window_bounds = array<i64: 1, 128>}]} {
    %get3A = arith.constant 0 : index
    %get3A_0 = arith.constant 0 : index
    %get3A_1 = arith.constant 0 : index
    %get3A_2 = vector.load %arg2[%get3A, %get3A_0, %get3A_1] : memref<1x8192x64xf32, #tpu.memory_space<vmem>>, vector<1x8192x64xf32>
    %get3A_3 = vector.shape_cast %get3A_2 : vector<1x8192x64xf32> to vector<8192x64xf32>
    %get3A_4 = arith.constant 0 : index
    %get3A_5 = arith.constant 0 : index
    %get3A_6 = vector.load %arg3[%get3A_4, %get3A_5] : memref<1x64xf32, #tpu.memory_space<vmem>>, vector<1x64xf32>
    %mul3A = vector.broadcast %get3A_6 : vector<1x64xf32> to vector<8192x64xf32>
    %mul3A_7 = arith.mulf %get3A_3, %mul3A : vector<8192x64xf32>
    %get3A_8 = arith.constant 0 : index
    %get3A_9 = arith.constant 0 : index
    %get3A_10 = vector.load %arg4[%get3A_8, %get3A_9] : memref<1x64xf32, #tpu.memory_space<vmem>>, vector<1x64xf32>
    %add3A = vector.broadcast %get3A_10 : vector<1x64xf32> to vector<8192x64xf32>
    %add3A_11 = arith.addf %mul3A_7, %add3A : vector<8192x64xf32>
    %max3A = arith.constant 0.000000e+00 : f32
    %max3A_12 = vector.broadcast %max3A : f32 to vector<8192x64xf32>
    %max3A_13 = arith.maximumf %add3A_11, %max3A_12 : vector<8192x64xf32>
    %get3A_14 = arith.constant 0 : index
    %get3A_15 = arith.constant 0 : index
    %get3A_16 = vector.load %arg5[%get3A_14, %get3A_15] : memref<64x128xf32, #tpu.memory_space<vmem>>, vector<64x128xf32>
    %dot_general3A = arith.constant dense<0.000000e+00> : vector<8192x128xf32>
    %dot_general3A_17 = tpu.matmul %max3A_13, %get3A_16, %dot_general3A {dimension_numbers = #tpu.dot_dimension_numbers<[1], [0], [0], [1], [0, 0, 1, 1], [], []>, transpose_lhs_hint = false} : vector<8192x64xf32>, vector<64x128xf32>, vector<8192x128xf32> -> vector<8192x128xf32>
    %get3A_18 = arith.constant 0 : index
    %get3A_19 = arith.constant 0 : index
    %get3A_20 = vector.load %arg6[%get3A_18, %get3A_19] : memref<1x128xf32, #tpu.memory_space<vmem>>, vector<1x128xf32>
    %add3A_21 = vector.broadcast %get3A_20 : vector<1x128xf32> to vector<8192x128xf32>
    %add3A_22 = arith.addf %dot_general3A_17, %add3A_21 : vector<8192x128xf32>
    %swap3A = arith.constant 0 : index
    %swap3A_23 = arith.constant 0 : index
    %swap3A_24 = arith.constant 0 : index
    %swap3A_25 = vector.load %arg7[%swap3A, %swap3A_23, %swap3A_24] : memref<1x8192x128xf32, #tpu.memory_space<vmem>>, vector<1x8192x128xf32>
    %swap3A_26 = vector.shape_cast %swap3A_25 : vector<1x8192x128xf32> to vector<8192x128xf32>
    %swap3A_27 = vector.shape_cast %add3A_22 : vector<8192x128xf32> to vector<1x8192x128xf32>
    tpu.vector_store %arg7[%swap3A, %swap3A_23, %swap3A_24], %swap3A_27 {strides = array<i32>} : memref<1x8192x128xf32, #tpu.memory_space<vmem>>, vector<1x8192x128xf32>,
    %eq3A = arith.constant 0 : i32
    %eq3A_28 = arith.cmpi eq, %arg0, %eq3A : i32
    %eq3A_29 = arith.constant 0 : i32
    %eq3A_30 = arith.cmpi eq, %arg1, %eq3A_29 : i32
    %and3A = arith.andi %eq3A_28, %eq3A_30 : i1
    %convert_element_type3A = arith.extui %and3A : i1 to i32
    %cond3A = arith.constant 0 : i32
    %cond3A_31 = arith.cmpi ne, %convert_element_type3A, %cond3A : i32
    scf.if %cond3A_31 {
      %broadcast_in_dim3A_51 = arith.constant 0.000000e+00 : f32
      %broadcast_in_dim3A_52 = vector.broadcast %broadcast_in_dim3A_51 : f32 to vector<1x128xf32>
      %swap3A_53 = arith.constant 0 : index
      %swap3A_54 = arith.constant 0 : index
      %swap3A_55 = vector.load %arg8[%swap3A_53, %swap3A_54] : memref<1x128xf32, #tpu.memory_space<vmem>>, vector<1x128xf32>
      tpu.vector_store %arg8[%swap3A_53, %swap3A_54], %broadcast_in_dim3A_52 {strides = array<i32>} : memref<1x128xf32, #tpu.memory_space<vmem>>, vector<1x128xf32>,
      %broadcast_in_dim3A_56 = arith.constant 0.000000e+00 : f32
      %broadcast_in_dim3A_57 = vector.broadcast %broadcast_in_dim3A_56 : f32 to vector<1x128xf32>
      %swap3A_58 = arith.constant 0 : index
      %swap3A_59 = arith.constant 0 : index
      %swap3A_60 = vector.load %arg9[%swap3A_58, %swap3A_59] : memref<1x128xf32, #tpu.memory_space<vmem>>, vector<1x128xf32>
      tpu.vector_store %arg9[%swap3A_58, %swap3A_59], %broadcast_in_dim3A_57 {strides = array<i32>} : memref<1x128xf32, #tpu.memory_space<vmem>>, vector<1x128xf32>,
    } else {
    }
    %get3A_32 = arith.constant 0 : index
    %get3A_33 = arith.constant 0 : index
    %get3A_34 = vector.load %arg8[%get3A_32, %get3A_33] : memref<1x128xf32, #tpu.memory_space<vmem>>, vector<1x128xf32>
    %reduce_sum3A = arith.constant dense<0.000000e+00> : vector<128xf32>
    %reduce_sum3A_35 = vector.multi_reduction <add>, %add3A_22, %reduce_sum3A [0] : vector<8192x128xf32> to vector<128xf32>
    %broadcast_in_dim3A = vector.shape_cast %reduce_sum3A_35 : vector<128xf32> to vector<1x128xf32>
    %add3A_36 = arith.addf %get3A_34, %broadcast_in_dim3A : vector<1x128xf32>
    %swap3A_37 = arith.constant 0 : index
    %swap3A_38 = arith.constant 0 : index
    %swap3A_39 = vector.load %arg8[%swap3A_37, %swap3A_38] : memref<1x128xf32, #tpu.memory_space<vmem>>, vector<1x128xf32>
    tpu.vector_store %arg8[%swap3A_37, %swap3A_38], %add3A_36 {strides = array<i32>} : memref<1x128xf32, #tpu.memory_space<vmem>>, vector<1x128xf32>,
    %get3A_40 = arith.constant 0 : index
    %get3A_41 = arith.constant 0 : index
    %get3A_42 = vector.load %arg9[%get3A_40, %get3A_41] : memref<1x128xf32, #tpu.memory_space<vmem>>, vector<1x128xf32>
    %mul3A_43 = arith.mulf %add3A_22, %add3A_22 : vector<8192x128xf32>
    %reduce_sum3A_44 = arith.constant dense<0.000000e+00> : vector<128xf32>
    %reduce_sum3A_45 = vector.multi_reduction <add>, %mul3A_43, %reduce_sum3A_44 [0] : vector<8192x128xf32> to vector<128xf32>
    %broadcast_in_dim3A_46 = vector.shape_cast %reduce_sum3A_45 : vector<128xf32> to vector<1x128xf32>
    %add3A_47 = arith.addf %get3A_42, %broadcast_in_dim3A_46 : vector<1x128xf32>
    %swap3A_48 = arith.constant 0 : index
    %swap3A_49 = arith.constant 0 : index
    %swap3A_50 = vector.load %arg9[%swap3A_48, %swap3A_49] : memref<1x128xf32, #tpu.memory_space<vmem>>, vector<1x128xf32>
    tpu.vector_store %arg9[%swap3A_48, %swap3A_49], %add3A_47 {strides = array<i32>} : memref<1x128xf32, #tpu.memory_space<vmem>>, vector<1x128xf32>,
    return
  }
  func.func @transform_0(%arg0: i32, %arg1: i32) -> (i32, i32, i32) {
    %c0_i32 = arith.constant 0 : i32
    %c0_i32_0 = arith.constant 0 : i32
    return %arg0, %arg1, %c0_i32 : i32, i32, i32
  }
  func.func @transform_1(%arg0: i32, %arg1: i32) -> (i32, i32) {
    %c0_i32 = arith.constant 0 : i32
    %c0_i32_0 = arith.constant 0 : i32
    %c0_i32_1 = arith.constant 0 : i32
    return %c0_i32, %c0_i32_0 : i32, i32
  }
  func.func @transform_2(%arg0: i32, %arg1: i32) -> (i32, i32) {
    %c0_i32 = arith.constant 0 : i32
    %c0_i32_0 = arith.constant 0 : i32
    %c0_i32_1 = arith.constant 0 : i32
    return %c0_i32, %c0_i32_0 : i32, i32
  }
  func.func @transform_3(%arg0: i32, %arg1: i32) -> (i32, i32) {
    %c0_i32 = arith.constant 0 : i32
    %c0_i32_0 = arith.constant 0 : i32
    %c0_i32_1 = arith.constant 0 : i32
    return %c0_i32, %c0_i32_0 : i32, i32
  }
  func.func @transform_4(%arg0: i32, %arg1: i32) -> (i32, i32) {
    %c0_i32 = arith.constant 0 : i32
    %c0_i32_0 = arith.constant 0 : i32
    %c0_i32_1 = arith.constant 0 : i32
    return %c0_i32, %c0_i32_0 : i32, i32
  }
  func.func @transform_5(%arg0: i32, %arg1: i32) -> (i32, i32, i32) {
    %c0_i32 = arith.constant 0 : i32
    %c0_i32_0 = arith.constant 0 : i32
    return %arg0, %arg1, %c0_i32 : i32, i32, i32
  }
  func.func @transform_6(%arg0: i32, %arg1: i32) -> (i32, i32) {
    %c0_i32 = arith.constant 0 : i32
    %c0_i32_0 = arith.constant 0 : i32
    %c0_i32_1 = arith.constant 0 : i32
    return %c0_i32, %c0_i32_0 : i32, i32
  }
  func.func @transform_7(%arg0: i32, %arg1: i32) -> (i32, i32) {
    %c0_i32 = arith.constant 0 : i32
    %c0_i32_0 = arith.constant 0 : i32
    %c0_i32_1 = arith.constant 0 : i32
    return %c0_i32, %c0_i32_0 : i32, i32
  }
}

module attributes {stable_mosaic.version = 14 : i64} {
  func.func @_maxcat_body(%arg0: i32, %arg1: i32, %arg2: memref<1x8192x128xf32, #tpu.memory_space<vmem>>, %arg3: memref<1x128xf32, #tpu.memory_space<vmem>>, %arg4: memref<1x128xf32, #tpu.memory_space<vmem>>, %arg5: memref<1x256x3xf32, #tpu.memory_space<vmem>>, %arg6: memref<1x256x131xf32, #tpu.memory_space<vmem>>) attributes {dimension_semantics = [#tpu.dimension_semantics<arbitrary>, #tpu.dimension_semantics<arbitrary>], iteration_bounds = array<i64: 16, 2>, scalar_prefetch = 0 : i64, scratch_operands = 0 : i64, tpu.core_type = #tpu.core_type<tc>, window_params = [{transform_indices = @transform_0, window_bounds = array<i64: 1, 8192, 128>}, {pipeline_mode = #tpu.pipeline_mode<synchronous>, transform_indices = @transform_1, window_bounds = array<i64: 1, 128>}, {pipeline_mode = #tpu.pipeline_mode<synchronous>, transform_indices = @transform_2, window_bounds = array<i64: 1, 128>}, {transform_indices = @transform_3, window_bounds = array<i64: 1, 256, 3>}, {transform_indices = @transform_4, window_bounds = array<i64: 1, 256, 131>}]} {
    %get3A = arith.constant 0 : index
    %get3A_0 = arith.constant 0 : index
    %get3A_1 = arith.constant 0 : index
    %get3A_2 = vector.load %arg2[%get3A, %get3A_0, %get3A_1] : memref<1x8192x128xf32, #tpu.memory_space<vmem>>, vector<1x8192x128xf32>
    %get3A_3 = vector.shape_cast %get3A_2 : vector<1x8192x128xf32> to vector<8192x128xf32>
    %get3A_4 = arith.constant 0 : index
    %get3A_5 = arith.constant 0 : index
    %get3A_6 = vector.load %arg3[%get3A_4, %get3A_5] : memref<1x128xf32, #tpu.memory_space<vmem>>, vector<1x128xf32>
    %mul3A = vector.broadcast %get3A_6 : vector<1x128xf32> to vector<8192x128xf32>
    %mul3A_7 = arith.mulf %get3A_3, %mul3A : vector<8192x128xf32>
    %get3A_8 = arith.constant 0 : index
    %get3A_9 = arith.constant 0 : index
    %get3A_10 = vector.load %arg4[%get3A_8, %get3A_9] : memref<1x128xf32, #tpu.memory_space<vmem>>, vector<1x128xf32>
    %add3A = vector.broadcast %get3A_10 : vector<1x128xf32> to vector<8192x128xf32>
    %add3A_11 = arith.addf %mul3A_7, %add3A : vector<8192x128xf32>
    %max3A = arith.constant 0.000000e+00 : f32
    %max3A_12 = vector.broadcast %max3A : f32 to vector<8192x128xf32>
    %max3A_13 = arith.maximumf %add3A_11, %max3A_12 : vector<8192x128xf32>
    %reshape3A = vector.shape_cast %max3A_13 : vector<8192x128xf32> to vector<256x32x128xf32>
    %reduce_max3A = arith.constant dense<0xFF800000> : vector<256x128xf32>
    %reduce_max3A_14 = vector.multi_reduction <maximumf>, %reshape3A, %reduce_max3A [1] : vector<256x32x128xf32> to vector<256x128xf32>
    %get3A_15 = arith.constant 0 : index
    %get3A_16 = arith.constant 0 : index
    %get3A_17 = arith.constant 0 : index
    %get3A_18 = vector.load %arg5[%get3A_15, %get3A_16, %get3A_17] : memref<1x256x3xf32, #tpu.memory_space<vmem>>, vector<1x256x3xf32>
    %get3A_19 = vector.shape_cast %get3A_18 : vector<1x256x3xf32> to vector<256x3xf32>
    %concatenate3A = tpu.concatenate %get3A_19, %reduce_max3A_14 in 1 : vector<256x3xf32>, vector<256x128xf32> -> vector<256x131xf32>
    %swap3A = arith.constant 0 : index
    %swap3A_20 = arith.constant 0 : index
    %swap3A_21 = arith.constant 0 : index
    %swap3A_22 = vector.load %arg6[%swap3A, %swap3A_20, %swap3A_21] : memref<1x256x131xf32, #tpu.memory_space<vmem>>, vector<1x256x131xf32>
    %swap3A_23 = vector.shape_cast %swap3A_22 : vector<1x256x131xf32> to vector<256x131xf32>
    %swap3A_24 = vector.shape_cast %concatenate3A : vector<256x131xf32> to vector<1x256x131xf32>
    tpu.vector_store %arg6[%swap3A, %swap3A_20, %swap3A_21], %swap3A_24 {strides = array<i32>} : memref<1x256x131xf32, #tpu.memory_space<vmem>>, vector<1x256x131xf32>,
    return
  }
  func.func @transform_0(%arg0: i32, %arg1: i32) -> (i32, i32, i32) {
    %c0_i32 = arith.constant 0 : i32
    %c0_i32_0 = arith.constant 0 : i32
    return %arg0, %arg1, %c0_i32 : i32, i32, i32
  }
  func.func @transform_1(%arg0: i32, %arg1: i32) -> (i32, i32) {
    %c0_i32 = arith.constant 0 : i32
    %c0_i32_0 = arith.constant 0 : i32
    %c0_i32_1 = arith.constant 0 : i32
    return %c0_i32, %c0_i32_0 : i32, i32
  }
  func.func @transform_2(%arg0: i32, %arg1: i32) -> (i32, i32) {
    %c0_i32 = arith.constant 0 : i32
    %c0_i32_0 = arith.constant 0 : i32
    %c0_i32_1 = arith.constant 0 : i32
    return %c0_i32, %c0_i32_0 : i32, i32
  }
  func.func @transform_3(%arg0: i32, %arg1: i32) -> (i32, i32, i32) {
    %c0_i32 = arith.constant 0 : i32
    %c0_i32_0 = arith.constant 0 : i32
    return %arg0, %arg1, %c0_i32 : i32, i32, i32
  }
  func.func @transform_4(%arg0: i32, %arg1: i32) -> (i32, i32, i32) {
    %c0_i32 = arith.constant 0 : i32
    %c0_i32_0 = arith.constant 0 : i32
    return %arg0, %arg1, %c0_i32 : i32, i32, i32
  }
}

module attributes {stable_mosaic.version = 14 : i64} {
  func.func @_g2_body(%arg0: i32, %arg1: i32, %arg2: memref<1x2048x1xi32, #tpu.memory_space<vmem>>, %arg3: memref<1x512x131xf32, #tpu.memory_space<vmem>>, %arg4: memref<1x32x3xf32, #tpu.memory_space<vmem>>, %arg5: memref<131x128xf32, #tpu.memory_space<vmem>>, %arg6: memref<1x128xf32, #tpu.memory_space<vmem>>, %arg7: memref<1x2048x128xf32, #tpu.memory_space<vmem>>, %arg8: memref<1x128xf32, #tpu.memory_space<vmem>>, %arg9: memref<1x128xf32, #tpu.memory_space<vmem>>) attributes {dimension_semantics = [#tpu.dimension_semantics<arbitrary>, #tpu.dimension_semantics<arbitrary>], iteration_bounds = array<i64: 16, 4>, scalar_prefetch = 0 : i64, scratch_operands = 0 : i64, tpu.core_type = #tpu.core_type<tc>, window_params = [{transform_indices = @transform_0, window_bounds = array<i64: 1, 2048, 1>}, {transform_indices = @transform_1, window_bounds = array<i64: 1, 512, 131>}, {transform_indices = @transform_2, window_bounds = array<i64: 1, 32, 3>}, {pipeline_mode = #tpu.pipeline_mode<synchronous>, transform_indices = @transform_3, window_bounds = array<i64: 131, 128>}, {pipeline_mode = #tpu.pipeline_mode<synchronous>, transform_indices = @transform_4, window_bounds = array<i64: 1, 128>}, {transform_indices = @transform_5, window_bounds = array<i64: 1, 2048, 128>}, {pipeline_mode = #tpu.pipeline_mode<synchronous>, transform_indices = @transform_6, window_bounds = array<i64: 1, 128>}, {pipeline_mode = #tpu.pipeline_mode<synchronous>, transform_indices = @transform_7, window_bounds = array<i64: 1, 128>}]} {
    %get3A = arith.constant 0 : index
    %get3A_0 = arith.constant 0 : index
    %get3A_1 = arith.constant 0 : index
    %get3A_2 = vector.load %arg2[%get3A, %get3A_0, %get3A_1] : memref<1x2048x1xi32, #tpu.memory_space<vmem>>, vector<1x2048x1xi32>
    %get3A_3 = vector.shape_cast %get3A_2 : vector<1x2048x1xi32> to vector<2048x1xi32>
    %iota3A = tpu.iota {dimensions = array<i32: 1>} : vector<2048x512xi32>
    %eq3A = vector.broadcast %get3A_3 : vector<2048x1xi32> to vector<2048x512xi32>
    %eq3A_4 = arith.cmpi eq, %eq3A, %iota3A : vector<2048x512xi32>
    %convert_element_type3A = arith.extui %eq3A_4 : vector<2048x512xi1> to vector<2048x512xi32>
    %convert_element_type3A_5 = arith.sitofp %convert_element_type3A : vector<2048x512xi32> to vector<2048x512xf32>
    %get3A_6 = arith.constant 0 : index
    %get3A_7 = arith.constant 0 : index
    %get3A_8 = arith.constant 0 : index
    %get3A_9 = vector.load %arg3[%get3A_6, %get3A_7, %get3A_8] : memref<1x512x131xf32, #tpu.memory_space<vmem>>, vector<1x512x131xf32>
    %get3A_10 = vector.shape_cast %get3A_9 : vector<1x512x131xf32> to vector<512x131xf32>
    %dot_general3A = arith.constant dense<0.000000e+00> : vector<2048x131xf32>
    %dot_general3A_11 = tpu.matmul %convert_element_type3A_5, %get3A_10, %dot_general3A {dimension_numbers = #tpu.dot_dimension_numbers<[1], [0], [0], [1], [0, 0, 1, 1], [], []>, precision = #tpu.contract_precision<fp32>, transpose_lhs_hint = false} : vector<2048x512xf32>, vector<512x131xf32>, vector<2048x131xf32> -> vector<2048x131xf32>
    %get3A_12 = arith.constant 0 : index
    %get3A_13 = arith.constant 0 : index
    %get3A_14 = arith.constant 0 : index
    %get3A_15 = vector.load %arg4[%get3A_12, %get3A_13, %get3A_14] : memref<1x32x3xf32, #tpu.memory_space<vmem>>, vector<1x32x3xf32>
    %get3A_16 = vector.shape_cast %get3A_15 : vector<1x32x3xf32> to vector<32x3xf32>
    %broadcast_in_dim3A = vector.shape_cast %get3A_16 : vector<32x3xf32> to vector<32x1x3xf32>
    %broadcast_in_dim3A_17 = vector.shape_cast %broadcast_in_dim3A : vector<32x1x3xf32> to vector<32x1x3xf32>
    %broadcast_in_dim3A_18 = vector.broadcast %broadcast_in_dim3A_17 : vector<32x1x3xf32> to vector<32x64x3xf32>
    %reshape3A = vector.shape_cast %broadcast_in_dim3A_18 : vector<32x64x3xf32> to vector<2048x3xf32>
    %broadcast_in_dim3A_19 = arith.constant 0.000000e+00 : f32
    %broadcast_in_dim3A_20 = vector.broadcast %broadcast_in_dim3A_19 : f32 to vector<2048x128xf32>
    %concatenate3A = tpu.concatenate %reshape3A, %broadcast_in_dim3A_20 in 1 : vector<2048x3xf32>, vector<2048x128xf32> -> vector<2048x131xf32>
    %sub3A = arith.subf %dot_general3A_11, %concatenate3A : vector<2048x131xf32>
    %get3A_21 = arith.constant 0 : index
    %get3A_22 = arith.constant 0 : index
    %get3A_23 = vector.load %arg5[%get3A_21, %get3A_22] : memref<131x128xf32, #tpu.memory_space<vmem>>, vector<131x128xf32>
    %dot_general3A_24 = arith.constant dense<0.000000e+00> : vector<2048x128xf32>
    %dot_general3A_25 = tpu.matmul %sub3A, %get3A_23, %dot_general3A_24 {dimension_numbers = #tpu.dot_dimension_numbers<[1], [0], [0], [1], [0, 0, 1, 1], [], []>, transpose_lhs_hint = false} : vector<2048x131xf32>, vector<131x128xf32>, vector<2048x128xf32> -> vector<2048x128xf32>
    %get3A_26 = arith.constant 0 : index
    %get3A_27 = arith.constant 0 : index
    %get3A_28 = vector.load %arg6[%get3A_26, %get3A_27] : memref<1x128xf32, #tpu.memory_space<vmem>>, vector<1x128xf32>
    %add3A = vector.broadcast %get3A_28 : vector<1x128xf32> to vector<2048x128xf32>
    %add3A_29 = arith.addf %dot_general3A_25, %add3A : vector<2048x128xf32>
    %swap3A = arith.constant 0 : index
    %swap3A_30 = arith.constant 0 : index
    %swap3A_31 = arith.constant 0 : index
    %swap3A_32 = vector.load %arg7[%swap3A, %swap3A_30, %swap3A_31] : memref<1x2048x128xf32, #tpu.memory_space<vmem>>, vector<1x2048x128xf32>
    %swap3A_33 = vector.shape_cast %swap3A_32 : vector<1x2048x128xf32> to vector<2048x128xf32>
    %swap3A_34 = vector.shape_cast %add3A_29 : vector<2048x128xf32> to vector<1x2048x128xf32>
    tpu.vector_store %arg7[%swap3A, %swap3A_30, %swap3A_31], %swap3A_34 {strides = array<i32>} : memref<1x2048x128xf32, #tpu.memory_space<vmem>>, vector<1x2048x128xf32>,
    %eq3A_35 = arith.constant 0 : i32
    %eq3A_36 = arith.cmpi eq, %arg0, %eq3A_35 : i32
    %eq3A_37 = arith.constant 0 : i32
    %eq3A_38 = arith.cmpi eq, %arg1, %eq3A_37 : i32
    %and3A = arith.andi %eq3A_36, %eq3A_38 : i1
    %convert_element_type3A_39 = arith.extui %and3A : i1 to i32
    %cond3A = arith.constant 0 : i32
    %cond3A_40 = arith.cmpi ne, %convert_element_type3A_39, %cond3A : i32
    scf.if %cond3A_40 {
      %broadcast_in_dim3A_60 = arith.constant 0.000000e+00 : f32
      %broadcast_in_dim3A_61 = vector.broadcast %broadcast_in_dim3A_60 : f32 to vector<1x128xf32>
      %swap3A_62 = arith.constant 0 : index
      %swap3A_63 = arith.constant 0 : index
      %swap3A_64 = vector.load %arg8[%swap3A_62, %swap3A_63] : memref<1x128xf32, #tpu.memory_space<vmem>>, vector<1x128xf32>
      tpu.vector_store %arg8[%swap3A_62, %swap3A_63], %broadcast_in_dim3A_61 {strides = array<i32>} : memref<1x128xf32, #tpu.memory_space<vmem>>, vector<1x128xf32>,
      %broadcast_in_dim3A_65 = arith.constant 0.000000e+00 : f32
      %broadcast_in_dim3A_66 = vector.broadcast %broadcast_in_dim3A_65 : f32 to vector<1x128xf32>
      %swap3A_67 = arith.constant 0 : index
      %swap3A_68 = arith.constant 0 : index
      %swap3A_69 = vector.load %arg9[%swap3A_67, %swap3A_68] : memref<1x128xf32, #tpu.memory_space<vmem>>, vector<1x128xf32>
      tpu.vector_store %arg9[%swap3A_67, %swap3A_68], %broadcast_in_dim3A_66 {strides = array<i32>} : memref<1x128xf32, #tpu.memory_space<vmem>>, vector<1x128xf32>,
    } else {
    }
    %get3A_41 = arith.constant 0 : index
    %get3A_42 = arith.constant 0 : index
    %get3A_43 = vector.load %arg8[%get3A_41, %get3A_42] : memref<1x128xf32, #tpu.memory_space<vmem>>, vector<1x128xf32>
    %reduce_sum3A = arith.constant dense<0.000000e+00> : vector<128xf32>
    %reduce_sum3A_44 = vector.multi_reduction <add>, %add3A_29, %reduce_sum3A [0] : vector<2048x128xf32> to vector<128xf32>
    %broadcast_in_dim3A_45 = vector.shape_cast %reduce_sum3A_44 : vector<128xf32> to vector<1x128xf32>
    %add3A_46 = arith.addf %get3A_43, %broadcast_in_dim3A_45 : vector<1x128xf32>
    %swap3A_47 = arith.constant 0 : index
    %swap3A_48 = arith.constant 0 : index
    %swap3A_49 = vector.load %arg8[%swap3A_47, %swap3A_48] : memref<1x128xf32, #tpu.memory_space<vmem>>, vector<1x128xf32>
    tpu.vector_store %arg8[%swap3A_47, %swap3A_48], %add3A_46 {strides = array<i32>} : memref<1x128xf32, #tpu.memory_space<vmem>>, vector<1x128xf32>,
    %get3A_50 = arith.constant 0 : index
    %get3A_51 = arith.constant 0 : index
    %get3A_52 = vector.load %arg9[%get3A_50, %get3A_51] : memref<1x128xf32, #tpu.memory_space<vmem>>, vector<1x128xf32>
    %mul3A = arith.mulf %add3A_29, %add3A_29 : vector<2048x128xf32>
    %reduce_sum3A_53 = arith.constant dense<0.000000e+00> : vector<128xf32>
    %reduce_sum3A_54 = vector.multi_reduction <add>, %mul3A, %reduce_sum3A_53 [0] : vector<2048x128xf32> to vector<128xf32>
    %broadcast_in_dim3A_55 = vector.shape_cast %reduce_sum3A_54 : vector<128xf32> to vector<1x128xf32>
    %add3A_56 = arith.addf %get3A_52, %broadcast_in_dim3A_55 : vector<1x128xf32>
    %swap3A_57 = arith.constant 0 : index
    %swap3A_58 = arith.constant 0 : index
    %swap3A_59 = vector.load %arg9[%swap3A_57, %swap3A_58] : memref<1x128xf32, #tpu.memory_space<vmem>>, vector<1x128xf32>
    tpu.vector_store %arg9[%swap3A_57, %swap3A_58], %add3A_56 {strides = array<i32>} : memref<1x128xf32, #tpu.memory_space<vmem>>, vector<1x128xf32>,
    return
  }
  func.func @transform_0(%arg0: i32, %arg1: i32) -> (i32, i32, i32) {
    %c0_i32 = arith.constant 0 : i32
    %c0_i32_0 = arith.constant 0 : i32
    return %arg0, %arg1, %c0_i32 : i32, i32, i32
  }
  func.func @transform_1(%arg0: i32, %arg1: i32) -> (i32, i32, i32) {
    %c0_i32 = arith.constant 0 : i32
    %c0_i32_0 = arith.constant 0 : i32
    %c0_i32_1 = arith.constant 0 : i32
    return %arg0, %c0_i32, %c0_i32_0 : i32, i32, i32
  }
  func.func @transform_2(%arg0: i32, %arg1: i32) -> (i32, i32, i32) {
    %c0_i32 = arith.constant 0 : i32
    %c0_i32_0 = arith.constant 0 : i32
    return %arg0, %arg1, %c0_i32 : i32, i32, i32
  }
  func.func @transform_3(%arg0: i32, %arg1: i32) -> (i32, i32) {
    %c0_i32 = arith.constant 0 : i32
    %c0_i32_0 = arith.constant 0 : i32
    %c0_i32_1 = arith.constant 0 : i32
    return %c0_i32, %c0_i32_0 : i32, i32
  }
  func.func @transform_4(%arg0: i32, %arg1: i32) -> (i32, i32) {
    %c0_i32 = arith.constant 0 : i32
    %c0_i32_0 = arith.constant 0 : i32
    %c0_i32_1 = arith.constant 0 : i32
    return %c0_i32, %c0_i32_0 : i32, i32
  }
  func.func @transform_5(%arg0: i32, %arg1: i32) -> (i32, i32, i32) {
    %c0_i32 = arith.constant 0 : i32
    %c0_i32_0 = arith.constant 0 : i32
    return %arg0, %arg1, %c0_i32 : i32, i32, i32
  }
  func.func @transform_6(%arg0: i32, %arg1: i32) -> (i32, i32) {
    %c0_i32 = arith.constant 0 : i32
    %c0_i32_0 = arith.constant 0 : i32
    %c0_i32_1 = arith.constant 0 : i32
    return %c0_i32, %c0_i32_0 : i32, i32
  }
  func.func @transform_7(%arg0: i32, %arg1: i32) -> (i32, i32) {
    %c0_i32 = arith.constant 0 : i32
    %c0_i32_0 = arith.constant 0 : i32
    %c0_i32_1 = arith.constant 0 : i32
    return %c0_i32, %c0_i32_0 : i32, i32
  }
}

module attributes {stable_mosaic.version = 14 : i64} {
  func.func @_bnmm_body(%arg0: i32, %arg1: i32, %arg2: memref<1x8192x128xf32, #tpu.memory_space<vmem>>, %arg3: memref<1x128xf32, #tpu.memory_space<vmem>>, %arg4: memref<1x128xf32, #tpu.memory_space<vmem>>, %arg5: memref<128x128xf32, #tpu.memory_space<vmem>>, %arg6: memref<1x128xf32, #tpu.memory_space<vmem>>, %arg7: memref<1x8192x128xf32, #tpu.memory_space<vmem>>, %arg8: memref<1x128xf32, #tpu.memory_space<vmem>>, %arg9: memref<1x128xf32, #tpu.memory_space<vmem>>) attributes {dimension_semantics = [#tpu.dimension_semantics<arbitrary>, #tpu.dimension_semantics<arbitrary>], iteration_bounds = array<i64: 16, 1>, scalar_prefetch = 0 : i64, scratch_operands = 0 : i64, tpu.core_type = #tpu.core_type<tc>, window_params = [{transform_indices = @transform_0, window_bounds = array<i64: 1, 8192, 128>}, {pipeline_mode = #tpu.pipeline_mode<synchronous>, transform_indices = @transform_1, window_bounds = array<i64: 1, 128>}, {pipeline_mode = #tpu.pipeline_mode<synchronous>, transform_indices = @transform_2, window_bounds = array<i64: 1, 128>}, {pipeline_mode = #tpu.pipeline_mode<synchronous>, transform_indices = @transform_3, window_bounds = array<i64: 128, 128>}, {pipeline_mode = #tpu.pipeline_mode<synchronous>, transform_indices = @transform_4, window_bounds = array<i64: 1, 128>}, {transform_indices = @transform_5, window_bounds = array<i64: 1, 8192, 128>}, {pipeline_mode = #tpu.pipeline_mode<synchronous>, transform_indices = @transform_6, window_bounds = array<i64: 1, 128>}, {pipeline_mode = #tpu.pipeline_mode<synchronous>, transform_indices = @transform_7, window_bounds = array<i64: 1, 128>}]} {
    %get3A = arith.constant 0 : index
    %get3A_0 = arith.constant 0 : index
    %get3A_1 = arith.constant 0 : index
    %get3A_2 = vector.load %arg2[%get3A, %get3A_0, %get3A_1] : memref<1x8192x128xf32, #tpu.memory_space<vmem>>, vector<1x8192x128xf32>
    %get3A_3 = vector.shape_cast %get3A_2 : vector<1x8192x128xf32> to vector<8192x128xf32>
    %get3A_4 = arith.constant 0 : index
    %get3A_5 = arith.constant 0 : index
    %get3A_6 = vector.load %arg3[%get3A_4, %get3A_5] : memref<1x128xf32, #tpu.memory_space<vmem>>, vector<1x128xf32>
    %mul3A = vector.broadcast %get3A_6 : vector<1x128xf32> to vector<8192x128xf32>
    %mul3A_7 = arith.mulf %get3A_3, %mul3A : vector<8192x128xf32>
    %get3A_8 = arith.constant 0 : index
    %get3A_9 = arith.constant 0 : index
    %get3A_10 = vector.load %arg4[%get3A_8, %get3A_9] : memref<1x128xf32, #tpu.memory_space<vmem>>, vector<1x128xf32>
    %add3A = vector.broadcast %get3A_10 : vector<1x128xf32> to vector<8192x128xf32>
    %add3A_11 = arith.addf %mul3A_7, %add3A : vector<8192x128xf32>
    %max3A = arith.constant 0.000000e+00 : f32
    %max3A_12 = vector.broadcast %max3A : f32 to vector<8192x128xf32>
    %max3A_13 = arith.maximumf %add3A_11, %max3A_12 : vector<8192x128xf32>
    %get3A_14 = arith.constant 0 : index
    %get3A_15 = arith.constant 0 : index
    %get3A_16 = vector.load %arg5[%get3A_14, %get3A_15] : memref<128x128xf32, #tpu.memory_space<vmem>>, vector<128x128xf32>
    %dot_general3A = arith.constant dense<0.000000e+00> : vector<8192x128xf32>
    %dot_general3A_17 = tpu.matmul %max3A_13, %get3A_16, %dot_general3A {dimension_numbers = #tpu.dot_dimension_numbers<[1], [0], [0], [1], [0, 0, 1, 1], [], []>, transpose_lhs_hint = false} : vector<8192x128xf32>, vector<128x128xf32>, vector<8192x128xf32> -> vector<8192x128xf32>
    %get3A_18 = arith.constant 0 : index
    %get3A_19 = arith.constant 0 : index
    %get3A_20 = vector.load %arg6[%get3A_18, %get3A_19] : memref<1x128xf32, #tpu.memory_space<vmem>>, vector<1x128xf32>
    %add3A_21 = vector.broadcast %get3A_20 : vector<1x128xf32> to vector<8192x128xf32>
    %add3A_22 = arith.addf %dot_general3A_17, %add3A_21 : vector<8192x128xf32>
    %swap3A = arith.constant 0 : index
    %swap3A_23 = arith.constant 0 : index
    %swap3A_24 = arith.constant 0 : index
    %swap3A_25 = vector.load %arg7[%swap3A, %swap3A_23, %swap3A_24] : memref<1x8192x128xf32, #tpu.memory_space<vmem>>, vector<1x8192x128xf32>
    %swap3A_26 = vector.shape_cast %swap3A_25 : vector<1x8192x128xf32> to vector<8192x128xf32>
    %swap3A_27 = vector.shape_cast %add3A_22 : vector<8192x128xf32> to vector<1x8192x128xf32>
    tpu.vector_store %arg7[%swap3A, %swap3A_23, %swap3A_24], %swap3A_27 {strides = array<i32>} : memref<1x8192x128xf32, #tpu.memory_space<vmem>>, vector<1x8192x128xf32>,
    %eq3A = arith.constant 0 : i32
    %eq3A_28 = arith.cmpi eq, %arg0, %eq3A : i32
    %eq3A_29 = arith.constant 0 : i32
    %eq3A_30 = arith.cmpi eq, %arg1, %eq3A_29 : i32
    %and3A = arith.andi %eq3A_28, %eq3A_30 : i1
    %convert_element_type3A = arith.extui %and3A : i1 to i32
    %cond3A = arith.constant 0 : i32
    %cond3A_31 = arith.cmpi ne, %convert_element_type3A, %cond3A : i32
    scf.if %cond3A_31 {
      %broadcast_in_dim3A_51 = arith.constant 0.000000e+00 : f32
      %broadcast_in_dim3A_52 = vector.broadcast %broadcast_in_dim3A_51 : f32 to vector<1x128xf32>
      %swap3A_53 = arith.constant 0 : index
      %swap3A_54 = arith.constant 0 : index
      %swap3A_55 = vector.load %arg8[%swap3A_53, %swap3A_54] : memref<1x128xf32, #tpu.memory_space<vmem>>, vector<1x128xf32>
      tpu.vector_store %arg8[%swap3A_53, %swap3A_54], %broadcast_in_dim3A_52 {strides = array<i32>} : memref<1x128xf32, #tpu.memory_space<vmem>>, vector<1x128xf32>,
      %broadcast_in_dim3A_56 = arith.constant 0.000000e+00 : f32
      %broadcast_in_dim3A_57 = vector.broadcast %broadcast_in_dim3A_56 : f32 to vector<1x128xf32>
      %swap3A_58 = arith.constant 0 : index
      %swap3A_59 = arith.constant 0 : index
      %swap3A_60 = vector.load %arg9[%swap3A_58, %swap3A_59] : memref<1x128xf32, #tpu.memory_space<vmem>>, vector<1x128xf32>
      tpu.vector_store %arg9[%swap3A_58, %swap3A_59], %broadcast_in_dim3A_57 {strides = array<i32>} : memref<1x128xf32, #tpu.memory_space<vmem>>, vector<1x128xf32>,
    } else {
    }
    %get3A_32 = arith.constant 0 : index
    %get3A_33 = arith.constant 0 : index
    %get3A_34 = vector.load %arg8[%get3A_32, %get3A_33] : memref<1x128xf32, #tpu.memory_space<vmem>>, vector<1x128xf32>
    %reduce_sum3A = arith.constant dense<0.000000e+00> : vector<128xf32>
    %reduce_sum3A_35 = vector.multi_reduction <add>, %add3A_22, %reduce_sum3A [0] : vector<8192x128xf32> to vector<128xf32>
    %broadcast_in_dim3A = vector.shape_cast %reduce_sum3A_35 : vector<128xf32> to vector<1x128xf32>
    %add3A_36 = arith.addf %get3A_34, %broadcast_in_dim3A : vector<1x128xf32>
    %swap3A_37 = arith.constant 0 : index
    %swap3A_38 = arith.constant 0 : index
    %swap3A_39 = vector.load %arg8[%swap3A_37, %swap3A_38] : memref<1x128xf32, #tpu.memory_space<vmem>>, vector<1x128xf32>
    tpu.vector_store %arg8[%swap3A_37, %swap3A_38], %add3A_36 {strides = array<i32>} : memref<1x128xf32, #tpu.memory_space<vmem>>, vector<1x128xf32>,
    %get3A_40 = arith.constant 0 : index
    %get3A_41 = arith.constant 0 : index
    %get3A_42 = vector.load %arg9[%get3A_40, %get3A_41] : memref<1x128xf32, #tpu.memory_space<vmem>>, vector<1x128xf32>
    %mul3A_43 = arith.mulf %add3A_22, %add3A_22 : vector<8192x128xf32>
    %reduce_sum3A_44 = arith.constant dense<0.000000e+00> : vector<128xf32>
    %reduce_sum3A_45 = vector.multi_reduction <add>, %mul3A_43, %reduce_sum3A_44 [0] : vector<8192x128xf32> to vector<128xf32>
    %broadcast_in_dim3A_46 = vector.shape_cast %reduce_sum3A_45 : vector<128xf32> to vector<1x128xf32>
    %add3A_47 = arith.addf %get3A_42, %broadcast_in_dim3A_46 : vector<1x128xf32>
    %swap3A_48 = arith.constant 0 : index
    %swap3A_49 = arith.constant 0 : index
    %swap3A_50 = vector.load %arg9[%swap3A_48, %swap3A_49] : memref<1x128xf32, #tpu.memory_space<vmem>>, vector<1x128xf32>
    tpu.vector_store %arg9[%swap3A_48, %swap3A_49], %add3A_47 {strides = array<i32>} : memref<1x128xf32, #tpu.memory_space<vmem>>, vector<1x128xf32>,
    return
  }
  func.func @transform_0(%arg0: i32, %arg1: i32) -> (i32, i32, i32) {
    %c0_i32 = arith.constant 0 : i32
    %c0_i32_0 = arith.constant 0 : i32
    return %arg0, %arg1, %c0_i32 : i32, i32, i32
  }
  func.func @transform_1(%arg0: i32, %arg1: i32) -> (i32, i32) {
    %c0_i32 = arith.constant 0 : i32
    %c0_i32_0 = arith.constant 0 : i32
    %c0_i32_1 = arith.constant 0 : i32
    return %c0_i32, %c0_i32_0 : i32, i32
  }
  func.func @transform_2(%arg0: i32, %arg1: i32) -> (i32, i32) {
    %c0_i32 = arith.constant 0 : i32
    %c0_i32_0 = arith.constant 0 : i32
    %c0_i32_1 = arith.constant 0 : i32
    return %c0_i32, %c0_i32_0 : i32, i32
  }
  func.func @transform_3(%arg0: i32, %arg1: i32) -> (i32, i32) {
    %c0_i32 = arith.constant 0 : i32
    %c0_i32_0 = arith.constant 0 : i32
    %c0_i32_1 = arith.constant 0 : i32
    return %c0_i32, %c0_i32_0 : i32, i32
  }
  func.func @transform_4(%arg0: i32, %arg1: i32) -> (i32, i32) {
    %c0_i32 = arith.constant 0 : i32
    %c0_i32_0 = arith.constant 0 : i32
    %c0_i32_1 = arith.constant 0 : i32
    return %c0_i32, %c0_i32_0 : i32, i32
  }
  func.func @transform_5(%arg0: i32, %arg1: i32) -> (i32, i32, i32) {
    %c0_i32 = arith.constant 0 : i32
    %c0_i32_0 = arith.constant 0 : i32
    return %arg0, %arg1, %c0_i32 : i32, i32, i32
  }
  func.func @transform_6(%arg0: i32, %arg1: i32) -> (i32, i32) {
    %c0_i32 = arith.constant 0 : i32
    %c0_i32_0 = arith.constant 0 : i32
    %c0_i32_1 = arith.constant 0 : i32
    return %c0_i32, %c0_i32_0 : i32, i32
  }
  func.func @transform_7(%arg0: i32, %arg1: i32) -> (i32, i32) {
    %c0_i32 = arith.constant 0 : i32
    %c0_i32_0 = arith.constant 0 : i32
    %c0_i32_1 = arith.constant 0 : i32
    return %c0_i32, %c0_i32_0 : i32, i32
  }
}

module attributes {stable_mosaic.version = 14 : i64} {
  func.func @_bnmm_body(%arg0: i32, %arg1: i32, %arg2: memref<1x8192x128xf32, #tpu.memory_space<vmem>>, %arg3: memref<1x128xf32, #tpu.memory_space<vmem>>, %arg4: memref<1x128xf32, #tpu.memory_space<vmem>>, %arg5: memref<128x256xf32, #tpu.memory_space<vmem>>, %arg6: memref<1x256xf32, #tpu.memory_space<vmem>>, %arg7: memref<1x8192x256xf32, #tpu.memory_space<vmem>>, %arg8: memref<1x256xf32, #tpu.memory_space<vmem>>, %arg9: memref<1x256xf32, #tpu.memory_space<vmem>>) attributes {dimension_semantics = [#tpu.dimension_semantics<arbitrary>, #tpu.dimension_semantics<arbitrary>], iteration_bounds = array<i64: 16, 1>, scalar_prefetch = 0 : i64, scratch_operands = 0 : i64, tpu.core_type = #tpu.core_type<tc>, window_params = [{transform_indices = @transform_0, window_bounds = array<i64: 1, 8192, 128>}, {pipeline_mode = #tpu.pipeline_mode<synchronous>, transform_indices = @transform_1, window_bounds = array<i64: 1, 128>}, {pipeline_mode = #tpu.pipeline_mode<synchronous>, transform_indices = @transform_2, window_bounds = array<i64: 1, 128>}, {pipeline_mode = #tpu.pipeline_mode<synchronous>, transform_indices = @transform_3, window_bounds = array<i64: 128, 256>}, {pipeline_mode = #tpu.pipeline_mode<synchronous>, transform_indices = @transform_4, window_bounds = array<i64: 1, 256>}, {transform_indices = @transform_5, window_bounds = array<i64: 1, 8192, 256>}, {pipeline_mode = #tpu.pipeline_mode<synchronous>, transform_indices = @transform_6, window_bounds = array<i64: 1, 256>}, {pipeline_mode = #tpu.pipeline_mode<synchronous>, transform_indices = @transform_7, window_bounds = array<i64: 1, 256>}]} {
    %get3A = arith.constant 0 : index
    %get3A_0 = arith.constant 0 : index
    %get3A_1 = arith.constant 0 : index
    %get3A_2 = vector.load %arg2[%get3A, %get3A_0, %get3A_1] : memref<1x8192x128xf32, #tpu.memory_space<vmem>>, vector<1x8192x128xf32>
    %get3A_3 = vector.shape_cast %get3A_2 : vector<1x8192x128xf32> to vector<8192x128xf32>
    %get3A_4 = arith.constant 0 : index
    %get3A_5 = arith.constant 0 : index
    %get3A_6 = vector.load %arg3[%get3A_4, %get3A_5] : memref<1x128xf32, #tpu.memory_space<vmem>>, vector<1x128xf32>
    %mul3A = vector.broadcast %get3A_6 : vector<1x128xf32> to vector<8192x128xf32>
    %mul3A_7 = arith.mulf %get3A_3, %mul3A : vector<8192x128xf32>
    %get3A_8 = arith.constant 0 : index
    %get3A_9 = arith.constant 0 : index
    %get3A_10 = vector.load %arg4[%get3A_8, %get3A_9] : memref<1x128xf32, #tpu.memory_space<vmem>>, vector<1x128xf32>
    %add3A = vector.broadcast %get3A_10 : vector<1x128xf32> to vector<8192x128xf32>
    %add3A_11 = arith.addf %mul3A_7, %add3A : vector<8192x128xf32>
    %max3A = arith.constant 0.000000e+00 : f32
    %max3A_12 = vector.broadcast %max3A : f32 to vector<8192x128xf32>
    %max3A_13 = arith.maximumf %add3A_11, %max3A_12 : vector<8192x128xf32>
    %get3A_14 = arith.constant 0 : index
    %get3A_15 = arith.constant 0 : index
    %get3A_16 = vector.load %arg5[%get3A_14, %get3A_15] : memref<128x256xf32, #tpu.memory_space<vmem>>, vector<128x256xf32>
    %dot_general3A = arith.constant dense<0.000000e+00> : vector<8192x256xf32>
    %dot_general3A_17 = tpu.matmul %max3A_13, %get3A_16, %dot_general3A {dimension_numbers = #tpu.dot_dimension_numbers<[1], [0], [0], [1], [0, 0, 1, 1], [], []>, transpose_lhs_hint = false} : vector<8192x128xf32>, vector<128x256xf32>, vector<8192x256xf32> -> vector<8192x256xf32>
    %get3A_18 = arith.constant 0 : index
    %get3A_19 = arith.constant 0 : index
    %get3A_20 = vector.load %arg6[%get3A_18, %get3A_19] : memref<1x256xf32, #tpu.memory_space<vmem>>, vector<1x256xf32>
    %add3A_21 = vector.broadcast %get3A_20 : vector<1x256xf32> to vector<8192x256xf32>
    %add3A_22 = arith.addf %dot_general3A_17, %add3A_21 : vector<8192x256xf32>
    %swap3A = arith.constant 0 : index
    %swap3A_23 = arith.constant 0 : index
    %swap3A_24 = arith.constant 0 : index
    %swap3A_25 = vector.load %arg7[%swap3A, %swap3A_23, %swap3A_24] : memref<1x8192x256xf32, #tpu.memory_space<vmem>>, vector<1x8192x256xf32>
    %swap3A_26 = vector.shape_cast %swap3A_25 : vector<1x8192x256xf32> to vector<8192x256xf32>
    %swap3A_27 = vector.shape_cast %add3A_22 : vector<8192x256xf32> to vector<1x8192x256xf32>
    tpu.vector_store %arg7[%swap3A, %swap3A_23, %swap3A_24], %swap3A_27 {strides = array<i32>} : memref<1x8192x256xf32, #tpu.memory_space<vmem>>, vector<1x8192x256xf32>,
    %eq3A = arith.constant 0 : i32
    %eq3A_28 = arith.cmpi eq, %arg0, %eq3A : i32
    %eq3A_29 = arith.constant 0 : i32
    %eq3A_30 = arith.cmpi eq, %arg1, %eq3A_29 : i32
    %and3A = arith.andi %eq3A_28, %eq3A_30 : i1
    %convert_element_type3A = arith.extui %and3A : i1 to i32
    %cond3A = arith.constant 0 : i32
    %cond3A_31 = arith.cmpi ne, %convert_element_type3A, %cond3A : i32
    scf.if %cond3A_31 {
      %broadcast_in_dim3A_51 = arith.constant 0.000000e+00 : f32
      %broadcast_in_dim3A_52 = vector.broadcast %broadcast_in_dim3A_51 : f32 to vector<1x256xf32>
      %swap3A_53 = arith.constant 0 : index
      %swap3A_54 = arith.constant 0 : index
      %swap3A_55 = vector.load %arg8[%swap3A_53, %swap3A_54] : memref<1x256xf32, #tpu.memory_space<vmem>>, vector<1x256xf32>
      tpu.vector_store %arg8[%swap3A_53, %swap3A_54], %broadcast_in_dim3A_52 {strides = array<i32>} : memref<1x256xf32, #tpu.memory_space<vmem>>, vector<1x256xf32>,
      %broadcast_in_dim3A_56 = arith.constant 0.000000e+00 : f32
      %broadcast_in_dim3A_57 = vector.broadcast %broadcast_in_dim3A_56 : f32 to vector<1x256xf32>
      %swap3A_58 = arith.constant 0 : index
      %swap3A_59 = arith.constant 0 : index
      %swap3A_60 = vector.load %arg9[%swap3A_58, %swap3A_59] : memref<1x256xf32, #tpu.memory_space<vmem>>, vector<1x256xf32>
      tpu.vector_store %arg9[%swap3A_58, %swap3A_59], %broadcast_in_dim3A_57 {strides = array<i32>} : memref<1x256xf32, #tpu.memory_space<vmem>>, vector<1x256xf32>,
    } else {
    }
    %get3A_32 = arith.constant 0 : index
    %get3A_33 = arith.constant 0 : index
    %get3A_34 = vector.load %arg8[%get3A_32, %get3A_33] : memref<1x256xf32, #tpu.memory_space<vmem>>, vector<1x256xf32>
    %reduce_sum3A = arith.constant dense<0.000000e+00> : vector<256xf32>
    %reduce_sum3A_35 = vector.multi_reduction <add>, %add3A_22, %reduce_sum3A [0] : vector<8192x256xf32> to vector<256xf32>
    %broadcast_in_dim3A = vector.shape_cast %reduce_sum3A_35 : vector<256xf32> to vector<1x256xf32>
    %add3A_36 = arith.addf %get3A_34, %broadcast_in_dim3A : vector<1x256xf32>
    %swap3A_37 = arith.constant 0 : index
    %swap3A_38 = arith.constant 0 : index
    %swap3A_39 = vector.load %arg8[%swap3A_37, %swap3A_38] : memref<1x256xf32, #tpu.memory_space<vmem>>, vector<1x256xf32>
    tpu.vector_store %arg8[%swap3A_37, %swap3A_38], %add3A_36 {strides = array<i32>} : memref<1x256xf32, #tpu.memory_space<vmem>>, vector<1x256xf32>,
    %get3A_40 = arith.constant 0 : index
    %get3A_41 = arith.constant 0 : index
    %get3A_42 = vector.load %arg9[%get3A_40, %get3A_41] : memref<1x256xf32, #tpu.memory_space<vmem>>, vector<1x256xf32>
    %mul3A_43 = arith.mulf %add3A_22, %add3A_22 : vector<8192x256xf32>
    %reduce_sum3A_44 = arith.constant dense<0.000000e+00> : vector<256xf32>
    %reduce_sum3A_45 = vector.multi_reduction <add>, %mul3A_43, %reduce_sum3A_44 [0] : vector<8192x256xf32> to vector<256xf32>
    %broadcast_in_dim3A_46 = vector.shape_cast %reduce_sum3A_45 : vector<256xf32> to vector<1x256xf32>
    %add3A_47 = arith.addf %get3A_42, %broadcast_in_dim3A_46 : vector<1x256xf32>
    %swap3A_48 = arith.constant 0 : index
    %swap3A_49 = arith.constant 0 : index
    %swap3A_50 = vector.load %arg9[%swap3A_48, %swap3A_49] : memref<1x256xf32, #tpu.memory_space<vmem>>, vector<1x256xf32>
    tpu.vector_store %arg9[%swap3A_48, %swap3A_49], %add3A_47 {strides = array<i32>} : memref<1x256xf32, #tpu.memory_space<vmem>>, vector<1x256xf32>,
    return
  }
  func.func @transform_0(%arg0: i32, %arg1: i32) -> (i32, i32, i32) {
    %c0_i32 = arith.constant 0 : i32
    %c0_i32_0 = arith.constant 0 : i32
    return %arg0, %arg1, %c0_i32 : i32, i32, i32
  }
  func.func @transform_1(%arg0: i32, %arg1: i32) -> (i32, i32) {
    %c0_i32 = arith.constant 0 : i32
    %c0_i32_0 = arith.constant 0 : i32
    %c0_i32_1 = arith.constant 0 : i32
    return %c0_i32, %c0_i32_0 : i32, i32
  }
  func.func @transform_2(%arg0: i32, %arg1: i32) -> (i32, i32) {
    %c0_i32 = arith.constant 0 : i32
    %c0_i32_0 = arith.constant 0 : i32
    %c0_i32_1 = arith.constant 0 : i32
    return %c0_i32, %c0_i32_0 : i32, i32
  }
  func.func @transform_3(%arg0: i32, %arg1: i32) -> (i32, i32) {
    %c0_i32 = arith.constant 0 : i32
    %c0_i32_0 = arith.constant 0 : i32
    %c0_i32_1 = arith.constant 0 : i32
    return %c0_i32, %c0_i32_0 : i32, i32
  }
  func.func @transform_4(%arg0: i32, %arg1: i32) -> (i32, i32) {
    %c0_i32 = arith.constant 0 : i32
    %c0_i32_0 = arith.constant 0 : i32
    %c0_i32_1 = arith.constant 0 : i32
    return %c0_i32, %c0_i32_0 : i32, i32
  }
  func.func @transform_5(%arg0: i32, %arg1: i32) -> (i32, i32, i32) {
    %c0_i32 = arith.constant 0 : i32
    %c0_i32_0 = arith.constant 0 : i32
    return %arg0, %arg1, %c0_i32 : i32, i32, i32
  }
  func.func @transform_6(%arg0: i32, %arg1: i32) -> (i32, i32) {
    %c0_i32 = arith.constant 0 : i32
    %c0_i32_0 = arith.constant 0 : i32
    %c0_i32_1 = arith.constant 0 : i32
    return %c0_i32, %c0_i32_0 : i32, i32
  }
  func.func @transform_7(%arg0: i32, %arg1: i32) -> (i32, i32) {
    %c0_i32 = arith.constant 0 : i32
    %c0_i32_0 = arith.constant 0 : i32
    %c0_i32_1 = arith.constant 0 : i32
    return %c0_i32, %c0_i32_0 : i32, i32
  }
}

module attributes {stable_mosaic.version = 14 : i64} {
  func.func @_maxcat_body(%arg0: i32, %arg1: i32, %arg2: memref<1x8192x256xf32, #tpu.memory_space<vmem>>, %arg3: memref<1x256xf32, #tpu.memory_space<vmem>>, %arg4: memref<1x256xf32, #tpu.memory_space<vmem>>, %arg5: memref<1x128x3xf32, #tpu.memory_space<vmem>>, %arg6: memref<1x128x259xf32, #tpu.memory_space<vmem>>) attributes {dimension_semantics = [#tpu.dimension_semantics<arbitrary>, #tpu.dimension_semantics<arbitrary>], iteration_bounds = array<i64: 16, 1>, scalar_prefetch = 0 : i64, scratch_operands = 0 : i64, tpu.core_type = #tpu.core_type<tc>, window_params = [{transform_indices = @transform_0, window_bounds = array<i64: 1, 8192, 256>}, {pipeline_mode = #tpu.pipeline_mode<synchronous>, transform_indices = @transform_1, window_bounds = array<i64: 1, 256>}, {pipeline_mode = #tpu.pipeline_mode<synchronous>, transform_indices = @transform_2, window_bounds = array<i64: 1, 256>}, {transform_indices = @transform_3, window_bounds = array<i64: 1, 128, 3>}, {transform_indices = @transform_4, window_bounds = array<i64: 1, 128, 259>}]} {
    %get3A = arith.constant 0 : index
    %get3A_0 = arith.constant 0 : index
    %get3A_1 = arith.constant 0 : index
    %get3A_2 = vector.load %arg2[%get3A, %get3A_0, %get3A_1] : memref<1x8192x256xf32, #tpu.memory_space<vmem>>, vector<1x8192x256xf32>
    %get3A_3 = vector.shape_cast %get3A_2 : vector<1x8192x256xf32> to vector<8192x256xf32>
    %get3A_4 = arith.constant 0 : index
    %get3A_5 = arith.constant 0 : index
    %get3A_6 = vector.load %arg3[%get3A_4, %get3A_5] : memref<1x256xf32, #tpu.memory_space<vmem>>, vector<1x256xf32>
    %mul3A = vector.broadcast %get3A_6 : vector<1x256xf32> to vector<8192x256xf32>
    %mul3A_7 = arith.mulf %get3A_3, %mul3A : vector<8192x256xf32>
    %get3A_8 = arith.constant 0 : index
    %get3A_9 = arith.constant 0 : index
    %get3A_10 = vector.load %arg4[%get3A_8, %get3A_9] : memref<1x256xf32, #tpu.memory_space<vmem>>, vector<1x256xf32>
    %add3A = vector.broadcast %get3A_10 : vector<1x256xf32> to vector<8192x256xf32>
    %add3A_11 = arith.addf %mul3A_7, %add3A : vector<8192x256xf32>
    %max3A = arith.constant 0.000000e+00 : f32
    %max3A_12 = vector.broadcast %max3A : f32 to vector<8192x256xf32>
    %max3A_13 = arith.maximumf %add3A_11, %max3A_12 : vector<8192x256xf32>
    %reshape3A = vector.shape_cast %max3A_13 : vector<8192x256xf32> to vector<128x64x256xf32>
    %reduce_max3A = arith.constant dense<0xFF800000> : vector<128x256xf32>
    %reduce_max3A_14 = vector.multi_reduction <maximumf>, %reshape3A, %reduce_max3A [1] : vector<128x64x256xf32> to vector<128x256xf32>
    %get3A_15 = arith.constant 0 : index
    %get3A_16 = arith.constant 0 : index
    %get3A_17 = arith.constant 0 : index
    %get3A_18 = vector.load %arg5[%get3A_15, %get3A_16, %get3A_17] : memref<1x128x3xf32, #tpu.memory_space<vmem>>, vector<1x128x3xf32>
    %get3A_19 = vector.shape_cast %get3A_18 : vector<1x128x3xf32> to vector<128x3xf32>
    %reduce_sum3A = arith.constant dense<0.000000e+00> : vector<3xf32>
    %reduce_sum3A_20 = vector.multi_reduction <add>, %get3A_19, %reduce_sum3A [0] : vector<128x3xf32> to vector<3xf32>
    %broadcast_in_dim3A = vector.shape_cast %reduce_sum3A_20 : vector<3xf32> to vector<1x3xf32>
    %div3A = arith.constant 1.280000e+02 : f32
    %div3A_21 = vector.broadcast %div3A : f32 to vector<1x3xf32>
    %div3A_22 = arith.divf %broadcast_in_dim3A, %div3A_21 : vector<1x3xf32>
    %sub3A = vector.broadcast %div3A_22 : vector<1x3xf32> to vector<128x3xf32>
    %sub3A_23 = arith.subf %get3A_19, %sub3A : vector<128x3xf32>
    %concatenate3A = tpu.concatenate %sub3A_23, %reduce_max3A_14 in 1 : vector<128x3xf32>, vector<128x256xf32> -> vector<128x259xf32>
    %swap3A = arith.constant 0 : index
    %swap3A_24 = arith.constant 0 : index
    %swap3A_25 = arith.constant 0 : index
    %swap3A_26 = vector.load %arg6[%swap3A, %swap3A_24, %swap3A_25] : memref<1x128x259xf32, #tpu.memory_space<vmem>>, vector<1x128x259xf32>
    %swap3A_27 = vector.shape_cast %swap3A_26 : vector<1x128x259xf32> to vector<128x259xf32>
    %swap3A_28 = vector.shape_cast %concatenate3A : vector<128x259xf32> to vector<1x128x259xf32>
    tpu.vector_store %arg6[%swap3A, %swap3A_24, %swap3A_25], %swap3A_28 {strides = array<i32>} : memref<1x128x259xf32, #tpu.memory_space<vmem>>, vector<1x128x259xf32>,
    return
  }
  func.func @transform_0(%arg0: i32, %arg1: i32) -> (i32, i32, i32) {
    %c0_i32 = arith.constant 0 : i32
    %c0_i32_0 = arith.constant 0 : i32
    return %arg0, %arg1, %c0_i32 : i32, i32, i32
  }
  func.func @transform_1(%arg0: i32, %arg1: i32) -> (i32, i32) {
    %c0_i32 = arith.constant 0 : i32
    %c0_i32_0 = arith.constant 0 : i32
    %c0_i32_1 = arith.constant 0 : i32
    return %c0_i32, %c0_i32_0 : i32, i32
  }
  func.func @transform_2(%arg0: i32, %arg1: i32) -> (i32, i32) {
    %c0_i32 = arith.constant 0 : i32
    %c0_i32_0 = arith.constant 0 : i32
    %c0_i32_1 = arith.constant 0 : i32
    return %c0_i32, %c0_i32_0 : i32, i32
  }
  func.func @transform_3(%arg0: i32, %arg1: i32) -> (i32, i32, i32) {
    %c0_i32 = arith.constant 0 : i32
    %c0_i32_0 = arith.constant 0 : i32
    return %arg0, %arg1, %c0_i32 : i32, i32, i32
  }
  func.func @transform_4(%arg0: i32, %arg1: i32) -> (i32, i32, i32) {
    %c0_i32 = arith.constant 0 : i32
    %c0_i32_0 = arith.constant 0 : i32
    return %arg0, %arg1, %c0_i32 : i32, i32, i32
  }
}

module attributes {stable_mosaic.version = 14 : i64} {
  func.func @_mm_body(%arg0: i32, %arg1: memref<1x128x259xf32, #tpu.memory_space<vmem>>, %arg2: memref<259x256xf32, #tpu.memory_space<vmem>>, %arg3: memref<1x256xf32, #tpu.memory_space<vmem>>, %arg4: memref<1x128x256xf32, #tpu.memory_space<vmem>>, %arg5: memref<1x256xf32, #tpu.memory_space<vmem>>, %arg6: memref<1x256xf32, #tpu.memory_space<vmem>>) attributes {dimension_semantics = [#tpu.dimension_semantics<arbitrary>], iteration_bounds = array<i64: 16>, scalar_prefetch = 0 : i64, scratch_operands = 0 : i64, tpu.core_type = #tpu.core_type<tc>, window_params = [{transform_indices = @transform_0, window_bounds = array<i64: 1, 128, 259>}, {pipeline_mode = #tpu.pipeline_mode<synchronous>, transform_indices = @transform_1, window_bounds = array<i64: 259, 256>}, {pipeline_mode = #tpu.pipeline_mode<synchronous>, transform_indices = @transform_2, window_bounds = array<i64: 1, 256>}, {transform_indices = @transform_3, window_bounds = array<i64: 1, 128, 256>}, {pipeline_mode = #tpu.pipeline_mode<synchronous>, transform_indices = @transform_4, window_bounds = array<i64: 1, 256>}, {pipeline_mode = #tpu.pipeline_mode<synchronous>, transform_indices = @transform_5, window_bounds = array<i64: 1, 256>}]} {
    %get3A = arith.constant 0 : index
    %get3A_0 = arith.constant 0 : index
    %get3A_1 = arith.constant 0 : index
    %get3A_2 = vector.load %arg1[%get3A, %get3A_0, %get3A_1] : memref<1x128x259xf32, #tpu.memory_space<vmem>>, vector<1x128x259xf32>
    %get3A_3 = vector.shape_cast %get3A_2 : vector<1x128x259xf32> to vector<128x259xf32>
    %get3A_4 = arith.constant 0 : index
    %get3A_5 = arith.constant 0 : index
    %get3A_6 = vector.load %arg2[%get3A_4, %get3A_5] : memref<259x256xf32, #tpu.memory_space<vmem>>, vector<259x256xf32>
    %dot_general3A = arith.constant dense<0.000000e+00> : vector<128x256xf32>
    %dot_general3A_7 = tpu.matmul %get3A_3, %get3A_6, %dot_general3A {dimension_numbers = #tpu.dot_dimension_numbers<[1], [0], [0], [1], [0, 0, 1, 1], [], []>, transpose_lhs_hint = false} : vector<128x259xf32>, vector<259x256xf32>, vector<128x256xf32> -> vector<128x256xf32>
    %get3A_8 = arith.constant 0 : index
    %get3A_9 = arith.constant 0 : index
    %get3A_10 = vector.load %arg3[%get3A_8, %get3A_9] : memref<1x256xf32, #tpu.memory_space<vmem>>, vector<1x256xf32>
    %add3A = vector.broadcast %get3A_10 : vector<1x256xf32> to vector<128x256xf32>
    %add3A_11 = arith.addf %dot_general3A_7, %add3A : vector<128x256xf32>
    %swap3A = arith.constant 0 : index
    %swap3A_12 = arith.constant 0 : index
    %swap3A_13 = arith.constant 0 : index
    %swap3A_14 = vector.load %arg4[%swap3A, %swap3A_12, %swap3A_13] : memref<1x128x256xf32, #tpu.memory_space<vmem>>, vector<1x128x256xf32>
    %swap3A_15 = vector.shape_cast %swap3A_14 : vector<1x128x256xf32> to vector<128x256xf32>
    %swap3A_16 = vector.shape_cast %add3A_11 : vector<128x256xf32> to vector<1x128x256xf32>
    tpu.vector_store %arg4[%swap3A, %swap3A_12, %swap3A_13], %swap3A_16 {strides = array<i32>} : memref<1x128x256xf32, #tpu.memory_space<vmem>>, vector<1x128x256xf32>,
    %eq3A = arith.constant 0 : i32
    %eq3A_17 = arith.cmpi eq, %arg0, %eq3A : i32
    %convert_element_type3A = arith.extui %eq3A_17 : i1 to i32
    %cond3A = arith.constant 0 : i32
    %cond3A_18 = arith.cmpi ne, %convert_element_type3A, %cond3A : i32
    scf.if %cond3A_18 {
      %broadcast_in_dim3A_37 = arith.constant 0.000000e+00 : f32
      %broadcast_in_dim3A_38 = vector.broadcast %broadcast_in_dim3A_37 : f32 to vector<1x256xf32>
      %swap3A_39 = arith.constant 0 : index
      %swap3A_40 = arith.constant 0 : index
      %swap3A_41 = vector.load %arg5[%swap3A_39, %swap3A_40] : memref<1x256xf32, #tpu.memory_space<vmem>>, vector<1x256xf32>
      tpu.vector_store %arg5[%swap3A_39, %swap3A_40], %broadcast_in_dim3A_38 {strides = array<i32>} : memref<1x256xf32, #tpu.memory_space<vmem>>, vector<1x256xf32>,
      %broadcast_in_dim3A_42 = arith.constant 0.000000e+00 : f32
      %broadcast_in_dim3A_43 = vector.broadcast %broadcast_in_dim3A_42 : f32 to vector<1x256xf32>
      %swap3A_44 = arith.constant 0 : index
      %swap3A_45 = arith.constant 0 : index
      %swap3A_46 = vector.load %arg6[%swap3A_44, %swap3A_45] : memref<1x256xf32, #tpu.memory_space<vmem>>, vector<1x256xf32>
      tpu.vector_store %arg6[%swap3A_44, %swap3A_45], %broadcast_in_dim3A_43 {strides = array<i32>} : memref<1x256xf32, #tpu.memory_space<vmem>>, vector<1x256xf32>,
    } else {
    }
    %get3A_19 = arith.constant 0 : index
    %get3A_20 = arith.constant 0 : index
    %get3A_21 = vector.load %arg5[%get3A_19, %get3A_20] : memref<1x256xf32, #tpu.memory_space<vmem>>, vector<1x256xf32>
    %reduce_sum3A = arith.constant dense<0.000000e+00> : vector<256xf32>
    %reduce_sum3A_22 = vector.multi_reduction <add>, %add3A_11, %reduce_sum3A [0] : vector<128x256xf32> to vector<256xf32>
    %broadcast_in_dim3A = vector.shape_cast %reduce_sum3A_22 : vector<256xf32> to vector<1x256xf32>
    %add3A_23 = arith.addf %get3A_21, %broadcast_in_dim3A : vector<1x256xf32>
    %swap3A_24 = arith.constant 0 : index
    %swap3A_25 = arith.constant 0 : index
    %swap3A_26 = vector.load %arg5[%swap3A_24, %swap3A_25] : memref<1x256xf32, #tpu.memory_space<vmem>>, vector<1x256xf32>
    tpu.vector_store %arg5[%swap3A_24, %swap3A_25], %add3A_23 {strides = array<i32>} : memref<1x256xf32, #tpu.memory_space<vmem>>, vector<1x256xf32>,
    %get3A_27 = arith.constant 0 : index
    %get3A_28 = arith.constant 0 : index
    %get3A_29 = vector.load %arg6[%get3A_27, %get3A_28] : memref<1x256xf32, #tpu.memory_space<vmem>>, vector<1x256xf32>
    %mul3A = arith.mulf %add3A_11, %add3A_11 : vector<128x256xf32>
    %reduce_sum3A_30 = arith.constant dense<0.000000e+00> : vector<256xf32>
    %reduce_sum3A_31 = vector.multi_reduction <add>, %mul3A, %reduce_sum3A_30 [0] : vector<128x256xf32> to vector<256xf32>
    %broadcast_in_dim3A_32 = vector.shape_cast %reduce_sum3A_31 : vector<256xf32> to vector<1x256xf32>
    %add3A_33 = arith.addf %get3A_29, %broadcast_in_dim3A_32 : vector<1x256xf32>
    %swap3A_34 = arith.constant 0 : index
    %swap3A_35 = arith.constant 0 : index
    %swap3A_36 = vector.load %arg6[%swap3A_34, %swap3A_35] : memref<1x256xf32, #tpu.memory_space<vmem>>, vector<1x256xf32>
    tpu.vector_store %arg6[%swap3A_34, %swap3A_35], %add3A_33 {strides = array<i32>} : memref<1x256xf32, #tpu.memory_space<vmem>>, vector<1x256xf32>,
    return
  }
  func.func @transform_0(%arg0: i32) -> (i32, i32, i32) {
    %c0_i32 = arith.constant 0 : i32
    %c0_i32_0 = arith.constant 0 : i32
    %c0_i32_1 = arith.constant 0 : i32
    return %arg0, %c0_i32, %c0_i32_0 : i32, i32, i32
  }
  func.func @transform_1(%arg0: i32) -> (i32, i32) {
    %c0_i32 = arith.constant 0 : i32
    %c0_i32_0 = arith.constant 0 : i32
    %c0_i32_1 = arith.constant 0 : i32
    return %c0_i32, %c0_i32_0 : i32, i32
  }
  func.func @transform_2(%arg0: i32) -> (i32, i32) {
    %c0_i32 = arith.constant 0 : i32
    %c0_i32_0 = arith.constant 0 : i32
    %c0_i32_1 = arith.constant 0 : i32
    return %c0_i32, %c0_i32_0 : i32, i32
  }
  func.func @transform_3(%arg0: i32) -> (i32, i32, i32) {
    %c0_i32 = arith.constant 0 : i32
    %c0_i32_0 = arith.constant 0 : i32
    %c0_i32_1 = arith.constant 0 : i32
    return %arg0, %c0_i32, %c0_i32_0 : i32, i32, i32
  }
  func.func @transform_4(%arg0: i32) -> (i32, i32) {
    %c0_i32 = arith.constant 0 : i32
    %c0_i32_0 = arith.constant 0 : i32
    %c0_i32_1 = arith.constant 0 : i32
    return %c0_i32, %c0_i32_0 : i32, i32
  }
  func.func @transform_5(%arg0: i32) -> (i32, i32) {
    %c0_i32 = arith.constant 0 : i32
    %c0_i32_0 = arith.constant 0 : i32
    %c0_i32_1 = arith.constant 0 : i32
    return %c0_i32, %c0_i32_0 : i32, i32
  }
}

module attributes {stable_mosaic.version = 14 : i64} {
  func.func @_bnmm_body(%arg0: i32, %arg1: i32, %arg2: memref<1x128x256xf32, #tpu.memory_space<vmem>>, %arg3: memref<1x256xf32, #tpu.memory_space<vmem>>, %arg4: memref<1x256xf32, #tpu.memory_space<vmem>>, %arg5: memref<256x512xf32, #tpu.memory_space<vmem>>, %arg6: memref<1x512xf32, #tpu.memory_space<vmem>>, %arg7: memref<1x128x512xf32, #tpu.memory_space<vmem>>, %arg8: memref<1x512xf32, #tpu.memory_space<vmem>>, %arg9: memref<1x512xf32, #tpu.memory_space<vmem>>) attributes {dimension_semantics = [#tpu.dimension_semantics<arbitrary>, #tpu.dimension_semantics<arbitrary>], iteration_bounds = array<i64: 16, 1>, scalar_prefetch = 0 : i64, scratch_operands = 0 : i64, tpu.core_type = #tpu.core_type<tc>, window_params = [{transform_indices = @transform_0, window_bounds = array<i64: 1, 128, 256>}, {pipeline_mode = #tpu.pipeline_mode<synchronous>, transform_indices = @transform_1, window_bounds = array<i64: 1, 256>}, {pipeline_mode = #tpu.pipeline_mode<synchronous>, transform_indices = @transform_2, window_bounds = array<i64: 1, 256>}, {pipeline_mode = #tpu.pipeline_mode<synchronous>, transform_indices = @transform_3, window_bounds = array<i64: 256, 512>}, {pipeline_mode = #tpu.pipeline_mode<synchronous>, transform_indices = @transform_4, window_bounds = array<i64: 1, 512>}, {transform_indices = @transform_5, window_bounds = array<i64: 1, 128, 512>}, {pipeline_mode = #tpu.pipeline_mode<synchronous>, transform_indices = @transform_6, window_bounds = array<i64: 1, 512>}, {pipeline_mode = #tpu.pipeline_mode<synchronous>, transform_indices = @transform_7, window_bounds = array<i64: 1, 512>}]} {
    %get3A = arith.constant 0 : index
    %get3A_0 = arith.constant 0 : index
    %get3A_1 = arith.constant 0 : index
    %get3A_2 = vector.load %arg2[%get3A, %get3A_0, %get3A_1] : memref<1x128x256xf32, #tpu.memory_space<vmem>>, vector<1x128x256xf32>
    %get3A_3 = vector.shape_cast %get3A_2 : vector<1x128x256xf32> to vector<128x256xf32>
    %get3A_4 = arith.constant 0 : index
    %get3A_5 = arith.constant 0 : index
    %get3A_6 = vector.load %arg3[%get3A_4, %get3A_5] : memref<1x256xf32, #tpu.memory_space<vmem>>, vector<1x256xf32>
    %mul3A = vector.broadcast %get3A_6 : vector<1x256xf32> to vector<128x256xf32>
    %mul3A_7 = arith.mulf %get3A_3, %mul3A : vector<128x256xf32>
    %get3A_8 = arith.constant 0 : index
    %get3A_9 = arith.constant 0 : index
    %get3A_10 = vector.load %arg4[%get3A_8, %get3A_9] : memref<1x256xf32, #tpu.memory_space<vmem>>, vector<1x256xf32>
    %add3A = vector.broadcast %get3A_10 : vector<1x256xf32> to vector<128x256xf32>
    %add3A_11 = arith.addf %mul3A_7, %add3A : vector<128x256xf32>
    %max3A = arith.constant 0.000000e+00 : f32
    %max3A_12 = vector.broadcast %max3A : f32 to vector<128x256xf32>
    %max3A_13 = arith.maximumf %add3A_11, %max3A_12 : vector<128x256xf32>
    %get3A_14 = arith.constant 0 : index
    %get3A_15 = arith.constant 0 : index
    %get3A_16 = vector.load %arg5[%get3A_14, %get3A_15] : memref<256x512xf32, #tpu.memory_space<vmem>>, vector<256x512xf32>
    %dot_general3A = arith.constant dense<0.000000e+00> : vector<128x512xf32>
    %dot_general3A_17 = tpu.matmul %max3A_13, %get3A_16, %dot_general3A {dimension_numbers = #tpu.dot_dimension_numbers<[1], [0], [0], [1], [0, 0, 1, 1], [], []>, transpose_lhs_hint = false} : vector<128x256xf32>, vector<256x512xf32>, vector<128x512xf32> -> vector<128x512xf32>
    %get3A_18 = arith.constant 0 : index
    %get3A_19 = arith.constant 0 : index
    %get3A_20 = vector.load %arg6[%get3A_18, %get3A_19] : memref<1x512xf32, #tpu.memory_space<vmem>>, vector<1x512xf32>
    %add3A_21 = vector.broadcast %get3A_20 : vector<1x512xf32> to vector<128x512xf32>
    %add3A_22 = arith.addf %dot_general3A_17, %add3A_21 : vector<128x512xf32>
    %swap3A = arith.constant 0 : index
    %swap3A_23 = arith.constant 0 : index
    %swap3A_24 = arith.constant 0 : index
    %swap3A_25 = vector.load %arg7[%swap3A, %swap3A_23, %swap3A_24] : memref<1x128x512xf32, #tpu.memory_space<vmem>>, vector<1x128x512xf32>
    %swap3A_26 = vector.shape_cast %swap3A_25 : vector<1x128x512xf32> to vector<128x512xf32>
    %swap3A_27 = vector.shape_cast %add3A_22 : vector<128x512xf32> to vector<1x128x512xf32>
    tpu.vector_store %arg7[%swap3A, %swap3A_23, %swap3A_24], %swap3A_27 {strides = array<i32>} : memref<1x128x512xf32, #tpu.memory_space<vmem>>, vector<1x128x512xf32>,
    %eq3A = arith.constant 0 : i32
    %eq3A_28 = arith.cmpi eq, %arg0, %eq3A : i32
    %eq3A_29 = arith.constant 0 : i32
    %eq3A_30 = arith.cmpi eq, %arg1, %eq3A_29 : i32
    %and3A = arith.andi %eq3A_28, %eq3A_30 : i1
    %convert_element_type3A = arith.extui %and3A : i1 to i32
    %cond3A = arith.constant 0 : i32
    %cond3A_31 = arith.cmpi ne, %convert_element_type3A, %cond3A : i32
    scf.if %cond3A_31 {
      %broadcast_in_dim3A_51 = arith.constant 0.000000e+00 : f32
      %broadcast_in_dim3A_52 = vector.broadcast %broadcast_in_dim3A_51 : f32 to vector<1x512xf32>
      %swap3A_53 = arith.constant 0 : index
      %swap3A_54 = arith.constant 0 : index
      %swap3A_55 = vector.load %arg8[%swap3A_53, %swap3A_54] : memref<1x512xf32, #tpu.memory_space<vmem>>, vector<1x512xf32>
      tpu.vector_store %arg8[%swap3A_53, %swap3A_54], %broadcast_in_dim3A_52 {strides = array<i32>} : memref<1x512xf32, #tpu.memory_space<vmem>>, vector<1x512xf32>,
      %broadcast_in_dim3A_56 = arith.constant 0.000000e+00 : f32
      %broadcast_in_dim3A_57 = vector.broadcast %broadcast_in_dim3A_56 : f32 to vector<1x512xf32>
      %swap3A_58 = arith.constant 0 : index
      %swap3A_59 = arith.constant 0 : index
      %swap3A_60 = vector.load %arg9[%swap3A_58, %swap3A_59] : memref<1x512xf32, #tpu.memory_space<vmem>>, vector<1x512xf32>
      tpu.vector_store %arg9[%swap3A_58, %swap3A_59], %broadcast_in_dim3A_57 {strides = array<i32>} : memref<1x512xf32, #tpu.memory_space<vmem>>, vector<1x512xf32>,
    } else {
    }
    %get3A_32 = arith.constant 0 : index
    %get3A_33 = arith.constant 0 : index
    %get3A_34 = vector.load %arg8[%get3A_32, %get3A_33] : memref<1x512xf32, #tpu.memory_space<vmem>>, vector<1x512xf32>
    %reduce_sum3A = arith.constant dense<0.000000e+00> : vector<512xf32>
    %reduce_sum3A_35 = vector.multi_reduction <add>, %add3A_22, %reduce_sum3A [0] : vector<128x512xf32> to vector<512xf32>
    %broadcast_in_dim3A = vector.shape_cast %reduce_sum3A_35 : vector<512xf32> to vector<1x512xf32>
    %add3A_36 = arith.addf %get3A_34, %broadcast_in_dim3A : vector<1x512xf32>
    %swap3A_37 = arith.constant 0 : index
    %swap3A_38 = arith.constant 0 : index
    %swap3A_39 = vector.load %arg8[%swap3A_37, %swap3A_38] : memref<1x512xf32, #tpu.memory_space<vmem>>, vector<1x512xf32>
    tpu.vector_store %arg8[%swap3A_37, %swap3A_38], %add3A_36 {strides = array<i32>} : memref<1x512xf32, #tpu.memory_space<vmem>>, vector<1x512xf32>,
    %get3A_40 = arith.constant 0 : index
    %get3A_41 = arith.constant 0 : index
    %get3A_42 = vector.load %arg9[%get3A_40, %get3A_41] : memref<1x512xf32, #tpu.memory_space<vmem>>, vector<1x512xf32>
    %mul3A_43 = arith.mulf %add3A_22, %add3A_22 : vector<128x512xf32>
    %reduce_sum3A_44 = arith.constant dense<0.000000e+00> : vector<512xf32>
    %reduce_sum3A_45 = vector.multi_reduction <add>, %mul3A_43, %reduce_sum3A_44 [0] : vector<128x512xf32> to vector<512xf32>
    %broadcast_in_dim3A_46 = vector.shape_cast %reduce_sum3A_45 : vector<512xf32> to vector<1x512xf32>
    %add3A_47 = arith.addf %get3A_42, %broadcast_in_dim3A_46 : vector<1x512xf32>
    %swap3A_48 = arith.constant 0 : index
    %swap3A_49 = arith.constant 0 : index
    %swap3A_50 = vector.load %arg9[%swap3A_48, %swap3A_49] : memref<1x512xf32, #tpu.memory_space<vmem>>, vector<1x512xf32>
    tpu.vector_store %arg9[%swap3A_48, %swap3A_49], %add3A_47 {strides = array<i32>} : memref<1x512xf32, #tpu.memory_space<vmem>>, vector<1x512xf32>,
    return
  }
  func.func @transform_0(%arg0: i32, %arg1: i32) -> (i32, i32, i32) {
    %c0_i32 = arith.constant 0 : i32
    %c0_i32_0 = arith.constant 0 : i32
    return %arg0, %arg1, %c0_i32 : i32, i32, i32
  }
  func.func @transform_1(%arg0: i32, %arg1: i32) -> (i32, i32) {
    %c0_i32 = arith.constant 0 : i32
    %c0_i32_0 = arith.constant 0 : i32
    %c0_i32_1 = arith.constant 0 : i32
    return %c0_i32, %c0_i32_0 : i32, i32
  }
  func.func @transform_2(%arg0: i32, %arg1: i32) -> (i32, i32) {
    %c0_i32 = arith.constant 0 : i32
    %c0_i32_0 = arith.constant 0 : i32
    %c0_i32_1 = arith.constant 0 : i32
    return %c0_i32, %c0_i32_0 : i32, i32
  }
  func.func @transform_3(%arg0: i32, %arg1: i32) -> (i32, i32) {
    %c0_i32 = arith.constant 0 : i32
    %c0_i32_0 = arith.constant 0 : i32
    %c0_i32_1 = arith.constant 0 : i32
    return %c0_i32, %c0_i32_0 : i32, i32
  }
  func.func @transform_4(%arg0: i32, %arg1: i32) -> (i32, i32) {
    %c0_i32 = arith.constant 0 : i32
    %c0_i32_0 = arith.constant 0 : i32
    %c0_i32_1 = arith.constant 0 : i32
    return %c0_i32, %c0_i32_0 : i32, i32
  }
  func.func @transform_5(%arg0: i32, %arg1: i32) -> (i32, i32, i32) {
    %c0_i32 = arith.constant 0 : i32
    %c0_i32_0 = arith.constant 0 : i32
    return %arg0, %arg1, %c0_i32 : i32, i32, i32
  }
  func.func @transform_6(%arg0: i32, %arg1: i32) -> (i32, i32) {
    %c0_i32 = arith.constant 0 : i32
    %c0_i32_0 = arith.constant 0 : i32
    %c0_i32_1 = arith.constant 0 : i32
    return %c0_i32, %c0_i32_0 : i32, i32
  }
  func.func @transform_7(%arg0: i32, %arg1: i32) -> (i32, i32) {
    %c0_i32 = arith.constant 0 : i32
    %c0_i32_0 = arith.constant 0 : i32
    %c0_i32_1 = arith.constant 0 : i32
    return %c0_i32, %c0_i32_0 : i32, i32
  }
}

module attributes {stable_mosaic.version = 14 : i64} {
  func.func @_bnmm_body(%arg0: i32, %arg1: i32, %arg2: memref<1x128x512xf32, #tpu.memory_space<vmem>>, %arg3: memref<1x512xf32, #tpu.memory_space<vmem>>, %arg4: memref<1x512xf32, #tpu.memory_space<vmem>>, %arg5: memref<512x1024xf32, #tpu.memory_space<vmem>>, %arg6: memref<1x1024xf32, #tpu.memory_space<vmem>>, %arg7: memref<1x128x1024xf32, #tpu.memory_space<vmem>>, %arg8: memref<1x1024xf32, #tpu.memory_space<vmem>>, %arg9: memref<1x1024xf32, #tpu.memory_space<vmem>>) attributes {dimension_semantics = [#tpu.dimension_semantics<arbitrary>, #tpu.dimension_semantics<arbitrary>], iteration_bounds = array<i64: 16, 1>, scalar_prefetch = 0 : i64, scratch_operands = 0 : i64, tpu.core_type = #tpu.core_type<tc>, window_params = [{transform_indices = @transform_0, window_bounds = array<i64: 1, 128, 512>}, {pipeline_mode = #tpu.pipeline_mode<synchronous>, transform_indices = @transform_1, window_bounds = array<i64: 1, 512>}, {pipeline_mode = #tpu.pipeline_mode<synchronous>, transform_indices = @transform_2, window_bounds = array<i64: 1, 512>}, {pipeline_mode = #tpu.pipeline_mode<synchronous>, transform_indices = @transform_3, window_bounds = array<i64: 512, 1024>}, {pipeline_mode = #tpu.pipeline_mode<synchronous>, transform_indices = @transform_4, window_bounds = array<i64: 1, 1024>}, {transform_indices = @transform_5, window_bounds = array<i64: 1, 128, 1024>}, {pipeline_mode = #tpu.pipeline_mode<synchronous>, transform_indices = @transform_6, window_bounds = array<i64: 1, 1024>}, {pipeline_mode = #tpu.pipeline_mode<synchronous>, transform_indices = @transform_7, window_bounds = array<i64: 1, 1024>}]} {
    %get3A = arith.constant 0 : index
    %get3A_0 = arith.constant 0 : index
    %get3A_1 = arith.constant 0 : index
    %get3A_2 = vector.load %arg2[%get3A, %get3A_0, %get3A_1] : memref<1x128x512xf32, #tpu.memory_space<vmem>>, vector<1x128x512xf32>
    %get3A_3 = vector.shape_cast %get3A_2 : vector<1x128x512xf32> to vector<128x512xf32>
    %get3A_4 = arith.constant 0 : index
    %get3A_5 = arith.constant 0 : index
    %get3A_6 = vector.load %arg3[%get3A_4, %get3A_5] : memref<1x512xf32, #tpu.memory_space<vmem>>, vector<1x512xf32>
    %mul3A = vector.broadcast %get3A_6 : vector<1x512xf32> to vector<128x512xf32>
    %mul3A_7 = arith.mulf %get3A_3, %mul3A : vector<128x512xf32>
    %get3A_8 = arith.constant 0 : index
    %get3A_9 = arith.constant 0 : index
    %get3A_10 = vector.load %arg4[%get3A_8, %get3A_9] : memref<1x512xf32, #tpu.memory_space<vmem>>, vector<1x512xf32>
    %add3A = vector.broadcast %get3A_10 : vector<1x512xf32> to vector<128x512xf32>
    %add3A_11 = arith.addf %mul3A_7, %add3A : vector<128x512xf32>
    %max3A = arith.constant 0.000000e+00 : f32
    %max3A_12 = vector.broadcast %max3A : f32 to vector<128x512xf32>
    %max3A_13 = arith.maximumf %add3A_11, %max3A_12 : vector<128x512xf32>
    %get3A_14 = arith.constant 0 : index
    %get3A_15 = arith.constant 0 : index
    %get3A_16 = vector.load %arg5[%get3A_14, %get3A_15] : memref<512x1024xf32, #tpu.memory_space<vmem>>, vector<512x1024xf32>
    %dot_general3A = arith.constant dense<0.000000e+00> : vector<128x1024xf32>
    %dot_general3A_17 = tpu.matmul %max3A_13, %get3A_16, %dot_general3A {dimension_numbers = #tpu.dot_dimension_numbers<[1], [0], [0], [1], [0, 0, 1, 1], [], []>, transpose_lhs_hint = false} : vector<128x512xf32>, vector<512x1024xf32>, vector<128x1024xf32> -> vector<128x1024xf32>
    %get3A_18 = arith.constant 0 : index
    %get3A_19 = arith.constant 0 : index
    %get3A_20 = vector.load %arg6[%get3A_18, %get3A_19] : memref<1x1024xf32, #tpu.memory_space<vmem>>, vector<1x1024xf32>
    %add3A_21 = vector.broadcast %get3A_20 : vector<1x1024xf32> to vector<128x1024xf32>
    %add3A_22 = arith.addf %dot_general3A_17, %add3A_21 : vector<128x1024xf32>
    %swap3A = arith.constant 0 : index
    %swap3A_23 = arith.constant 0 : index
    %swap3A_24 = arith.constant 0 : index
    %swap3A_25 = vector.load %arg7[%swap3A, %swap3A_23, %swap3A_24] : memref<1x128x1024xf32, #tpu.memory_space<vmem>>, vector<1x128x1024xf32>
    %swap3A_26 = vector.shape_cast %swap3A_25 : vector<1x128x1024xf32> to vector<128x1024xf32>
    %swap3A_27 = vector.shape_cast %add3A_22 : vector<128x1024xf32> to vector<1x128x1024xf32>
    tpu.vector_store %arg7[%swap3A, %swap3A_23, %swap3A_24], %swap3A_27 {strides = array<i32>} : memref<1x128x1024xf32, #tpu.memory_space<vmem>>, vector<1x128x1024xf32>,
    %eq3A = arith.constant 0 : i32
    %eq3A_28 = arith.cmpi eq, %arg0, %eq3A : i32
    %eq3A_29 = arith.constant 0 : i32
    %eq3A_30 = arith.cmpi eq, %arg1, %eq3A_29 : i32
    %and3A = arith.andi %eq3A_28, %eq3A_30 : i1
    %convert_element_type3A = arith.extui %and3A : i1 to i32
    %cond3A = arith.constant 0 : i32
    %cond3A_31 = arith.cmpi ne, %convert_element_type3A, %cond3A : i32
    scf.if %cond3A_31 {
      %broadcast_in_dim3A_51 = arith.constant 0.000000e+00 : f32
      %broadcast_in_dim3A_52 = vector.broadcast %broadcast_in_dim3A_51 : f32 to vector<1x1024xf32>
      %swap3A_53 = arith.constant 0 : index
      %swap3A_54 = arith.constant 0 : index
      %swap3A_55 = vector.load %arg8[%swap3A_53, %swap3A_54] : memref<1x1024xf32, #tpu.memory_space<vmem>>, vector<1x1024xf32>
      tpu.vector_store %arg8[%swap3A_53, %swap3A_54], %broadcast_in_dim3A_52 {strides = array<i32>} : memref<1x1024xf32, #tpu.memory_space<vmem>>, vector<1x1024xf32>,
      %broadcast_in_dim3A_56 = arith.constant 0.000000e+00 : f32
      %broadcast_in_dim3A_57 = vector.broadcast %broadcast_in_dim3A_56 : f32 to vector<1x1024xf32>
      %swap3A_58 = arith.constant 0 : index
      %swap3A_59 = arith.constant 0 : index
      %swap3A_60 = vector.load %arg9[%swap3A_58, %swap3A_59] : memref<1x1024xf32, #tpu.memory_space<vmem>>, vector<1x1024xf32>
      tpu.vector_store %arg9[%swap3A_58, %swap3A_59], %broadcast_in_dim3A_57 {strides = array<i32>} : memref<1x1024xf32, #tpu.memory_space<vmem>>, vector<1x1024xf32>,
    } else {
    }
    %get3A_32 = arith.constant 0 : index
    %get3A_33 = arith.constant 0 : index
    %get3A_34 = vector.load %arg8[%get3A_32, %get3A_33] : memref<1x1024xf32, #tpu.memory_space<vmem>>, vector<1x1024xf32>
    %reduce_sum3A = arith.constant dense<0.000000e+00> : vector<1024xf32>
    %reduce_sum3A_35 = vector.multi_reduction <add>, %add3A_22, %reduce_sum3A [0] : vector<128x1024xf32> to vector<1024xf32>
    %broadcast_in_dim3A = vector.shape_cast %reduce_sum3A_35 : vector<1024xf32> to vector<1x1024xf32>
    %add3A_36 = arith.addf %get3A_34, %broadcast_in_dim3A : vector<1x1024xf32>
    %swap3A_37 = arith.constant 0 : index
    %swap3A_38 = arith.constant 0 : index
    %swap3A_39 = vector.load %arg8[%swap3A_37, %swap3A_38] : memref<1x1024xf32, #tpu.memory_space<vmem>>, vector<1x1024xf32>
    tpu.vector_store %arg8[%swap3A_37, %swap3A_38], %add3A_36 {strides = array<i32>} : memref<1x1024xf32, #tpu.memory_space<vmem>>, vector<1x1024xf32>,
    %get3A_40 = arith.constant 0 : index
    %get3A_41 = arith.constant 0 : index
    %get3A_42 = vector.load %arg9[%get3A_40, %get3A_41] : memref<1x1024xf32, #tpu.memory_space<vmem>>, vector<1x1024xf32>
    %mul3A_43 = arith.mulf %add3A_22, %add3A_22 : vector<128x1024xf32>
    %reduce_sum3A_44 = arith.constant dense<0.000000e+00> : vector<1024xf32>
    %reduce_sum3A_45 = vector.multi_reduction <add>, %mul3A_43, %reduce_sum3A_44 [0] : vector<128x1024xf32> to vector<1024xf32>
    %broadcast_in_dim3A_46 = vector.shape_cast %reduce_sum3A_45 : vector<1024xf32> to vector<1x1024xf32>
    %add3A_47 = arith.addf %get3A_42, %broadcast_in_dim3A_46 : vector<1x1024xf32>
    %swap3A_48 = arith.constant 0 : index
    %swap3A_49 = arith.constant 0 : index
    %swap3A_50 = vector.load %arg9[%swap3A_48, %swap3A_49] : memref<1x1024xf32, #tpu.memory_space<vmem>>, vector<1x1024xf32>
    tpu.vector_store %arg9[%swap3A_48, %swap3A_49], %add3A_47 {strides = array<i32>} : memref<1x1024xf32, #tpu.memory_space<vmem>>, vector<1x1024xf32>,
    return
  }
  func.func @transform_0(%arg0: i32, %arg1: i32) -> (i32, i32, i32) {
    %c0_i32 = arith.constant 0 : i32
    %c0_i32_0 = arith.constant 0 : i32
    return %arg0, %arg1, %c0_i32 : i32, i32, i32
  }
  func.func @transform_1(%arg0: i32, %arg1: i32) -> (i32, i32) {
    %c0_i32 = arith.constant 0 : i32
    %c0_i32_0 = arith.constant 0 : i32
    %c0_i32_1 = arith.constant 0 : i32
    return %c0_i32, %c0_i32_0 : i32, i32
  }
  func.func @transform_2(%arg0: i32, %arg1: i32) -> (i32, i32) {
    %c0_i32 = arith.constant 0 : i32
    %c0_i32_0 = arith.constant 0 : i32
    %c0_i32_1 = arith.constant 0 : i32
    return %c0_i32, %c0_i32_0 : i32, i32
  }
  func.func @transform_3(%arg0: i32, %arg1: i32) -> (i32, i32) {
    %c0_i32 = arith.constant 0 : i32
    %c0_i32_0 = arith.constant 0 : i32
    %c0_i32_1 = arith.constant 0 : i32
    return %c0_i32, %c0_i32_0 : i32, i32
  }
  func.func @transform_4(%arg0: i32, %arg1: i32) -> (i32, i32) {
    %c0_i32 = arith.constant 0 : i32
    %c0_i32_0 = arith.constant 0 : i32
    %c0_i32_1 = arith.constant 0 : i32
    return %c0_i32, %c0_i32_0 : i32, i32
  }
  func.func @transform_5(%arg0: i32, %arg1: i32) -> (i32, i32, i32) {
    %c0_i32 = arith.constant 0 : i32
    %c0_i32_0 = arith.constant 0 : i32
    return %arg0, %arg1, %c0_i32 : i32, i32, i32
  }
  func.func @transform_6(%arg0: i32, %arg1: i32) -> (i32, i32) {
    %c0_i32 = arith.constant 0 : i32
    %c0_i32_0 = arith.constant 0 : i32
    %c0_i32_1 = arith.constant 0 : i32
    return %c0_i32, %c0_i32_0 : i32, i32
  }
  func.func @transform_7(%arg0: i32, %arg1: i32) -> (i32, i32) {
    %c0_i32 = arith.constant 0 : i32
    %c0_i32_0 = arith.constant 0 : i32
    %c0_i32_1 = arith.constant 0 : i32
    return %c0_i32, %c0_i32_0 : i32, i32
  }
}

module attributes {stable_mosaic.version = 14 : i64} {
  func.func @_head_body(%arg0: memref<16x128x1024xf32, #tpu.memory_space<vmem>>, %arg1: memref<1x1024xf32, #tpu.memory_space<vmem>>, %arg2: memref<1x1024xf32, #tpu.memory_space<vmem>>, %arg3: memref<1024x512xf32, #tpu.memory_space<vmem>>, %arg4: memref<1x512xf32, #tpu.memory_space<vmem>>, %arg5: memref<1x512xf32, #tpu.memory_space<vmem>>, %arg6: memref<1x512xf32, #tpu.memory_space<vmem>>, %arg7: memref<512x256xf32, #tpu.memory_space<vmem>>, %arg8: memref<1x256xf32, #tpu.memory_space<vmem>>, %arg9: memref<1x256xf32, #tpu.memory_space<vmem>>, %arg10: memref<1x256xf32, #tpu.memory_space<vmem>>, %arg11: memref<256x40xf32, #tpu.memory_space<vmem>>, %arg12: memref<1x40xf32, #tpu.memory_space<vmem>>, %arg13: memref<16x40xf32, #tpu.memory_space<vmem>>) attributes {dimension_semantics = [], scalar_prefetch = 0 : i64, scratch_operands = 0 : i64, tpu.core_type = #tpu.core_type<tc>} {
    %get3A = arith.constant 0 : index
    %get3A_0 = arith.constant 0 : index
    %get3A_1 = arith.constant 0 : index
    %get3A_2 = vector.load %arg0[%get3A, %get3A_0, %get3A_1] : memref<16x128x1024xf32, #tpu.memory_space<vmem>>, vector<16x128x1024xf32>
    %get3A_3 = arith.constant 0 : index
    %get3A_4 = arith.constant 0 : index
    %get3A_5 = vector.load %arg1[%get3A_3, %get3A_4] : memref<1x1024xf32, #tpu.memory_space<vmem>>, vector<1x1024xf32>
    %broadcast_in_dim3A = vector.shape_cast %get3A_5 : vector<1x1024xf32> to vector<1x1x1024xf32>
    %mul3A = vector.broadcast %broadcast_in_dim3A : vector<1x1x1024xf32> to vector<16x128x1024xf32>
    %mul3A_6 = arith.mulf %get3A_2, %mul3A : vector<16x128x1024xf32>
    %get3A_7 = arith.constant 0 : index
    %get3A_8 = arith.constant 0 : index
    %get3A_9 = vector.load %arg2[%get3A_7, %get3A_8] : memref<1x1024xf32, #tpu.memory_space<vmem>>, vector<1x1024xf32>
    %broadcast_in_dim3A_10 = vector.shape_cast %get3A_9 : vector<1x1024xf32> to vector<1x1x1024xf32>
    %add3A = vector.broadcast %broadcast_in_dim3A_10 : vector<1x1x1024xf32> to vector<16x128x1024xf32>
    %add3A_11 = arith.addf %mul3A_6, %add3A : vector<16x128x1024xf32>
    %max3A = arith.constant 0.000000e+00 : f32
    %max3A_12 = vector.broadcast %max3A : f32 to vector<16x128x1024xf32>
    %max3A_13 = arith.maximumf %add3A_11, %max3A_12 : vector<16x128x1024xf32>
    %reduce_max3A = arith.constant dense<0xFF800000> : vector<16x1024xf32>
    %reduce_max3A_14 = vector.multi_reduction <maximumf>, %max3A_13, %reduce_max3A [1] : vector<16x128x1024xf32> to vector<16x1024xf32>
    %get3A_15 = arith.constant 0 : index
    %get3A_16 = arith.constant 0 : index
    %get3A_17 = vector.load %arg3[%get3A_15, %get3A_16] : memref<1024x512xf32, #tpu.memory_space<vmem>>, vector<1024x512xf32>
    %dot_general3A = arith.constant dense<0.000000e+00> : vector<16x512xf32>
    %dot_general3A_18 = tpu.matmul %reduce_max3A_14, %get3A_17, %dot_general3A {dimension_numbers = #tpu.dot_dimension_numbers<[1], [0], [0], [1], [0, 0, 1, 1], [], []>, transpose_lhs_hint = false} : vector<16x1024xf32>, vector<1024x512xf32>, vector<16x512xf32> -> vector<16x512xf32>
    %get3A_19 = arith.constant 0 : index
    %get3A_20 = arith.constant 0 : index
    %get3A_21 = vector.load %arg4[%get3A_19, %get3A_20] : memref<1x512xf32, #tpu.memory_space<vmem>>, vector<1x512xf32>
    %add3A_22 = vector.broadcast %get3A_21 : vector<1x512xf32> to vector<16x512xf32>
    %add3A_23 = arith.addf %dot_general3A_18, %add3A_22 : vector<16x512xf32>
    %reduce_sum3A = arith.constant dense<0.000000e+00> : vector<512xf32>
    %reduce_sum3A_24 = vector.multi_reduction <add>, %add3A_23, %reduce_sum3A [0] : vector<16x512xf32> to vector<512xf32>
    %broadcast_in_dim3A_25 = vector.shape_cast %reduce_sum3A_24 : vector<512xf32> to vector<1x512xf32>
    %div3A = arith.constant 1.600000e+01 : f32
    %div3A_26 = vector.broadcast %div3A : f32 to vector<1x512xf32>
    %div3A_27 = arith.divf %broadcast_in_dim3A_25, %div3A_26 : vector<1x512xf32>
    %sub3A = vector.broadcast %div3A_27 : vector<1x512xf32> to vector<16x512xf32>
    %sub3A_28 = arith.subf %add3A_23, %sub3A : vector<16x512xf32>
    %integer_pow3A = arith.mulf %sub3A_28, %sub3A_28 : vector<16x512xf32>
    %reduce_sum3A_29 = arith.constant dense<0.000000e+00> : vector<512xf32>
    %reduce_sum3A_30 = vector.multi_reduction <add>, %integer_pow3A, %reduce_sum3A_29 [0] : vector<16x512xf32> to vector<512xf32>
    %broadcast_in_dim3A_31 = vector.shape_cast %reduce_sum3A_30 : vector<512xf32> to vector<1x512xf32>
    %div3A_32 = arith.constant 1.600000e+01 : f32
    %div3A_33 = vector.broadcast %div3A_32 : f32 to vector<1x512xf32>
    %div3A_34 = arith.divf %broadcast_in_dim3A_31, %div3A_33 : vector<1x512xf32>
    %get3A_35 = arith.constant 0 : index
    %get3A_36 = arith.constant 0 : index
    %get3A_37 = vector.load %arg5[%get3A_35, %get3A_36] : memref<1x512xf32, #tpu.memory_space<vmem>>, vector<1x512xf32>
    %sub3A_38 = vector.broadcast %div3A_27 : vector<1x512xf32> to vector<16x512xf32>
    %sub3A_39 = arith.subf %add3A_23, %sub3A_38 : vector<16x512xf32>
    %mul3A_40 = vector.broadcast %get3A_37 : vector<1x512xf32> to vector<16x512xf32>
    %mul3A_41 = arith.mulf %mul3A_40, %sub3A_39 : vector<16x512xf32>
    %add3A_42 = arith.constant 9.99999974E-6 : f32
    %add3A_43 = vector.broadcast %add3A_42 : f32 to vector<1x512xf32>
    %add3A_44 = arith.addf %div3A_34, %add3A_43 : vector<1x512xf32>
    %sqrt3A = math.sqrt %add3A_44 : vector<1x512xf32>
    %div3A_45 = vector.broadcast %sqrt3A : vector<1x512xf32> to vector<16x512xf32>
    %div3A_46 = arith.divf %mul3A_41, %div3A_45 : vector<16x512xf32>
    %get3A_47 = arith.constant 0 : index
    %get3A_48 = arith.constant 0 : index
    %get3A_49 = vector.load %arg6[%get3A_47, %get3A_48] : memref<1x512xf32, #tpu.memory_space<vmem>>, vector<1x512xf32>
    %add3A_50 = vector.broadcast %get3A_49 : vector<1x512xf32> to vector<16x512xf32>
    %add3A_51 = arith.addf %div3A_46, %add3A_50 : vector<16x512xf32>
    %max3A_52 = arith.constant 0.000000e+00 : f32
    %max3A_53 = vector.broadcast %max3A_52 : f32 to vector<16x512xf32>
    %max3A_54 = arith.maximumf %add3A_51, %max3A_53 : vector<16x512xf32>
    %get3A_55 = arith.constant 0 : index
    %get3A_56 = arith.constant 0 : index
    %get3A_57 = vector.load %arg7[%get3A_55, %get3A_56] : memref<512x256xf32, #tpu.memory_space<vmem>>, vector<512x256xf32>
    %dot_general3A_58 = arith.constant dense<0.000000e+00> : vector<16x256xf32>
    %dot_general3A_59 = tpu.matmul %max3A_54, %get3A_57, %dot_general3A_58 {dimension_numbers = #tpu.dot_dimension_numbers<[1], [0], [0], [1], [0, 0, 1, 1], [], []>, transpose_lhs_hint = false} : vector<16x512xf32>, vector<512x256xf32>, vector<16x256xf32> -> vector<16x256xf32>
    %get3A_60 = arith.constant 0 : index
    %get3A_61 = arith.constant 0 : index
    %get3A_62 = vector.load %arg8[%get3A_60, %get3A_61] : memref<1x256xf32, #tpu.memory_space<vmem>>, vector<1x256xf32>
    %add3A_63 = vector.broadcast %get3A_62 : vector<1x256xf32> to vector<16x256xf32>
    %add3A_64 = arith.addf %dot_general3A_59, %add3A_63 : vector<16x256xf32>
    %reduce_sum3A_65 = arith.constant dense<0.000000e+00> : vector<256xf32>
    %reduce_sum3A_66 = vector.multi_reduction <add>, %add3A_64, %reduce_sum3A_65 [0] : vector<16x256xf32> to vector<256xf32>
    %broadcast_in_dim3A_67 = vector.shape_cast %reduce_sum3A_66 : vector<256xf32> to vector<1x256xf32>
    %div3A_68 = arith.constant 1.600000e+01 : f32
    %div3A_69 = vector.broadcast %div3A_68 : f32 to vector<1x256xf32>
    %div3A_70 = arith.divf %broadcast_in_dim3A_67, %div3A_69 : vector<1x256xf32>
    %sub3A_71 = vector.broadcast %div3A_70 : vector<1x256xf32> to vector<16x256xf32>
    %sub3A_72 = arith.subf %add3A_64, %sub3A_71 : vector<16x256xf32>
    %integer_pow3A_73 = arith.mulf %sub3A_72, %sub3A_72 : vector<16x256xf32>
    %reduce_sum3A_74 = arith.constant dense<0.000000e+00> : vector<256xf32>
    %reduce_sum3A_75 = vector.multi_reduction <add>, %integer_pow3A_73, %reduce_sum3A_74 [0] : vector<16x256xf32> to vector<256xf32>
    %broadcast_in_dim3A_76 = vector.shape_cast %reduce_sum3A_75 : vector<256xf32> to vector<1x256xf32>
    %div3A_77 = arith.constant 1.600000e+01 : f32
    %div3A_78 = vector.broadcast %div3A_77 : f32 to vector<1x256xf32>
    %div3A_79 = arith.divf %broadcast_in_dim3A_76, %div3A_78 : vector<1x256xf32>
    %get3A_80 = arith.constant 0 : index
    %get3A_81 = arith.constant 0 : index
    %get3A_82 = vector.load %arg9[%get3A_80, %get3A_81] : memref<1x256xf32, #tpu.memory_space<vmem>>, vector<1x256xf32>
    %sub3A_83 = vector.broadcast %div3A_70 : vector<1x256xf32> to vector<16x256xf32>
    %sub3A_84 = arith.subf %add3A_64, %sub3A_83 : vector<16x256xf32>
    %mul3A_85 = vector.broadcast %get3A_82 : vector<1x256xf32> to vector<16x256xf32>
    %mul3A_86 = arith.mulf %mul3A_85, %sub3A_84 : vector<16x256xf32>
    %add3A_87 = arith.constant 9.99999974E-6 : f32
    %add3A_88 = vector.broadcast %add3A_87 : f32 to vector<1x256xf32>
    %add3A_89 = arith.addf %div3A_79, %add3A_88 : vector<1x256xf32>
    %sqrt3A_90 = math.sqrt %add3A_89 : vector<1x256xf32>
    %div3A_91 = vector.broadcast %sqrt3A_90 : vector<1x256xf32> to vector<16x256xf32>
    %div3A_92 = arith.divf %mul3A_86, %div3A_91 : vector<16x256xf32>
    %get3A_93 = arith.constant 0 : index
    %get3A_94 = arith.constant 0 : index
    %get3A_95 = vector.load %arg10[%get3A_93, %get3A_94] : memref<1x256xf32, #tpu.memory_space<vmem>>, vector<1x256xf32>
    %add3A_96 = vector.broadcast %get3A_95 : vector<1x256xf32> to vector<16x256xf32>
    %add3A_97 = arith.addf %div3A_92, %add3A_96 : vector<16x256xf32>
    %max3A_98 = arith.constant 0.000000e+00 : f32
    %max3A_99 = vector.broadcast %max3A_98 : f32 to vector<16x256xf32>
    %max3A_100 = arith.maximumf %add3A_97, %max3A_99 : vector<16x256xf32>
    %get3A_101 = arith.constant 0 : index
    %get3A_102 = arith.constant 0 : index
    %get3A_103 = vector.load %arg11[%get3A_101, %get3A_102] : memref<256x40xf32, #tpu.memory_space<vmem>>, vector<256x40xf32>
    %dot_general3A_104 = arith.constant dense<0.000000e+00> : vector<16x40xf32>
    %dot_general3A_105 = tpu.matmul %max3A_100, %get3A_103, %dot_general3A_104 {dimension_numbers = #tpu.dot_dimension_numbers<[1], [0], [0], [1], [0, 0, 1, 1], [], []>, transpose_lhs_hint = false} : vector<16x256xf32>, vector<256x40xf32>, vector<16x40xf32> -> vector<16x40xf32>
    %get3A_106 = arith.constant 0 : index
    %get3A_107 = arith.constant 0 : index
    %get3A_108 = vector.load %arg12[%get3A_106, %get3A_107] : memref<1x40xf32, #tpu.memory_space<vmem>>, vector<1x40xf32>
    %add3A_109 = vector.broadcast %get3A_108 : vector<1x40xf32> to vector<16x40xf32>
    %add3A_110 = arith.addf %dot_general3A_105, %add3A_109 : vector<16x40xf32>
    %reduce_max3A_111 = arith.constant dense<0xFF800000> : vector<16xf32>
    %reduce_max3A_112 = vector.multi_reduction <maximumf>, %add3A_110, %reduce_max3A_111 [1] : vector<16x40xf32> to vector<16xf32>
    %broadcast_in_dim3A_113 = vector.shape_cast %reduce_max3A_112 : vector<16xf32> to vector<16x1xf32>
    %sub3A_114 = vector.broadcast %broadcast_in_dim3A_113 : vector<16x1xf32> to vector<16x40xf32>
    %sub3A_115 = arith.subf %add3A_110, %sub3A_114 : vector<16x40xf32>
    %exp3A = math.exp %sub3A_115 : vector<16x40xf32>
    %reduce_sum3A_116 = arith.constant dense<0.000000e+00> : vector<16xf32>
    %reduce_sum3A_117 = vector.multi_reduction <add>, %exp3A, %reduce_sum3A_116 [1] : vector<16x40xf32> to vector<16xf32>
    %broadcast_in_dim3A_118 = vector.shape_cast %reduce_sum3A_117 : vector<16xf32> to vector<16x1xf32>
    %log3A = math.log %broadcast_in_dim3A_118 : vector<16x1xf32>
    %sub3A_119 = vector.broadcast %log3A : vector<16x1xf32> to vector<16x40xf32>
    %sub3A_120 = arith.subf %sub3A_115, %sub3A_119 : vector<16x40xf32>
    %swap3A = arith.constant 0 : index
    %swap3A_121 = arith.constant 0 : index
    %swap3A_122 = vector.load %arg13[%swap3A, %swap3A_121] : memref<16x40xf32, #tpu.memory_space<vmem>>, vector<16x40xf32>
    tpu.vector_store %arg13[%swap3A, %swap3A_121], %sub3A_120 {strides = array<i32>} : memref<16x40xf32, #tpu.memory_space<vmem>>, vector<16x40xf32>,
    return
  }
}

</mosaic_0001>

<sc_bundles>
// kernel: kernel.19.cloned.1.call-start
scs
__scs_entry_jumppad:
0x0: {  	(pc) =	sbr.rel $0x88, $3  }
0x1: {  	(tag) =	ssettag $0x0;
	lr =	simm.s32 $0x1  }
0x2: {  	[smem:$0x3F72] =	sst lr;
	_ =	strace $0xD0000000  }
0x3: {  	_ = 	snop  }
0x4: {  	_ = 	snop  }
0x5: {  	_ = 	snop  }
0x6: {  	_ = 	snop  }
0x7: {  	_ = 	snop  }
__scs_overlays_trampoline_lowered:
0x8: {  	[smem:$0x3F81] =	sst s0  }
0x9: {  	[smem:$0x3F82] =	sst s1  }
0xa: {  	[smem:$0x3F83] =	sst s2  }
0xb: {  	[smem:$0x3F84] =	sst s3  }
0xc: {  	[smem:$0x3F85] =	sst s4  }
0xd: {  	[smem:$0x3F86] =	sst s5  }
0xe: {  	[smem:$0x3F87] =	sst s6  }
0xf: {  	[smem:$0x3F88] =	sst s7  }
0x10: {  	[smem:$0x3F89] =	sst s8  }
0x11: {  	[smem:$0x3F8A] =	sst s9;
	s0 =	simm.s32 @!p0 $0x0  }
0x12: {  	s1 =	sld [smem:$0x3F70];
	s0 =	simm.s32 @p0 $0x1  }
0x13: {  	[smem:$0x3F8B] =	sst s0;
	s0 =	simm.s32 @!p1 $0x0  }
0x14: {  	s2 =	sld [smem:$0x3F6F];
	s0 =	simm.s32 @p1 $0x1  }
0x15: {  	[smem:$0x3F8C] =	sst s0;
	s0 =	simm.s32 @!p2 $0x0  }
0x16: {  	s3 =	sld [smem:$0x3FDB];
	s0 =	simm.s32 @p2 $0x1  }
0x17: {  	s4 =	simm.s32 $0x1BF5;
	[smem:$0x3F8E] =	sst s0  }
0x18: {  	s0 =	sld [smem:$0x3F71];
	_ =	swait.ge [sflag:s4], $0x0  }
0x19: {  	s7 =	sld [smem:$0x3F72]  }
0x1a: {  	s8 =	sadd.s32 $0xFFFFE003, lr  }
0x1b: {  	s9 =	sadd.s32 $0xFFFFFEF7, lr;
	s5 =	simm.s32 $0xFFFFFFFF;
	p2 =	slt.u32 s8, $0xFFFFF086  }
0x1c: {  	p1 =	slt.u32 s9, $0xF7A;
	s5 =	simm.s32 @!p2 $0x0  }
0x1d: {  	s5 =	simm.s32 @p1 $0x1;
	p0 =	seq.s32 s7, s2  }
0x1e: {  	s7 =	smul.u32 @!p0 $0xF7A, s2;
	p2 =	seq.s32 @!p0 s5, $0x0  }
0x1f: {  	s9 =	smul.u32 $0xF7A, s1;
	s8 =	simm.s32 @!p0 $0x1BF5;
	p2 =	por !p2, p0  }
0x20: {  	[sflag:s8] =	ssyncset.s32 @!p0 $0xFFFFF086;
	s6 =	sadd.s32 @!p0 s3, s7;
	s7 =	simm.s32 @!p0 $0x108  }
0x21: {  	s3 =	sadd.s32 s3, s9;
	s6 =	sadd.s32 @!p0 $0x88, s6;
	s7 =	simm.s32 @p2 $0x1082  }
0x22: {  	[simem:s7], [sflag:s8] =	dma.local @!p0 [hbm:s6], $0xF7A  }
0x23: {  	s9 =	sor.u32 $0xD0000000, s2;
	s6 =	simm.s32 $0x108;
	_ =	swait.ge @!p0 [sflag:s8], $0x0  }
0x24: {  	s3 =	sadd.s32 $0x88, s3;
	s6 =	simm.s32 @!p1 $0x1082;
	[sflag:s4] =	ssyncset.s32 $0xFFFFF086  }
0x25: {  	[simem:s6], [sflag:s4] =	dma.local [hbm:s3], $0xF7A  }
0x26: {  	[smem:$0x3F72] =	sst s1;
	(tag) =	ssettag s2;
	_ =	strace s9  }
0x27: {  	s1 =	sld [smem:$0x3F82]  }
0x28: {  	s2 =	sld [smem:$0x3F83]  }
0x29: {  	s4 =	sld [smem:$0x3F85]  }
0x2a: {  	p0 =	seq.s32 s5, $0x0;
	s5 =	sld [smem:$0x3F86]  }
0x2b: {  	s6 =	sld [smem:$0x3F87]  }
0x2c: {  	s7 =	sld [smem:$0x3F88]  }
0x2d: {  	s3 =	simm.s32 $0x108;
	s8 =	sld [smem:$0x3F89]  }
0x2e: {  	s3 =	simm.s32 @!p0 $0x1082;
	s9 =	sld [smem:$0x3F8A]  }
0x2f: {  	lr =	sadd.s32 s0, s3;
	s0 =	sld [smem:$0x3F81]  }
0x30: {  	s3 =	sld [smem:$0x3F84]  }
0x31: {  	[smem:$0x3F8D] =	sst s10  }
0x32: {  	s10 =	sld [smem:$0x3F8B];
	_ =	sdelay $0x3  }
0x33: {  	p0 =	seq.s32 s10, $0x1;
	s10 =	sld [smem:$0x3F8D];
	_ =	sdelay $0x3  }
0x34: {  	[smem:$0x3F8D] =	sst s10  }
0x35: {  	s10 =	sld [smem:$0x3F8C];
	_ =	sdelay $0x3  }
0x36: {  	p1 =	seq.s32 s10, $0x1;
	s10 =	sld [smem:$0x3F8D];
	_ =	sdelay $0x3  }
0x37: {  	[smem:$0x3F8D] =	sst s10  }
0x38: {  	s10 =	sld [smem:$0x3F8E]  }
0x39: {  	_ = 	snop;
	(pc) =	sbr.ind lr, $3  }
0x3a: {  	_ = 	snop  }
0x3b: {  	_ = 	snop  }
0x3c: {  	p2 =	seq.s32 s10, $0x1;
	s10 =	sld [smem:$0x3F8D]  }
0x3d: {  	_ =	shalt  }
0x3e: {  	_ =	shalt  }
0x3f: {  	_ =	shalt  }
0x40: {  	_ =	shalt  }
0x41: {  	_ =	shalt  }
0x42: {  	_ =	shalt  }
0x43: {  	_ =	shalt  }
0x44: {  	_ =	shalt  }
0x45: {  	_ =	shalt  }
0x46: {  	_ =	shalt  }
0x47: {  	_ =	shalt  }
0x48: {  	_ =	shalt  }
0x49: {  	_ =	shalt  }
0x4a: {  	_ =	shalt  }
0x4b: {  	_ =	shalt  }
0x4c: {  	_ =	shalt  }
0x4d: {  	_ =	shalt  }
0x4e: {  	_ =	shalt  }
0x4f: {  	_ =	shalt  }
0x50: {  	_ =	shalt  }
0x51: {  	_ =	shalt  }
0x52: {  	_ =	shalt  }
0x53: {  	_ =	shalt  }
0x54: {  	_ =	shalt  }
0x55: {  	_ =	shalt  }
0x56: {  	_ =	shalt  }
0x57: {  	_ =	shalt  }
0x58: {  	_ =	shalt  }
0x59: {  	_ =	shalt  }
0x5a: {  	_ =	shalt  }
0x5b: {  	_ =	shalt  }
0x5c: {  	_ =	shalt  }
0x5d: {  	_ =	shalt  }
0x5e: {  	_ =	shalt  }
0x5f: {  	_ =	shalt  }
0x60: {  	_ =	shalt  }
0x61: {  	_ =	shalt  }
0x62: {  	_ =	shalt  }
0x63: {  	_ =	shalt  }
0x64: {  	_ =	shalt  }
0x65: {  	_ =	shalt  }
0x66: {  	_ =	shalt  }
0x67: {  	_ =	shalt  }
0x68: {  	_ =	shalt  }
0x69: {  	_ =	shalt  }
0x6a: {  	_ =	shalt  }
0x6b: {  	_ =	shalt  }
0x6c: {  	_ =	shalt  }
0x6d: {  	_ =	shalt  }
0x6e: {  	_ =	shalt  }
0x6f: {  	_ =	shalt  }
0x70: {  	_ =	shalt  }
0x71: {  	_ =	shalt  }
0x72: {  	_ =	shalt  }
0x73: {  	_ =	shalt  }
0x74: {  	_ =	shalt  }
0x75: {  	_ =	shalt  }
0x76: {  	_ =	shalt  }
0x77: {  	_ =	shalt  }
0x78: {  	_ =	shalt  }
0x79: {  	_ =	shalt  }
0x7a: {  	_ =	shalt  }
0x7b: {  	_ =	shalt  }
0x7c: {  	_ =	shalt  }
0x7d: {  	_ =	shalt  }
0x7e: {  	_ =	shalt  }
0x7f: {  	_ =	shalt  }
0x80: {  	_ =	shalt  }
0x81: {  	_ =	shalt  }
0x82: {  	_ =	shalt  }
0x83: {  	_ =	shalt  }
0x84: {  	_ =	shalt  }
0x85: {  	_ =	shalt  }
0x86: {  	_ =	shalt  }
0x87: {  	_ =	shalt  }
.Lfunc_end0:
.L_simem_size_0:
called_computation_lowered:
.L_overlay_start_0:
0x88: {  	s2 =	sld [smem:$0x3FD9]  }
0x89: {  	s3 =	sld [smem:$0x3FFE];
	_ =	sdelay $0x1  }
0x8a: {  	s1 =	srdreg.scid  }
0x8b: {  	s0 =	sand.u32 $0x1, s1  }
0x8c: {  	s16 =	sshll.u32 s0, $0xA;
	s2 =	sadd.s32 s3, s2  }
0x8d: {  	s2 =	sadd.s32 s2, s16  }
0x8e: {  	[smem:$0x3F99] =	sst s2  }
0x8f: {  	_ = 	snop  }
0x90: {  	(tm) =	ssettm $0x1  }
0x91: {  	s17 =	sld [smem:$0x3FFB];
	_ =	sdelay $0x3  }
0x92: {  	_ =	strace s17  }
0x93: {  	s2 =	sld [smem:$0x3FFC];
	_ =	sdelay $0x3  }
0x94: {  	_ =	strace s2  }
0x95: {  	s2 =	sld [smem:$0x3FFD];
	_ =	sdelay $0x3  }
0x96: {  	_ =	strace s2  }
0x97: {  	_ =	strace $0x8FFFFFFF  }
0x98: {  	s18 =	sld [smem:$0x3FDB];
	_ =	sdelay $0x1  }
0x99: {  	s19 =	simm.s32 $_scs_section_size  }
0x9a: {  	s4 =	simm.s32 $_size__tile_overlayer_lowered;
	s5 =	simm.s32 $_tile_overlayer_lowered  }
0x9b: {  	s22 =	simm.s32 $0x1BFF;
	s21 =	sshll.u32 s5, $0x1;
	s2 =	sadd.s32 s19, s18  }
0x9c: {  	s6 =	simm.s32 $0x0;
	s20 =	sshll.u32 s4, $0x1;
	s4 =	sadd.s32 s21, s2  }
0x9d: {  	[timem:s6], [sflag:s22] =	dma.local [hbm:s4], s20  }
0x9e: {  	_ =	swait.ge [sflag:s22], s20  }
0x9f: {  	s3 =	ssub.s32 $0x0, s20;
	[sflag:s22] =	ssyncset.done $0x0  }
0xa0: {  	[sflag:s22] =	ssyncadd.s32 s3;
	_ =	sdelay $0x1  }
0xa1: {  	s23 =	simm.s32 $0x1B8B  }
0xa2: {  	_ =	swait.ge [sflag:s23], $0x1  }
0xa3: {  	[sflag:s23] =	ssyncset.done $0x0  }
0xa4: {  	s25 =	simm.s32 $0x1B8E;
	s24 =	sld [smem:$0x3FFE];
	[sflag:s23] =	ssyncadd.s32 $0xFFFFFFFF  }
0xa5: {  	s26 =	simm.s32 $execute0_lowered;
	[smem:$0x3FD2] =	sst s25  }
0xa6: {  	s4 =	sshll.u32 s26, $0x1;
	_ =	strace $0x80000046;
	[dreg:$0x1] =	wrdreg $0xFFFFFFFF  }
0xa7: {  	s28 =	simm.s32 $_size_execute0_lowered;
	s2 =	sadd.s32 s2, s4;
	[dreg:$0x0] =	wrdreg $0x0  }
0xa8: {  	s4 =	sshll.u32 s28, $0x1;
	[dreg:$0x2] =	wrdreg s2  }
0xa9: {  	[dreg:$0x3] =	wrdreg s4  }
0xaa: {  	[dreg:$0x4] =	wrdreg $0xC0  }
0xab: {  	_ =	task [dreg:s6], $0x5FFFF  }
0xac: {  	[dreg:$0x1] =	wrdreg $0xFFFFFFFF  }
0xad: {  	[dreg:$0x0] =	wrdreg $0x60  }
0xae: {  	[dreg:$0x2] =	wrdreg s24  }
0xaf: {  	[dreg:$0x3] =	wrdreg $0x9  }
0xb0: {  	_ =	task.clear_ibuf [dreg:s6], $0x4FFFF;
	_ =	strace $0x90000046  }
0xb1: {  	s29 =	simm.s32 $0x9;
	_ =	strace $0x80000048  }
0xb2: {  	_ =	swait.ge [sflag:s29], $0x1  }
0xb3: {  	[sflag:s29] =	ssyncadd.s32 $0xFFFFFFFF  }
0xb4: {  	_ =	strace $0x90000048  }
0xb5: {  	_ =	sfence  }
0xb6: {  	s30 =	sld [smem:$0x0];
	_ =	sdelay $0x2  }
0xb7: {  	s31 =	sshll.u32 s1, $0xD;
	s1 =	sshrl.u32 s1, $0x2  }
0xb8: {  	s3 =	sand.u32 $0x4000, s31;
	s1 =	sadd.s32 s1, s30  }
0xb9: {  	s0 =	sor.u32 s3, s0;
	s1 =	sshll.u32 s1, $0x11  }
0xba: {  	s0 =	sor.u32 s1, s0  }
0xbb: {  	s0 =	sadd.s32 $0x8F2B, s0  }
0xbc: {  	[sflag:s0] =	ssyncadd.remote.s32 $0x1  }
0xbd: {  	_ =	sfence.sel $0xFFFF  }
0xbe: {  	[dreg:$0x0] =	wrdreg $0xFFFFFFFF;
	(pc) =	sbr.abs _section_cstart, $3  }
0xbf: {  	[dreg:$0x1] =	wrdreg $0xFFFFFFFF  }
0xc0: {  	_ =	task.clear_ibuf [dreg:s6], $0x2FFFF;
	_ =	strace $0x9FFFFFFF  }
0xc1: {  	(tm) =	ssettm $0x7FFFFFFF  }
tec
execute0_lowered:
.L_overlay_start_1:
0x0: {  	(tag) =	ssettag $0x1  }
0x1: {  	s1 =	srdreg.scid  }
0x2: {  	s0 =	stileid.u32;
	s14 =	sand.u32 $0x1, s1  }
0x3: {  	s8 =	rddreg [dreg:$0x0];
	s3 =	sshll.u32 s0, $0xE;
	s4 =	sshll.u32 s14, $0xD  }
0x4: {  	s2 =	simm.s32 $0x0;
	s1 =	rddreg [dreg:$0x1];
	s13 =	sor.u32 s4, s3  }
0x5: {  	[smem:$0x7FF] =	sst s2;
	s15 =	sadd.s32 $0x9200, s8;
	s3 =	sshrl.u32 s13, $0x3  }
0x6: {  	_ =	strace $0x80000047;
	s4 =	sadd.s32 s15, s3;
	s3 =	simm.s32 $0x2  }
0x7: {  	[tilespmem:s2], [sflag:$0x2] =	stream.linear.gather [hbm4b:s4+s2], $0x800, $0x38;
	[tilespmem:$0x8800] =	vst v63  }
0x8: {  	_ =	swait.ge [sflag:s3], $0x800  }
0x9: {  	s6 =	simm.s32 $0x800;
	[sflag:s3] =	ssyncset.done $0x0  }
0xa: {  	s7 =	simm.s32 $0x1;
	s5 =	sadd.s32 $0x11200, s8;
	[sflag:s3] =	ssyncadd.s32 $0xFFFFF800  }
0xb: {  	[tilespmem:s6], [sflag:$0x1] =	stream.indirect.gather [hbm4b:s5+s6], $0x10, s2, s6, $0xb8;
	[tilespmem:$0x8800] =	vst v63  }
0xc: {  	_ =	swait.ge [sflag:s7], $0x8000  }
0xd: {  	s16 =	sadd.s32 $0x31200, s8;
	s29 =	sshll.u32 s13, $0x1;
	[sflag:s7] =	ssyncset.done $0x0  }
0xe: {  	s8 =	sadd.s32 s16, s29;
	[sflag:s7] =	ssyncadd.s32 $0xFFFF8000  }
0xf: {  	[hbm4b:s8+s2] =	stream.linear.scatter [tilespmem:s6], [sflag:$0x2], $0x8000, $0x38;
	[tilespmem:$0x8800] =	vst v63  }
0x10: {  	s10 =	sor.u32 $0x800, s13;
	_ =	swait.ge [sflag:s3], $0x8000  }
0x11: {  	s9 =	sshrl.u32 s10, $0x3;
	[sflag:s3] =	ssyncset.done $0x0  }
0x12: {  	s9 =	sadd.s32 s15, s9;
	[sflag:s3] =	ssyncadd.s32 $0xFFFF8000  }
0x13: {  	[tilespmem:s2], [sflag:$0x2] =	stream.linear.gather [hbm4b:s9+s2], $0x800, $0x38;
	[tilespmem:$0x8800] =	vst v63  }
0x14: {  	_ =	swait.ge [sflag:s3], $0x800  }
0x15: {  	[sflag:s3] =	ssyncset.done $0x0  }
0x16: {  	[sflag:s3] =	ssyncadd.s32 $0xFFFFF800  }
0x17: {  	[tilespmem:s6], [sflag:$0x1] =	stream.indirect.gather [hbm4b:s5+s6], $0x10, s2, s6, $0xb8;
	[tilespmem:$0x8800] =	vst v63  }
0x18: {  	_ =	swait.ge [sflag:s7], $0x8000  }
0x19: {  	s10 =	sshll.u32 s10, $0x1;
	[sflag:s7] =	ssyncset.done $0x0  }
0x1a: {  	s10 =	sadd.s32 s16, s10;
	[sflag:s7] =	ssyncadd.s32 $0xFFFF8000  }
0x1b: {  	[hbm4b:s10+s2] =	stream.linear.scatter [tilespmem:s6], [sflag:$0x2], $0x8000, $0x38;
	[tilespmem:$0x8800] =	vst v63  }
0x1c: {  	s12 =	sor.u32 $0x1000, s13;
	_ =	swait.ge [sflag:s3], $0x8000  }
0x1d: {  	s11 =	sshrl.u32 s12, $0x3;
	[sflag:s3] =	ssyncset.done $0x0  }
0x1e: {  	s11 =	sadd.s32 s15, s11;
	[sflag:s3] =	ssyncadd.s32 $0xFFFF8000  }
0x1f: {  	[tilespmem:s2], [sflag:$0x2] =	stream.linear.gather [hbm4b:s11+s2], $0x800, $0x38;
	[tilespmem:$0x8800] =	vst v63  }
0x20: {  	_ =	swait.ge [sflag:s3], $0x800  }
0x21: {  	[sflag:s3] =	ssyncset.done $0x0  }
0x22: {  	[sflag:s3] =	ssyncadd.s32 $0xFFFFF800  }
0x23: {  	[tilespmem:s6], [sflag:$0x1] =	stream.indirect.gather [hbm4b:s5+s6], $0x10, s2, s6, $0xb8;
	[tilespmem:$0x8800] =	vst v63  }
0x24: {  	_ =	swait.ge [sflag:s7], $0x8000  }
0x25: {  	s12 =	sshll.u32 s12, $0x1;
	[sflag:s7] =	ssyncset.done $0x0  }
0x26: {  	s12 =	sadd.s32 s16, s12;
	[sflag:s7] =	ssyncadd.s32 $0xFFFF8000  }
0x27: {  	[hbm4b:s12+s2] =	stream.linear.scatter [tilespmem:s6], [sflag:$0x2], $0x8000, $0x38;
	[tilespmem:$0x8800] =	vst v63  }
0x28: {  	s17 =	sor.u32 $0x1800, s13;
	_ =	swait.ge [sflag:s3], $0x8000  }
0x29: {  	s13 =	sshrl.u32 s17, $0x3;
	[sflag:s3] =	ssyncset.done $0x0  }
0x2a: {  	s14 =	ssub.s32 $0x2, s14;
	s13 =	sadd.s32 s15, s13;
	[sflag:s3] =	ssyncadd.s32 $0xFFFF8000  }
0x2b: {  	[tilespmem:s2], [sflag:$0x2] =	stream.linear.gather [hbm4b:s13+s2], $0x800, $0x38;
	[tilespmem:$0x8800] =	vst v63  }
0x2c: {  	s30 =	sshrl.u32 s14, $0x1;
	_ =	swait.ge [sflag:s3], $0x800  }
0x2d: {  	s15 =	ssub.s32 s14, s30;
	[sflag:s3] =	ssyncset.done $0x0  }
0x2e: {  	s15 =	smax.u32 s15, $0x1;
	[sflag:s3] =	ssyncadd.s32 $0xFFFFF800  }
0x2f: {  	[tilespmem:s6], [sflag:$0x1] =	stream.indirect.gather [hbm4b:s5+s6], $0x10, s2, s6, $0xb8;
	[tilespmem:$0x8800] =	vst v63  }
0x30: {  	p0 =	sne.s32 s15, $0x1;
	_ =	swait.ge [sflag:s7], $0x8000  }
.Ltmp0:
0x31: {  	s31 =	sshll.u32 s17, $0x1;
	[sflag:s7] =	ssyncset.done $0x0;
	(pc) =	sbr.rel @!p0 .LBB2_2-.Ltmp0, $4  }
0x32: {  	s14 =	sadd.s32 s16, s31;
	[sflag:s7] =	ssyncadd.s32 $0xFFFF8000  }
0x33: {  	[hbm4b:s14+s2] =	stream.linear.scatter [tilespmem:s6], [sflag:$0x2], $0x8000, $0x38;
	[tilespmem:$0x8800] =	vst v63  }
0x34: {  	_ =	swait.ge [sflag:s3], $0x8000  }
0x35: {  	s15 =	sadd.s32 $0xFFFFFFFF, s15;
	[sflag:s3] =	ssyncset.done $0x0  }
.LBB2_1:
0x36: {  	p0 =	sne.s32 s15, $0x1;
	s15 =	sadd.s32 $0xFFFFFFFF, s15;
	[sflag:s3] =	ssyncadd.s32 $0xFFFF8000  }
0x37: {  	[tilespmem:s2], [sflag:$0x2] =	stream.linear.gather [hbm4b:s4+s2], $0x800, $0x38;
	[tilespmem:$0x8800] =	vst v63  }
0x38: {  	_ =	swait.ge [sflag:s3], $0x800  }
0x39: {  	[sflag:s3] =	ssyncset.done $0x0  }
0x3a: {  	[sflag:s3] =	ssyncadd.s32 $0xFFFFF800  }
0x3b: {  	[tilespmem:s6], [sflag:$0x1] =	stream.indirect.gather [hbm4b:s5+s6], $0x10, s2, s6, $0xb8;
	[tilespmem:$0x8800] =	vst v63  }
0x3c: {  	_ =	swait.ge [sflag:s7], $0x8000  }
0x3d: {  	[sflag:s7] =	ssyncset.done $0x0  }
0x3e: {  	[sflag:s7] =	ssyncadd.s32 $0xFFFF8000  }
0x3f: {  	[hbm4b:s8+s2] =	stream.linear.scatter [tilespmem:s6], [sflag:$0x2], $0x8000, $0x38;
	[tilespmem:$0x8800] =	vst v63  }
0x40: {  	_ =	swait.ge [sflag:s3], $0x8000  }
0x41: {  	[sflag:s3] =	ssyncset.done $0x0  }
0x42: {  	[sflag:s3] =	ssyncadd.s32 $0xFFFF8000  }
0x43: {  	[tilespmem:s2], [sflag:$0x2] =	stream.linear.gather [hbm4b:s9+s2], $0x800, $0x38;
	[tilespmem:$0x8800] =	vst v63  }
0x44: {  	_ =	swait.ge [sflag:s3], $0x800  }
0x45: {  	[sflag:s3] =	ssyncset.done $0x0  }
0x46: {  	[sflag:s3] =	ssyncadd.s32 $0xFFFFF800  }
0x47: {  	[tilespmem:s6], [sflag:$0x1] =	stream.indirect.gather [hbm4b:s5+s6], $0x10, s2, s6, $0xb8;
	[tilespmem:$0x8800] =	vst v63  }
0x48: {  	_ =	swait.ge [sflag:s7], $0x8000  }
0x49: {  	[sflag:s7] =	ssyncset.done $0x0  }
0x4a: {  	[sflag:s7] =	ssyncadd.s32 $0xFFFF8000  }
0x4b: {  	[hbm4b:s10+s2] =	stream.linear.scatter [tilespmem:s6], [sflag:$0x2], $0x8000, $0x38;
	[tilespmem:$0x8800] =	vst v63  }
0x4c: {  	_ =	swait.ge [sflag:s3], $0x8000  }
0x4d: {  	[sflag:s3] =	ssyncset.done $0x0  }
0x4e: {  	[sflag:s3] =	ssyncadd.s32 $0xFFFF8000  }
0x4f: {  	[tilespmem:s2], [sflag:$0x2] =	stream.linear.gather [hbm4b:s11+s2], $0x800, $0x38;
	[tilespmem:$0x8800] =	vst v63  }
0x50: {  	_ =	swait.ge [sflag:s3], $0x800  }
0x51: {  	[sflag:s3] =	ssyncset.done $0x0  }
0x52: {  	[sflag:s3] =	ssyncadd.s32 $0xFFFFF800  }
0x53: {  	[tilespmem:s6], [sflag:$0x1] =	stream.indirect.gather [hbm4b:s5+s6], $0x10, s2, s6, $0xb8;
	[tilespmem:$0x8800] =	vst v63  }
0x54: {  	_ =	swait.ge [sflag:s7], $0x8000  }
0x55: {  	[sflag:s7] =	ssyncset.done $0x0  }
0x56: {  	[sflag:s7] =	ssyncadd.s32 $0xFFFF8000  }
0x57: {  	[hbm4b:s12+s2] =	stream.linear.scatter [tilespmem:s6], [sflag:$0x2], $0x8000, $0x38;
	[tilespmem:$0x8800] =	vst v63  }
0x58: {  	_ =	swait.ge [sflag:s3], $0x8000  }
0x59: {  	[sflag:s3] =	ssyncset.done $0x0  }
0x5a: {  	[sflag:s3] =	ssyncadd.s32 $0xFFFF8000  }
0x5b: {  	[tilespmem:s2], [sflag:$0x2] =	stream.linear.gather [hbm4b:s13+s2], $0x800, $0x38;
	[tilespmem:$0x8800] =	vst v63  }
0x5c: {  	_ =	swait.ge [sflag:s3], $0x800  }
0x5d: {  	[sflag:s3] =	ssyncset.done $0x0  }
0x5e: {  	[sflag:s3] =	ssyncadd.s32 $0xFFFFF800  }
0x5f: {  	[tilespmem:s6], [sflag:$0x1] =	stream.indirect.gather [hbm4b:s5+s6], $0x10, s2, s6, $0xb8;
	[tilespmem:$0x8800] =	vst v63  }
0x60: {  	_ =	swait.ge [sflag:s7], $0x8000  }
.Ltmp1:
0x61: {  	[sflag:s7] =	ssyncset.done $0x0;
	(pc) =	sbr.rel @p0 .LBB2_1-.Ltmp1, $4  }
0x62: {  	[sflag:s7] =	ssyncadd.s32 $0xFFFF8000  }
0x63: {  	[hbm4b:s14+s2] =	stream.linear.scatter [tilespmem:s6], [sflag:$0x2], $0x8000, $0x38;
	[tilespmem:$0x8800] =	vst v63  }
0x64: {  	_ =	swait.ge [sflag:s3], $0x8000  }
0x65: {  	[sflag:s3] =	ssyncset.done $0x0  }
.LBB2_2:
0x66: {  	[sflag:s3] =	ssyncadd.s32 $0xFFFF8000  }
0x67: {  	_ =	sfence.sel $0x180000  }
0x68: {  	[bflag:$0x0] =	sbarrier.arrive $0xFFFF  }
0x69: {  	p0 =	sne.s32 s0, $0x0;
	_ =	strace $0x90000047  }
0x6a: {  	s0 =	sadd.s32 @!p0 $0x100000, s1;
	[bflag:$0x2] =	sbarrier.arrive $0xFFFF  }
0x6b: {  	[sflag:s0] =	ssyncadd.tile.s32 @!p0 $0x1;
	_ =	shalt  }
.Lfunc_end2:
_tile_overlayer_lowered:
.L_overlay_start_2:
0x6c: {  	(tag) =	ssettag $0x2  }
0x6d: {  	s0 =	rddreg [dreg:$0x0];
	s2 =	stileid.u32  }
0x6e: {  	s1 =	rddreg [dreg:$0x1];
	p0 =	sne.s32 s2, $0x0  }
0x6f: {  	s3 =	rddreg [dreg:$0x2];
	[bflag:$0x3] =	sbarrier.arrive $0xFFFF;
	s2 =	simm.s32 @!p0 $0x1C02  }
0x70: {  	[timem:s3], [sflag:s2] =	dma.local @!p0 [hbm:s0], s1  }
0x71: {  	s0 =	simm.s32 @!p0 $0x2  }
0x72: {  	_ =	swait.ge @!p0 [sflag:s0], s1  }
0x73: {  	s1 =	ssub.s32 @!p0 $0x0, s1;
	[sflag:s0] =	ssyncset.done @!p0 $0x0  }
0x74: {  	[sflag:s0] =	ssyncadd.s32 @!p0 s1  }
0x75: {  	[bflag:$0x3] =	sbarrier.arrive $0xFFFF  }
0x76: {  	_ =	shalt  }

</sc_bundles>
